<compile_context>
chip_gen: v7x
topology: tpu7x:2x2x1
jax: 0.10.2.dev20260603
libtpu: 0.0.44.dev20260713+nightly
codegen_flags: <defaults>
</compile_context>

<pallas_src>
import functools

import jax
import jax.numpy as jnp
from jax import lax
from jax.experimental import pallas as pl
from jax.experimental.pallas import tpu as pltpu
from jax.experimental.pallas import tpu_sc as plsc

Q = 128
D = 64
N = 1000000
VOCAB = 32000
BLK = 16384
NBLK = (N + BLK - 1) // BLK
NPAD = NBLK * BLK
G1 = 128
GPB = BLK // G1
NG1 = NPAD // G1
NVA = NG1 // 16
BIG = 1e30
BIGF = 3e38
BIGI = 1 << 30


def _tc_body(q_ref, kb_ref, s_ref, m1_ref):
    i = pl.program_id(0)
    q = q_ref[...]
    kb = kb_ref[...]
    dots = lax.dot_general(q, kb, (((1,), (0,)), ((), ())),
                           preferred_element_type=jnp.float32)
    qsq = jnp.sum(q * q, axis=1, keepdims=True)
    ksq = jnp.sum(kb * kb, axis=0)
    s = qsq + ksq[None, :] - 2.0 * dots
    gcol = i * BLK + lax.broadcasted_iota(jnp.int32, (1, BLK), 1)
    s = jnp.where(gcol >= N, BIG, s)
    s_ref[...] = s[None]
    m1_ref[...] = jnp.min(s.reshape(Q, BLK // G1, G1), axis=2)[None]


def _tc_dists(queries, keys):
    return pl.pallas_call(
        _tc_body,
        grid=(NBLK,),
        in_specs=[
            pl.BlockSpec((Q, D), lambda i: (0, 0)),
            pl.BlockSpec((D, BLK), lambda i: (0, i)),
        ],
        out_specs=[
            pl.BlockSpec((1, Q, BLK), lambda i: (i, 0, 0)),
            pl.BlockSpec((1, Q, BLK // G1), lambda i: (i, 0, 0)),
        ],
        out_shape=[
            jax.ShapeDtypeStruct((NBLK, Q, BLK), jnp.float32),
            jax.ShapeDtypeStruct((NBLK, Q, BLK // G1), jnp.float32),
        ],
        compiler_params=pltpu.CompilerParams(
            dimension_semantics=("arbitrary",)),
    )(queries, keys)


def _iota16():
    return lax.iota(jnp.int32, 16)


def _put1(ref, e, val):
    idx = jnp.full((16,), e, dtype=jnp.int32)
    v = jnp.full((16,), val, dtype=ref.dtype)
    plsc.store_scatter(ref, [idx], v, mask=_iota16() == 0)


def _build_mins(buf, mbuf, nw):
    iota = _iota16()

    def body(w, c):
        acc = jnp.full((16,), BIGF)
        for j in range(16):
            m = jnp.min(buf[pl.ds((w * 16 + j) * 16, 16)])
            acc = jnp.where(iota == j, m, acc)
        mbuf[pl.ds(w * 16, 16)] = acc
        return c
    lax.fori_loop(0, nw, body, jnp.int32(0))


def _build_mins2(mbuf, mbuf2):
    iota = _iota16()
    for half in range(2):
        acc = jnp.full((16,), BIGF)
        for j in range(16):
            m = jnp.min(mbuf[pl.ds((half * 16 + j) * 16, 16)])
            acc = jnp.where(iota == j, m, acc)
        mbuf2[pl.ds(half * 16, 16)] = acc


def _extract64(buf, mbuf, mbuf2, pos_ref, val_ref):
    iota = _iota16()

    def body(e, c):
        m2a = mbuf2[pl.ds(0, 16)]
        m2b = mbuf2[pl.ds(16, 16)]
        gmin = jnp.min(jnp.minimum(m2a, m2b))
        bw = jnp.minimum(
            jnp.where(m2a <= gmin, iota, BIGI),
            jnp.where(m2b <= gmin, 16 + iota, BIGI))
        wstar = jnp.min(bw)
        mv = mbuf[pl.ds(wstar * 16, 16)]
        mlane = jnp.min(jnp.where(mv <= gmin, iota, BIGI))
        vstar = wstar * 16 + mlane
        x = buf[pl.ds(vstar * 16, 16)]
        lane = jnp.min(jnp.where(x <= gmin, iota, BIGI))
        _put1(pos_ref, e, vstar * 16 + lane)
        if val_ref is not None:
            _put1(val_ref, e, gmin)
        x2 = jnp.where(iota == lane, BIGF, x)
        buf[pl.ds(vstar * 16, 16)] = x2
        mv2 = jnp.where(iota == mlane, jnp.min(x2), mv)
        mbuf[pl.ds(wstar * 16, 16)] = mv2
        _put1(mbuf2, wstar, jnp.min(mv2))
        return c
    lax.fori_loop(0, 64, body, jnp.int32(0))


def _sort64(src, dst):
    iota = _iota16()

    def body(e, c):
        mv = jnp.full((16,), BIGI)
        for j in range(4):
            mv = jnp.minimum(mv, src[pl.ds(j * 16, 16)])
        gm = jnp.min(mv)
        bv = jnp.full((16,), BIGI)
        for j in range(4):
            x = src[pl.ds(j * 16, 16)]
            bv = jnp.minimum(bv, jnp.where(x <= gm, j * 16 + iota, BIGI))
        ps = jnp.min(bv)
        _put1(dst, e, gm)
        _put1(src, ps, BIGI)
        return c
    lax.fori_loop(0, 64, body, jnp.int32(0))


def _sc_body(s2d, m1l, valsv, tvec, out,
             m1row, bbuf, vbuf, mbuf, mbuf2, posb, l1s, rowids, gidxb, dtop,
             prevtok, row, tv, sem, sem2, sem3):
    iota = _iota16()
    wid = lax.axis_index("s") * 2 + lax.axis_index("c")

    pltpu.sync_copy(tvec, tv)
    tvv = tv[pl.ds(0, 16)]

    def zbody(v, c):
        for j in range(16):
            row[pl.ds((v * 16 + j) * 16, 16)] = jnp.zeros((16,), jnp.float32)
        return c
    lax.fori_loop(0, VOCAB // 256, zbody, jnp.int32(0))

    pltpu.async_copy(m1l.at[pl.ds(wid * 4 * NG1, NG1)], m1row, sem2)

    def qbody(t, c0):
        q = wid * 4 + t

        pltpu.make_async_copy(m1l.at[pl.ds(0, NG1)], m1row, sem2).wait()
        _build_mins(m1row, mbuf, NVA // 16)
        mbuf[pl.ds(496, 16)] = jnp.full((16,), BIGF)
        _build_mins2(mbuf, mbuf2)
        _extract64(m1row, mbuf, mbuf2, posb, None)
        _sort64(posb, l1s)

        @pl.when(t < 3)
        def _():
            pltpu.async_copy(m1l.at[pl.ds((q + 1) * NG1, NG1)], m1row, sem2)

        def fire(e, c):
            lv = l1s[pl.ds((e >> 4) * 16, 16)]
            l1 = jnp.sum(jnp.where(iota == (e & 15), lv, 0))
            pltpu.async_copy(
                s2d.at[l1 // GPB, q, pl.ds((l1 % GPB) * G1, G1)],
                bbuf.at[pl.ds(e * G1, G1)], sem)
            return c
        lax.fori_loop(0, 64, fire, jnp.int32(0))

        def drain(e, c):
            pltpu.make_async_copy(s2d.at[0, 0, pl.ds(0, G1)],
                                  bbuf.at[pl.ds(0, G1)], sem).wait()
            return c
        lax.fori_loop(0, 64, drain, jnp.int32(0))

        _build_mins(bbuf, mbuf, 32)
        _build_mins2(mbuf, mbuf2)
        _extract64(bbuf, mbuf, mbuf2, posb, dtop)
        for j in range(4):
            pv = posb[pl.ds(j * 16, 16)]
            gv = plsc.load_gather(l1s, [pv >> 7]) * G1 + (pv & (G1 - 1))
            gidxb[pl.ds(j * 16, 16)] = gv
            rowids[pl.ds(j * 16, 16)] = gv >> 7

        pltpu.async_copy(valsv.at[rowids], vbuf, sem).wait()

        ls = [-dtop[pl.ds(j * 16, 16)] / tvv for j in range(4)]
        m = ls[0]
        for j in range(1, 4):
            m = jnp.maximum(m, ls[j])
        ms = jnp.max(m)
        ws = [jnp.exp(l - ms) for l in ls]
        z = ws[0]
        for j in range(1, 4):
            z = z + ws[j]
        zs = jnp.sum(z)

        @pl.when(t > 0)
        def _():
            pltpu.make_async_copy(row, out.at[0], sem3).wait()
            for j in range(4):
                pt = prevtok[pl.ds(j * 16, 16)]
                plsc.store_scatter(row, [pt], jnp.zeros((16,), jnp.float32))

        for j in range(4):
            gx = gidxb[pl.ds(j * 16, 16)]
            tok = plsc.load_gather(vbuf, [j * 16 + iota, gx & (G1 - 1)])
            plsc.addupdate_scatter(row, [tok], ws[j] / zs)
            prevtok[pl.ds(j * 16, 16)] = tok
        pltpu.async_copy(row, out.at[q], sem3)
        return c0

    lax.fori_loop(0, 4, qbody, jnp.int32(0))
    pltpu.make_async_copy(row, out.at[0], sem3).wait()


def _sc_select(s2d, m1l, valsv, tvec):
    mesh = plsc.VectorSubcoreMesh(core_axis_name="c", subcore_axis_name="s")
    kern = functools.partial(
        pl.kernel,
        out_type=jax.ShapeDtypeStruct((Q, VOCAB), jnp.float32),
        mesh=mesh,
        scratch_types=[
            pltpu.VMEM((NG1,), jnp.float32),
            pltpu.VMEM((64 * G1,), jnp.float32),
            pltpu.VMEM((64, G1), jnp.int32),
            pltpu.VMEM((512,), jnp.float32),
            pltpu.VMEM((32,), jnp.float32),
            pltpu.VMEM((64,), jnp.int32),
            pltpu.VMEM((64,), jnp.int32),
            pltpu.VMEM((64,), jnp.int32),
            pltpu.VMEM((64,), jnp.int32),
            pltpu.VMEM((64,), jnp.float32),
            pltpu.VMEM((64,), jnp.int32),
            pltpu.VMEM((VOCAB,), jnp.float32),
            pltpu.VMEM((16,), jnp.float32),
            pltpu.SemaphoreType.DMA,
            pltpu.SemaphoreType.DMA,
            pltpu.SemaphoreType.DMA,
        ],
        compiler_params=pltpu.CompilerParams(needs_layout_passes=False),
    )(_sc_body)
    return kern(s2d, m1l, valsv, tvec)


def kernel(queries, keys, values, k, temperature):
    del k
    tvec = jnp.full((16,), temperature, dtype=jnp.float32)
    s, m1 = _tc_dists(queries, keys.T)
    m1l = m1.transpose(1, 0, 2).reshape(Q * NG1)
    valsv = jnp.pad(values.astype(jnp.int32), (0, NPAD - N)).reshape(NG1, G1)
    return _sc_select(s, m1l, valsv, tvec)

# --- scband reference (transcript-rebuilt; emitter-appended) ---
"""Pipeline reference for scband-no-arg-knn-19748259627174 (READ-ONLY COPY).

The authoritative reference and input builder live on the scoring server;
editing this copy changes nothing except your own understanding.
"""

import jax, jax.numpy as jnp
import numpy as np

VOCAB_OUT = 32000

def setup_inputs(seed: int = 0) -> dict:
    key = jax.random.key(seed)
    k1, k2, k3 = jax.random.split(key, 3)
    queries = jax.random.normal(k1, (128, 64), dtype=jnp.float32)
    keys = jax.random.normal(k2, (1000000, 64), dtype=jnp.float32)
    values = jax.random.randint(k3, (1000000,), 0, VOCAB_OUT, dtype=jnp.int64 if jax.config.jax_enable_x64 else jnp.int32)
    return {"queries": queries, "keys": keys, "values": values, "k": 64, "temperature": 10}

def reference(queries, keys, values, k, temperature):
    # NoArgKNN.get_knn_prob: knn_store.get_knns(queries, k) -> (dists, knns);
    # then knn_store.get_knn_prob(dists, knns, temperature) -> per-vocab kNN probability (kNN-LM style).
    Q = queries.shape[0]
    k_static = queries.shape[1]
    # squared L2 distances between queries and datastore keys
    q_sq = jnp.sum(queries * queries, axis=1, keepdims=True)          # [Q, 1]
    k_sq = jnp.sum(keys * keys, axis=1)                                # [K]
    dots = queries @ keys.T                                            # [Q, K]
    dists = q_sq + k_sq[None, :] - 2.0 * dots + (k * 0)                # [Q, K]
    # k nearest neighbors (smallest distance) via top_k on negated distances
    neg_top, knns = jax.lax.top_k(-dists, k_static)                    # [Q, k]
    knn_dists = -neg_top                                               # [Q, k]
    # softmax over -d / T
    logits = -knn_dists / temperature
    probs = jax.nn.softmax(logits, axis=-1)                            # [Q, k]
    # gather datastore token values for the retrieved neighbors
    tok = jnp.take(values, knns, axis=0)                               # [Q, k]
    # scatter-add neighbor probabilities into output vocabulary
    knn_prob = jnp.zeros((Q, VOCAB_OUT), dtype=probs.dtype)
    row_idx = jnp.arange(Q)[:, None]
    knn_prob = knn_prob.at[row_idx, tok].add(probs)
    return knn_prob

if __name__ == "__main__":
    import jax
    _d = setup_inputs()
    print(jax.jit(kernel)(*tuple(_d.values())))

</pallas_src>

<mosaic_0001>
#map = affine_map<(d0, d1) -> (0, 0, 0)>
#map1 = affine_map<(d0, d1) -> (0)>
#map2 = affine_map<(d0, d1) -> (0, 0)>
module attributes {stable_mosaic.version = 14 : i64} {
  func.func @_sc_body(%arg0: i32, %arg1: i32, %arg2: memref<62x128x16384xf32, #tpu.memory_space<hbm>>, %arg3: memref<1015808xf32, #tpu.memory_space<hbm>>, %arg4: memref<7936x128xi32, #tpu.memory_space<hbm>>, %arg5: memref<16xf32, #tpu.memory_space<hbm>>, %arg6: memref<128x32000xf32, #tpu.memory_space<hbm>>, %arg7: memref<7936xf32, #tpu.memory_space<vmem>>, %arg8: memref<8192xf32, #tpu.memory_space<vmem>>, %arg9: memref<64x128xi32, #tpu.memory_space<vmem>>, %arg10: memref<512xf32, #tpu.memory_space<vmem>>, %arg11: memref<32xf32, #tpu.memory_space<vmem>>, %arg12: memref<64xi32, #tpu.memory_space<vmem>>, %arg13: memref<64xi32, #tpu.memory_space<vmem>>, %arg14: memref<64xi32, #tpu.memory_space<vmem>>, %arg15: memref<64xi32, #tpu.memory_space<vmem>>, %arg16: memref<64xf32, #tpu.memory_space<vmem>>, %arg17: memref<64xi32, #tpu.memory_space<vmem>>, %arg18: memref<32000xf32, #tpu.memory_space<vmem>>, %arg19: memref<16xf32, #tpu.memory_space<vmem>>, %arg20: memref<!tpu.dma_semaphore, #tpu.memory_space<semaphore_mem>>, %arg21: memref<!tpu.dma_semaphore, #tpu.memory_space<semaphore_mem>>, %arg22: memref<!tpu.dma_semaphore, #tpu.memory_space<semaphore_mem>>) attributes {dimension_semantics = [#tpu.dimension_semantics<core_parallel>, #tpu.dimension_semantics<subcore_parallel>], iteration_bounds = array<i64: 2, 16>, scalar_prefetch = 0 : i64, scratch_operands = 16 : i64, tpu.core_type = #tpu.core_type<sc_vector_subcore>, window_params = [{transform_indices = #map}, {transform_indices = #map1}, {transform_indices = #map2}, {transform_indices = #map1}, {transform_indices = #map2}]} {
    %iota3A = tpu.iota {dimensions = array<i32: 0>} : vector<16xi32>
    %mul3A = arith.constant 2 : i32
    %mul3A_0 = arith.muli %arg1, %mul3A : i32
    %add3A = arith.addi %mul3A_0, %arg0 : i32
    "tpu.region"() ({
      %run_scoped3A = tpu.sem_alloc : memref<!tpu.dma_semaphore, #tpu.memory_space<semaphore_mem>>
      tpu.enqueue_dma source(%arg5 : memref<16xf32, #tpu.memory_space<hbm>>) target(%arg19 : memref<16xf32, #tpu.memory_space<vmem>>) target_semaphore(%run_scoped3A : memref<!tpu.dma_semaphore, #tpu.memory_space<semaphore_mem>>)
      tpu.wait_dma2 semaphore(%run_scoped3A : memref<!tpu.dma_semaphore, #tpu.memory_space<semaphore_mem>>) src(%arg5 : memref<16xf32, #tpu.memory_space<hbm>>) dst(%arg19 : memref<16xf32, #tpu.memory_space<vmem>>)
      tpu.yield
    }) : () -> ()
    %get3A = arith.constant 0 : index
    %get3A_1 = tpu.vector_load %arg19[%get3A] {strides = array<i32>} : memref<16xf32, #tpu.memory_space<vmem>>, vector<16xf32>,
    %scan3A = arith.constant 0 : i32
    %scan3A_2 = arith.constant 0 : i32
    %scan3A_3 = arith.constant 125 : i32
    %scan3A_4 = arith.addi %scan3A_2, %scan3A_3 : i32
    %scan3A_5 = arith.constant 1 : i32
    scf.for %scan3A_24 = %scan3A_2 to %scan3A_4 step %scan3A_5  : i32 {
      %broadcast_in_dim3A = arith.constant 0.000000e+00 : f32
      %broadcast_in_dim3A_25 = vector.broadcast %broadcast_in_dim3A : f32 to vector<16xf32>
      %mul3A_26 = arith.constant 16 : i32
      %mul3A_27 = arith.muli %scan3A_24, %mul3A_26 : i32
      %add3A_28 = arith.constant 0 : i32
      %add3A_29 = arith.addi %mul3A_27, %add3A_28 : i32
      %mul3A_30 = arith.constant 16 : i32
      %mul3A_31 = arith.muli %add3A_29, %mul3A_30 : i32
      %swap3A = arith.index_cast %mul3A_31 : i32 to index
      %swap3A_32 = tpu.vector_load %arg18[%swap3A] {strides = array<i32>} : memref<32000xf32, #tpu.memory_space<vmem>>, vector<16xf32>,
      tpu.vector_store %arg18[%swap3A], %broadcast_in_dim3A_25 {strides = array<i32>} : memref<32000xf32, #tpu.memory_space<vmem>>, vector<16xf32>,
      %broadcast_in_dim3A_33 = arith.constant 0.000000e+00 : f32
      %broadcast_in_dim3A_34 = vector.broadcast %broadcast_in_dim3A_33 : f32 to vector<16xf32>
      %mul3A_35 = arith.constant 16 : i32
      %mul3A_36 = arith.muli %scan3A_24, %mul3A_35 : i32
      %add3A_37 = arith.constant 1 : i32
      %add3A_38 = arith.addi %mul3A_36, %add3A_37 : i32
      %mul3A_39 = arith.constant 16 : i32
      %mul3A_40 = arith.muli %add3A_38, %mul3A_39 : i32
      %swap3A_41 = arith.index_cast %mul3A_40 : i32 to index
      %swap3A_42 = tpu.vector_load %arg18[%swap3A_41] {strides = array<i32>} : memref<32000xf32, #tpu.memory_space<vmem>>, vector<16xf32>,
      tpu.vector_store %arg18[%swap3A_41], %broadcast_in_dim3A_34 {strides = array<i32>} : memref<32000xf32, #tpu.memory_space<vmem>>, vector<16xf32>,
      %broadcast_in_dim3A_43 = arith.constant 0.000000e+00 : f32
      %broadcast_in_dim3A_44 = vector.broadcast %broadcast_in_dim3A_43 : f32 to vector<16xf32>
      %mul3A_45 = arith.constant 16 : i32
      %mul3A_46 = arith.muli %scan3A_24, %mul3A_45 : i32
      %add3A_47 = arith.constant 2 : i32
      %add3A_48 = arith.addi %mul3A_46, %add3A_47 : i32
      %mul3A_49 = arith.constant 16 : i32
      %mul3A_50 = arith.muli %add3A_48, %mul3A_49 : i32
      %swap3A_51 = arith.index_cast %mul3A_50 : i32 to index
      %swap3A_52 = tpu.vector_load %arg18[%swap3A_51] {strides = array<i32>} : memref<32000xf32, #tpu.memory_space<vmem>>, vector<16xf32>,
      tpu.vector_store %arg18[%swap3A_51], %broadcast_in_dim3A_44 {strides = array<i32>} : memref<32000xf32, #tpu.memory_space<vmem>>, vector<16xf32>,
      %broadcast_in_dim3A_53 = arith.constant 0.000000e+00 : f32
      %broadcast_in_dim3A_54 = vector.broadcast %broadcast_in_dim3A_53 : f32 to vector<16xf32>
      %mul3A_55 = arith.constant 16 : i32
      %mul3A_56 = arith.muli %scan3A_24, %mul3A_55 : i32
      %add3A_57 = arith.constant 3 : i32
      %add3A_58 = arith.addi %mul3A_56, %add3A_57 : i32
      %mul3A_59 = arith.constant 16 : i32
      %mul3A_60 = arith.muli %add3A_58, %mul3A_59 : i32
      %swap3A_61 = arith.index_cast %mul3A_60 : i32 to index
      %swap3A_62 = tpu.vector_load %arg18[%swap3A_61] {strides = array<i32>} : memref<32000xf32, #tpu.memory_space<vmem>>, vector<16xf32>,
      tpu.vector_store %arg18[%swap3A_61], %broadcast_in_dim3A_54 {strides = array<i32>} : memref<32000xf32, #tpu.memory_space<vmem>>, vector<16xf32>,
      %broadcast_in_dim3A_63 = arith.constant 0.000000e+00 : f32
      %broadcast_in_dim3A_64 = vector.broadcast %broadcast_in_dim3A_63 : f32 to vector<16xf32>
      %mul3A_65 = arith.constant 16 : i32
      %mul3A_66 = arith.muli %scan3A_24, %mul3A_65 : i32
      %add3A_67 = arith.constant 4 : i32
      %add3A_68 = arith.addi %mul3A_66, %add3A_67 : i32
      %mul3A_69 = arith.constant 16 : i32
      %mul3A_70 = arith.muli %add3A_68, %mul3A_69 : i32
      %swap3A_71 = arith.index_cast %mul3A_70 : i32 to index
      %swap3A_72 = tpu.vector_load %arg18[%swap3A_71] {strides = array<i32>} : memref<32000xf32, #tpu.memory_space<vmem>>, vector<16xf32>,
      tpu.vector_store %arg18[%swap3A_71], %broadcast_in_dim3A_64 {strides = array<i32>} : memref<32000xf32, #tpu.memory_space<vmem>>, vector<16xf32>,
      %broadcast_in_dim3A_73 = arith.constant 0.000000e+00 : f32
      %broadcast_in_dim3A_74 = vector.broadcast %broadcast_in_dim3A_73 : f32 to vector<16xf32>
      %mul3A_75 = arith.constant 16 : i32
      %mul3A_76 = arith.muli %scan3A_24, %mul3A_75 : i32
      %add3A_77 = arith.constant 5 : i32
      %add3A_78 = arith.addi %mul3A_76, %add3A_77 : i32
      %mul3A_79 = arith.constant 16 : i32
      %mul3A_80 = arith.muli %add3A_78, %mul3A_79 : i32
      %swap3A_81 = arith.index_cast %mul3A_80 : i32 to index
      %swap3A_82 = tpu.vector_load %arg18[%swap3A_81] {strides = array<i32>} : memref<32000xf32, #tpu.memory_space<vmem>>, vector<16xf32>,
      tpu.vector_store %arg18[%swap3A_81], %broadcast_in_dim3A_74 {strides = array<i32>} : memref<32000xf32, #tpu.memory_space<vmem>>, vector<16xf32>,
      %broadcast_in_dim3A_83 = arith.constant 0.000000e+00 : f32
      %broadcast_in_dim3A_84 = vector.broadcast %broadcast_in_dim3A_83 : f32 to vector<16xf32>
      %mul3A_85 = arith.constant 16 : i32
      %mul3A_86 = arith.muli %scan3A_24, %mul3A_85 : i32
      %add3A_87 = arith.constant 6 : i32
      %add3A_88 = arith.addi %mul3A_86, %add3A_87 : i32
      %mul3A_89 = arith.constant 16 : i32
      %mul3A_90 = arith.muli %add3A_88, %mul3A_89 : i32
      %swap3A_91 = arith.index_cast %mul3A_90 : i32 to index
      %swap3A_92 = tpu.vector_load %arg18[%swap3A_91] {strides = array<i32>} : memref<32000xf32, #tpu.memory_space<vmem>>, vector<16xf32>,
      tpu.vector_store %arg18[%swap3A_91], %broadcast_in_dim3A_84 {strides = array<i32>} : memref<32000xf32, #tpu.memory_space<vmem>>, vector<16xf32>,
      %broadcast_in_dim3A_93 = arith.constant 0.000000e+00 : f32
      %broadcast_in_dim3A_94 = vector.broadcast %broadcast_in_dim3A_93 : f32 to vector<16xf32>
      %mul3A_95 = arith.constant 16 : i32
      %mul3A_96 = arith.muli %scan3A_24, %mul3A_95 : i32
      %add3A_97 = arith.constant 7 : i32
      %add3A_98 = arith.addi %mul3A_96, %add3A_97 : i32
      %mul3A_99 = arith.constant 16 : i32
      %mul3A_100 = arith.muli %add3A_98, %mul3A_99 : i32
      %swap3A_101 = arith.index_cast %mul3A_100 : i32 to index
      %swap3A_102 = tpu.vector_load %arg18[%swap3A_101] {strides = array<i32>} : memref<32000xf32, #tpu.memory_space<vmem>>, vector<16xf32>,
      tpu.vector_store %arg18[%swap3A_101], %broadcast_in_dim3A_94 {strides = array<i32>} : memref<32000xf32, #tpu.memory_space<vmem>>, vector<16xf32>,
      %broadcast_in_dim3A_103 = arith.constant 0.000000e+00 : f32
      %broadcast_in_dim3A_104 = vector.broadcast %broadcast_in_dim3A_103 : f32 to vector<16xf32>
      %mul3A_105 = arith.constant 16 : i32
      %mul3A_106 = arith.muli %scan3A_24, %mul3A_105 : i32
      %add3A_107 = arith.constant 8 : i32
      %add3A_108 = arith.addi %mul3A_106, %add3A_107 : i32
      %mul3A_109 = arith.constant 16 : i32
      %mul3A_110 = arith.muli %add3A_108, %mul3A_109 : i32
      %swap3A_111 = arith.index_cast %mul3A_110 : i32 to index
      %swap3A_112 = tpu.vector_load %arg18[%swap3A_111] {strides = array<i32>} : memref<32000xf32, #tpu.memory_space<vmem>>, vector<16xf32>,
      tpu.vector_store %arg18[%swap3A_111], %broadcast_in_dim3A_104 {strides = array<i32>} : memref<32000xf32, #tpu.memory_space<vmem>>, vector<16xf32>,
      %broadcast_in_dim3A_113 = arith.constant 0.000000e+00 : f32
      %broadcast_in_dim3A_114 = vector.broadcast %broadcast_in_dim3A_113 : f32 to vector<16xf32>
      %mul3A_115 = arith.constant 16 : i32
      %mul3A_116 = arith.muli %scan3A_24, %mul3A_115 : i32
      %add3A_117 = arith.constant 9 : i32
      %add3A_118 = arith.addi %mul3A_116, %add3A_117 : i32
      %mul3A_119 = arith.constant 16 : i32
      %mul3A_120 = arith.muli %add3A_118, %mul3A_119 : i32
      %swap3A_121 = arith.index_cast %mul3A_120 : i32 to index
      %swap3A_122 = tpu.vector_load %arg18[%swap3A_121] {strides = array<i32>} : memref<32000xf32, #tpu.memory_space<vmem>>, vector<16xf32>,
      tpu.vector_store %arg18[%swap3A_121], %broadcast_in_dim3A_114 {strides = array<i32>} : memref<32000xf32, #tpu.memory_space<vmem>>, vector<16xf32>,
      %broadcast_in_dim3A_123 = arith.constant 0.000000e+00 : f32
      %broadcast_in_dim3A_124 = vector.broadcast %broadcast_in_dim3A_123 : f32 to vector<16xf32>
      %mul3A_125 = arith.constant 16 : i32
      %mul3A_126 = arith.muli %scan3A_24, %mul3A_125 : i32
      %add3A_127 = arith.constant 10 : i32
      %add3A_128 = arith.addi %mul3A_126, %add3A_127 : i32
      %mul3A_129 = arith.constant 16 : i32
      %mul3A_130 = arith.muli %add3A_128, %mul3A_129 : i32
      %swap3A_131 = arith.index_cast %mul3A_130 : i32 to index
      %swap3A_132 = tpu.vector_load %arg18[%swap3A_131] {strides = array<i32>} : memref<32000xf32, #tpu.memory_space<vmem>>, vector<16xf32>,
      tpu.vector_store %arg18[%swap3A_131], %broadcast_in_dim3A_124 {strides = array<i32>} : memref<32000xf32, #tpu.memory_space<vmem>>, vector<16xf32>,
      %broadcast_in_dim3A_133 = arith.constant 0.000000e+00 : f32
      %broadcast_in_dim3A_134 = vector.broadcast %broadcast_in_dim3A_133 : f32 to vector<16xf32>
      %mul3A_135 = arith.constant 16 : i32
      %mul3A_136 = arith.muli %scan3A_24, %mul3A_135 : i32
      %add3A_137 = arith.constant 11 : i32
      %add3A_138 = arith.addi %mul3A_136, %add3A_137 : i32
      %mul3A_139 = arith.constant 16 : i32
      %mul3A_140 = arith.muli %add3A_138, %mul3A_139 : i32
      %swap3A_141 = arith.index_cast %mul3A_140 : i32 to index
      %swap3A_142 = tpu.vector_load %arg18[%swap3A_141] {strides = array<i32>} : memref<32000xf32, #tpu.memory_space<vmem>>, vector<16xf32>,
      tpu.vector_store %arg18[%swap3A_141], %broadcast_in_dim3A_134 {strides = array<i32>} : memref<32000xf32, #tpu.memory_space<vmem>>, vector<16xf32>,
      %broadcast_in_dim3A_143 = arith.constant 0.000000e+00 : f32
      %broadcast_in_dim3A_144 = vector.broadcast %broadcast_in_dim3A_143 : f32 to vector<16xf32>
      %mul3A_145 = arith.constant 16 : i32
      %mul3A_146 = arith.muli %scan3A_24, %mul3A_145 : i32
      %add3A_147 = arith.constant 12 : i32
      %add3A_148 = arith.addi %mul3A_146, %add3A_147 : i32
      %mul3A_149 = arith.constant 16 : i32
      %mul3A_150 = arith.muli %add3A_148, %mul3A_149 : i32
      %swap3A_151 = arith.index_cast %mul3A_150 : i32 to index
      %swap3A_152 = tpu.vector_load %arg18[%swap3A_151] {strides = array<i32>} : memref<32000xf32, #tpu.memory_space<vmem>>, vector<16xf32>,
      tpu.vector_store %arg18[%swap3A_151], %broadcast_in_dim3A_144 {strides = array<i32>} : memref<32000xf32, #tpu.memory_space<vmem>>, vector<16xf32>,
      %broadcast_in_dim3A_153 = arith.constant 0.000000e+00 : f32
      %broadcast_in_dim3A_154 = vector.broadcast %broadcast_in_dim3A_153 : f32 to vector<16xf32>
      %mul3A_155 = arith.constant 16 : i32
      %mul3A_156 = arith.muli %scan3A_24, %mul3A_155 : i32
      %add3A_157 = arith.constant 13 : i32
      %add3A_158 = arith.addi %mul3A_156, %add3A_157 : i32
      %mul3A_159 = arith.constant 16 : i32
      %mul3A_160 = arith.muli %add3A_158, %mul3A_159 : i32
      %swap3A_161 = arith.index_cast %mul3A_160 : i32 to index
      %swap3A_162 = tpu.vector_load %arg18[%swap3A_161] {strides = array<i32>} : memref<32000xf32, #tpu.memory_space<vmem>>, vector<16xf32>,
      tpu.vector_store %arg18[%swap3A_161], %broadcast_in_dim3A_154 {strides = array<i32>} : memref<32000xf32, #tpu.memory_space<vmem>>, vector<16xf32>,
      %broadcast_in_dim3A_163 = arith.constant 0.000000e+00 : f32
      %broadcast_in_dim3A_164 = vector.broadcast %broadcast_in_dim3A_163 : f32 to vector<16xf32>
      %mul3A_165 = arith.constant 16 : i32
      %mul3A_166 = arith.muli %scan3A_24, %mul3A_165 : i32
      %add3A_167 = arith.constant 14 : i32
      %add3A_168 = arith.addi %mul3A_166, %add3A_167 : i32
      %mul3A_169 = arith.constant 16 : i32
      %mul3A_170 = arith.muli %add3A_168, %mul3A_169 : i32
      %swap3A_171 = arith.index_cast %mul3A_170 : i32 to index
      %swap3A_172 = tpu.vector_load %arg18[%swap3A_171] {strides = array<i32>} : memref<32000xf32, #tpu.memory_space<vmem>>, vector<16xf32>,
      tpu.vector_store %arg18[%swap3A_171], %broadcast_in_dim3A_164 {strides = array<i32>} : memref<32000xf32, #tpu.memory_space<vmem>>, vector<16xf32>,
      %broadcast_in_dim3A_173 = arith.constant 0.000000e+00 : f32
      %broadcast_in_dim3A_174 = vector.broadcast %broadcast_in_dim3A_173 : f32 to vector<16xf32>
      %mul3A_175 = arith.constant 16 : i32
      %mul3A_176 = arith.muli %scan3A_24, %mul3A_175 : i32
      %add3A_177 = arith.constant 15 : i32
      %add3A_178 = arith.addi %mul3A_176, %add3A_177 : i32
      %mul3A_179 = arith.constant 16 : i32
      %mul3A_180 = arith.muli %add3A_178, %mul3A_179 : i32
      %swap3A_181 = arith.index_cast %mul3A_180 : i32 to index
      %swap3A_182 = tpu.vector_load %arg18[%swap3A_181] {strides = array<i32>} : memref<32000xf32, #tpu.memory_space<vmem>>, vector<16xf32>,
      tpu.vector_store %arg18[%swap3A_181], %broadcast_in_dim3A_174 {strides = array<i32>} : memref<32000xf32, #tpu.memory_space<vmem>>, vector<16xf32>,
    }
    %scan3A_6 = arith.constant 125 : i32
    %mul3A_7 = arith.constant 4 : i32
    %mul3A_8 = arith.muli %add3A, %mul3A_7 : i32
    %mul3A_9 = arith.constant 7936 : i32
    %mul3A_10 = arith.muli %mul3A_8, %mul3A_9 : i32
    %dma_start3A = tpu.memref_slice %arg3[%mul3A_10] : memref<1015808xf32, #tpu.memory_space<hbm>> -> memref<7936xf32, #tpu.memory_space<hbm>>
    %dma_start3A_11 = tpu.memref_slice %arg3[%mul3A_10] : memref<1015808xf32, #tpu.memory_space<hbm>> -> memref<7936xf32, #tpu.memory_space<hbm>>
    tpu.enqueue_dma source(%dma_start3A_11 : memref<7936xf32, #tpu.memory_space<hbm>>) target(%arg7 : memref<7936xf32, #tpu.memory_space<vmem>>) target_semaphore(%arg21 : memref<!tpu.dma_semaphore, #tpu.memory_space<semaphore_mem>>)
    %scan3A_12 = arith.constant 0 : i32
    %scan3A_13 = arith.constant 0 : i32
    %scan3A_14 = arith.constant 4 : i32
    %scan3A_15 = arith.addi %scan3A_13, %scan3A_14 : i32
    %scan3A_16 = arith.constant 1 : i32
    scf.for %scan3A_24 = %scan3A_13 to %scan3A_15 step %scan3A_16  : i32 {
      %mul3A_25 = arith.constant 4 : i32
      %mul3A_26 = arith.muli %add3A, %mul3A_25 : i32
      %add3A_27 = arith.addi %mul3A_26, %scan3A_24 : i32
      %dma_wait3A_28 = arith.constant 0 : i32
      %dma_wait3A_29 = tpu.memref_slice %arg3[%dma_wait3A_28] : memref<1015808xf32, #tpu.memory_space<hbm>> -> memref<7936xf32, #tpu.memory_space<hbm>>
      %dma_wait3A_30 = arith.constant 0 : i32
      %dma_wait3A_31 = tpu.memref_slice %arg3[%dma_wait3A_30] : memref<1015808xf32, #tpu.memory_space<hbm>> -> memref<7936xf32, #tpu.memory_space<hbm>>
      tpu.wait_dma2 semaphore(%arg21 : memref<!tpu.dma_semaphore, #tpu.memory_space<semaphore_mem>>) src(%dma_wait3A_31 : memref<7936xf32, #tpu.memory_space<hbm>>) dst(%arg7 : memref<7936xf32, #tpu.memory_space<vmem>>)
      %iota3A_32 = tpu.iota {dimensions = array<i32: 0>} : vector<16xi32>
      %scan3A_33 = arith.constant 0 : i32
      %scan3A_34 = arith.constant 0 : i32
      %scan3A_35 = arith.constant 31 : i32
      %scan3A_36 = arith.addi %scan3A_34, %scan3A_35 : i32
      %scan3A_37 = arith.constant 1 : i32
      scf.for %scan3A_990 = %scan3A_34 to %scan3A_36 step %scan3A_37  : i32 {
        %broadcast_in_dim3A_991 = arith.constant 3.000000e+38 : f32
        %broadcast_in_dim3A_992 = vector.broadcast %broadcast_in_dim3A_991 : f32 to vector<16xf32>
        %mul3A_993 = arith.constant 16 : i32
        %mul3A_994 = arith.muli %scan3A_990, %mul3A_993 : i32
        %add3A_995 = arith.constant 0 : i32
        %add3A_996 = arith.addi %mul3A_994, %add3A_995 : i32
        %mul3A_997 = arith.constant 16 : i32
        %mul3A_998 = arith.muli %add3A_996, %mul3A_997 : i32
        %get3A_999 = arith.index_cast %mul3A_998 : i32 to index
        %get3A_1000 = tpu.vector_load %arg7[%get3A_999] {strides = array<i32>} : memref<7936xf32, #tpu.memory_space<vmem>>, vector<16xf32>,
        %reduce_min3A_1001 = arith.constant true
        %reduce_min3A_1002 = vector.broadcast %reduce_min3A_1001 : i1 to vector<16xi1>
        %reduce_min3A_1003 = tpu.scan <min>, %get3A_1000 masked %reduce_min3A_1002 : vector<16xf32>, vector<16xi1> -> vector<16xf32>
        %reduce_min3A_1004 = vector.extract %reduce_min3A_1003[15] : f32 from vector<16xf32>
        %eq3A_1005 = arith.constant 0 : i32
        %eq3A_1006 = vector.broadcast %eq3A_1005 : i32 to vector<16xi32>
        %eq3A_1007 = arith.cmpi eq, %iota3A_32, %eq3A_1006 : vector<16xi32>
        %broadcast_in_dim3A_1008 = vector.broadcast %reduce_min3A_1004 : f32 to vector<16xf32>
        %select_n3A_1009 = arith.select %eq3A_1007, %broadcast_in_dim3A_1008, %broadcast_in_dim3A_992 : vector<16xi1>, vector<16xf32>
        %mul3A_1010 = arith.constant 16 : i32
        %mul3A_1011 = arith.muli %scan3A_990, %mul3A_1010 : i32
        %add3A_1012 = arith.constant 1 : i32
        %add3A_1013 = arith.addi %mul3A_1011, %add3A_1012 : i32
        %mul3A_1014 = arith.constant 16 : i32
        %mul3A_1015 = arith.muli %add3A_1013, %mul3A_1014 : i32
        %get3A_1016 = arith.index_cast %mul3A_1015 : i32 to index
        %get3A_1017 = tpu.vector_load %arg7[%get3A_1016] {strides = array<i32>} : memref<7936xf32, #tpu.memory_space<vmem>>, vector<16xf32>,
        %reduce_min3A_1018 = arith.constant true
        %reduce_min3A_1019 = vector.broadcast %reduce_min3A_1018 : i1 to vector<16xi1>
        %reduce_min3A_1020 = tpu.scan <min>, %get3A_1017 masked %reduce_min3A_1019 : vector<16xf32>, vector<16xi1> -> vector<16xf32>
        %reduce_min3A_1021 = vector.extract %reduce_min3A_1020[15] : f32 from vector<16xf32>
        %eq3A_1022 = arith.constant 1 : i32
        %eq3A_1023 = vector.broadcast %eq3A_1022 : i32 to vector<16xi32>
        %eq3A_1024 = arith.cmpi eq, %iota3A_32, %eq3A_1023 : vector<16xi32>
        %broadcast_in_dim3A_1025 = vector.broadcast %reduce_min3A_1021 : f32 to vector<16xf32>
        %select_n3A_1026 = arith.select %eq3A_1024, %broadcast_in_dim3A_1025, %select_n3A_1009 : vector<16xi1>, vector<16xf32>
        %mul3A_1027 = arith.constant 16 : i32
        %mul3A_1028 = arith.muli %scan3A_990, %mul3A_1027 : i32
        %add3A_1029 = arith.constant 2 : i32
        %add3A_1030 = arith.addi %mul3A_1028, %add3A_1029 : i32
        %mul3A_1031 = arith.constant 16 : i32
        %mul3A_1032 = arith.muli %add3A_1030, %mul3A_1031 : i32
        %get3A_1033 = arith.index_cast %mul3A_1032 : i32 to index
        %get3A_1034 = tpu.vector_load %arg7[%get3A_1033] {strides = array<i32>} : memref<7936xf32, #tpu.memory_space<vmem>>, vector<16xf32>,
        %reduce_min3A_1035 = arith.constant true
        %reduce_min3A_1036 = vector.broadcast %reduce_min3A_1035 : i1 to vector<16xi1>
        %reduce_min3A_1037 = tpu.scan <min>, %get3A_1034 masked %reduce_min3A_1036 : vector<16xf32>, vector<16xi1> -> vector<16xf32>
        %reduce_min3A_1038 = vector.extract %reduce_min3A_1037[15] : f32 from vector<16xf32>
        %eq3A_1039 = arith.constant 2 : i32
        %eq3A_1040 = vector.broadcast %eq3A_1039 : i32 to vector<16xi32>
        %eq3A_1041 = arith.cmpi eq, %iota3A_32, %eq3A_1040 : vector<16xi32>
        %broadcast_in_dim3A_1042 = vector.broadcast %reduce_min3A_1038 : f32 to vector<16xf32>
        %select_n3A_1043 = arith.select %eq3A_1041, %broadcast_in_dim3A_1042, %select_n3A_1026 : vector<16xi1>, vector<16xf32>
        %mul3A_1044 = arith.constant 16 : i32
        %mul3A_1045 = arith.muli %scan3A_990, %mul3A_1044 : i32
        %add3A_1046 = arith.constant 3 : i32
        %add3A_1047 = arith.addi %mul3A_1045, %add3A_1046 : i32
        %mul3A_1048 = arith.constant 16 : i32
        %mul3A_1049 = arith.muli %add3A_1047, %mul3A_1048 : i32
        %get3A_1050 = arith.index_cast %mul3A_1049 : i32 to index
        %get3A_1051 = tpu.vector_load %arg7[%get3A_1050] {strides = array<i32>} : memref<7936xf32, #tpu.memory_space<vmem>>, vector<16xf32>,
        %reduce_min3A_1052 = arith.constant true
        %reduce_min3A_1053 = vector.broadcast %reduce_min3A_1052 : i1 to vector<16xi1>
        %reduce_min3A_1054 = tpu.scan <min>, %get3A_1051 masked %reduce_min3A_1053 : vector<16xf32>, vector<16xi1> -> vector<16xf32>
        %reduce_min3A_1055 = vector.extract %reduce_min3A_1054[15] : f32 from vector<16xf32>
        %eq3A_1056 = arith.constant 3 : i32
        %eq3A_1057 = vector.broadcast %eq3A_1056 : i32 to vector<16xi32>
        %eq3A_1058 = arith.cmpi eq, %iota3A_32, %eq3A_1057 : vector<16xi32>
        %broadcast_in_dim3A_1059 = vector.broadcast %reduce_min3A_1055 : f32 to vector<16xf32>
        %select_n3A_1060 = arith.select %eq3A_1058, %broadcast_in_dim3A_1059, %select_n3A_1043 : vector<16xi1>, vector<16xf32>
        %mul3A_1061 = arith.constant 16 : i32
        %mul3A_1062 = arith.muli %scan3A_990, %mul3A_1061 : i32
        %add3A_1063 = arith.constant 4 : i32
        %add3A_1064 = arith.addi %mul3A_1062, %add3A_1063 : i32
        %mul3A_1065 = arith.constant 16 : i32
        %mul3A_1066 = arith.muli %add3A_1064, %mul3A_1065 : i32
        %get3A_1067 = arith.index_cast %mul3A_1066 : i32 to index
        %get3A_1068 = tpu.vector_load %arg7[%get3A_1067] {strides = array<i32>} : memref<7936xf32, #tpu.memory_space<vmem>>, vector<16xf32>,
        %reduce_min3A_1069 = arith.constant true
        %reduce_min3A_1070 = vector.broadcast %reduce_min3A_1069 : i1 to vector<16xi1>
        %reduce_min3A_1071 = tpu.scan <min>, %get3A_1068 masked %reduce_min3A_1070 : vector<16xf32>, vector<16xi1> -> vector<16xf32>
        %reduce_min3A_1072 = vector.extract %reduce_min3A_1071[15] : f32 from vector<16xf32>
        %eq3A_1073 = arith.constant 4 : i32
        %eq3A_1074 = vector.broadcast %eq3A_1073 : i32 to vector<16xi32>
        %eq3A_1075 = arith.cmpi eq, %iota3A_32, %eq3A_1074 : vector<16xi32>
        %broadcast_in_dim3A_1076 = vector.broadcast %reduce_min3A_1072 : f32 to vector<16xf32>
        %select_n3A_1077 = arith.select %eq3A_1075, %broadcast_in_dim3A_1076, %select_n3A_1060 : vector<16xi1>, vector<16xf32>
        %mul3A_1078 = arith.constant 16 : i32
        %mul3A_1079 = arith.muli %scan3A_990, %mul3A_1078 : i32
        %add3A_1080 = arith.constant 5 : i32
        %add3A_1081 = arith.addi %mul3A_1079, %add3A_1080 : i32
        %mul3A_1082 = arith.constant 16 : i32
        %mul3A_1083 = arith.muli %add3A_1081, %mul3A_1082 : i32
        %get3A_1084 = arith.index_cast %mul3A_1083 : i32 to index
        %get3A_1085 = tpu.vector_load %arg7[%get3A_1084] {strides = array<i32>} : memref<7936xf32, #tpu.memory_space<vmem>>, vector<16xf32>,
        %reduce_min3A_1086 = arith.constant true
        %reduce_min3A_1087 = vector.broadcast %reduce_min3A_1086 : i1 to vector<16xi1>
        %reduce_min3A_1088 = tpu.scan <min>, %get3A_1085 masked %reduce_min3A_1087 : vector<16xf32>, vector<16xi1> -> vector<16xf32>
        %reduce_min3A_1089 = vector.extract %reduce_min3A_1088[15] : f32 from vector<16xf32>
        %eq3A_1090 = arith.constant 5 : i32
        %eq3A_1091 = vector.broadcast %eq3A_1090 : i32 to vector<16xi32>
        %eq3A_1092 = arith.cmpi eq, %iota3A_32, %eq3A_1091 : vector<16xi32>
        %broadcast_in_dim3A_1093 = vector.broadcast %reduce_min3A_1089 : f32 to vector<16xf32>
        %select_n3A_1094 = arith.select %eq3A_1092, %broadcast_in_dim3A_1093, %select_n3A_1077 : vector<16xi1>, vector<16xf32>
        %mul3A_1095 = arith.constant 16 : i32
        %mul3A_1096 = arith.muli %scan3A_990, %mul3A_1095 : i32
        %add3A_1097 = arith.constant 6 : i32
        %add3A_1098 = arith.addi %mul3A_1096, %add3A_1097 : i32
        %mul3A_1099 = arith.constant 16 : i32
        %mul3A_1100 = arith.muli %add3A_1098, %mul3A_1099 : i32
        %get3A_1101 = arith.index_cast %mul3A_1100 : i32 to index
        %get3A_1102 = tpu.vector_load %arg7[%get3A_1101] {strides = array<i32>} : memref<7936xf32, #tpu.memory_space<vmem>>, vector<16xf32>,
        %reduce_min3A_1103 = arith.constant true
        %reduce_min3A_1104 = vector.broadcast %reduce_min3A_1103 : i1 to vector<16xi1>
        %reduce_min3A_1105 = tpu.scan <min>, %get3A_1102 masked %reduce_min3A_1104 : vector<16xf32>, vector<16xi1> -> vector<16xf32>
        %reduce_min3A_1106 = vector.extract %reduce_min3A_1105[15] : f32 from vector<16xf32>
        %eq3A_1107 = arith.constant 6 : i32
        %eq3A_1108 = vector.broadcast %eq3A_1107 : i32 to vector<16xi32>
        %eq3A_1109 = arith.cmpi eq, %iota3A_32, %eq3A_1108 : vector<16xi32>
        %broadcast_in_dim3A_1110 = vector.broadcast %reduce_min3A_1106 : f32 to vector<16xf32>
        %select_n3A_1111 = arith.select %eq3A_1109, %broadcast_in_dim3A_1110, %select_n3A_1094 : vector<16xi1>, vector<16xf32>
        %mul3A_1112 = arith.constant 16 : i32
        %mul3A_1113 = arith.muli %scan3A_990, %mul3A_1112 : i32
        %add3A_1114 = arith.constant 7 : i32
        %add3A_1115 = arith.addi %mul3A_1113, %add3A_1114 : i32
        %mul3A_1116 = arith.constant 16 : i32
        %mul3A_1117 = arith.muli %add3A_1115, %mul3A_1116 : i32
        %get3A_1118 = arith.index_cast %mul3A_1117 : i32 to index
        %get3A_1119 = tpu.vector_load %arg7[%get3A_1118] {strides = array<i32>} : memref<7936xf32, #tpu.memory_space<vmem>>, vector<16xf32>,
        %reduce_min3A_1120 = arith.constant true
        %reduce_min3A_1121 = vector.broadcast %reduce_min3A_1120 : i1 to vector<16xi1>
        %reduce_min3A_1122 = tpu.scan <min>, %get3A_1119 masked %reduce_min3A_1121 : vector<16xf32>, vector<16xi1> -> vector<16xf32>
        %reduce_min3A_1123 = vector.extract %reduce_min3A_1122[15] : f32 from vector<16xf32>
        %eq3A_1124 = arith.constant 7 : i32
        %eq3A_1125 = vector.broadcast %eq3A_1124 : i32 to vector<16xi32>
        %eq3A_1126 = arith.cmpi eq, %iota3A_32, %eq3A_1125 : vector<16xi32>
        %broadcast_in_dim3A_1127 = vector.broadcast %reduce_min3A_1123 : f32 to vector<16xf32>
        %select_n3A_1128 = arith.select %eq3A_1126, %broadcast_in_dim3A_1127, %select_n3A_1111 : vector<16xi1>, vector<16xf32>
        %mul3A_1129 = arith.constant 16 : i32
        %mul3A_1130 = arith.muli %scan3A_990, %mul3A_1129 : i32
        %add3A_1131 = arith.constant 8 : i32
        %add3A_1132 = arith.addi %mul3A_1130, %add3A_1131 : i32
        %mul3A_1133 = arith.constant 16 : i32
        %mul3A_1134 = arith.muli %add3A_1132, %mul3A_1133 : i32
        %get3A_1135 = arith.index_cast %mul3A_1134 : i32 to index
        %get3A_1136 = tpu.vector_load %arg7[%get3A_1135] {strides = array<i32>} : memref<7936xf32, #tpu.memory_space<vmem>>, vector<16xf32>,
        %reduce_min3A_1137 = arith.constant true
        %reduce_min3A_1138 = vector.broadcast %reduce_min3A_1137 : i1 to vector<16xi1>
        %reduce_min3A_1139 = tpu.scan <min>, %get3A_1136 masked %reduce_min3A_1138 : vector<16xf32>, vector<16xi1> -> vector<16xf32>
        %reduce_min3A_1140 = vector.extract %reduce_min3A_1139[15] : f32 from vector<16xf32>
        %eq3A_1141 = arith.constant 8 : i32
        %eq3A_1142 = vector.broadcast %eq3A_1141 : i32 to vector<16xi32>
        %eq3A_1143 = arith.cmpi eq, %iota3A_32, %eq3A_1142 : vector<16xi32>
        %broadcast_in_dim3A_1144 = vector.broadcast %reduce_min3A_1140 : f32 to vector<16xf32>
        %select_n3A_1145 = arith.select %eq3A_1143, %broadcast_in_dim3A_1144, %select_n3A_1128 : vector<16xi1>, vector<16xf32>
        %mul3A_1146 = arith.constant 16 : i32
        %mul3A_1147 = arith.muli %scan3A_990, %mul3A_1146 : i32
        %add3A_1148 = arith.constant 9 : i32
        %add3A_1149 = arith.addi %mul3A_1147, %add3A_1148 : i32
        %mul3A_1150 = arith.constant 16 : i32
        %mul3A_1151 = arith.muli %add3A_1149, %mul3A_1150 : i32
        %get3A_1152 = arith.index_cast %mul3A_1151 : i32 to index
        %get3A_1153 = tpu.vector_load %arg7[%get3A_1152] {strides = array<i32>} : memref<7936xf32, #tpu.memory_space<vmem>>, vector<16xf32>,
        %reduce_min3A_1154 = arith.constant true
        %reduce_min3A_1155 = vector.broadcast %reduce_min3A_1154 : i1 to vector<16xi1>
        %reduce_min3A_1156 = tpu.scan <min>, %get3A_1153 masked %reduce_min3A_1155 : vector<16xf32>, vector<16xi1> -> vector<16xf32>
        %reduce_min3A_1157 = vector.extract %reduce_min3A_1156[15] : f32 from vector<16xf32>
        %eq3A_1158 = arith.constant 9 : i32
        %eq3A_1159 = vector.broadcast %eq3A_1158 : i32 to vector<16xi32>
        %eq3A_1160 = arith.cmpi eq, %iota3A_32, %eq3A_1159 : vector<16xi32>
        %broadcast_in_dim3A_1161 = vector.broadcast %reduce_min3A_1157 : f32 to vector<16xf32>
        %select_n3A_1162 = arith.select %eq3A_1160, %broadcast_in_dim3A_1161, %select_n3A_1145 : vector<16xi1>, vector<16xf32>
        %mul3A_1163 = arith.constant 16 : i32
        %mul3A_1164 = arith.muli %scan3A_990, %mul3A_1163 : i32
        %add3A_1165 = arith.constant 10 : i32
        %add3A_1166 = arith.addi %mul3A_1164, %add3A_1165 : i32
        %mul3A_1167 = arith.constant 16 : i32
        %mul3A_1168 = arith.muli %add3A_1166, %mul3A_1167 : i32
        %get3A_1169 = arith.index_cast %mul3A_1168 : i32 to index
        %get3A_1170 = tpu.vector_load %arg7[%get3A_1169] {strides = array<i32>} : memref<7936xf32, #tpu.memory_space<vmem>>, vector<16xf32>,
        %reduce_min3A_1171 = arith.constant true
        %reduce_min3A_1172 = vector.broadcast %reduce_min3A_1171 : i1 to vector<16xi1>
        %reduce_min3A_1173 = tpu.scan <min>, %get3A_1170 masked %reduce_min3A_1172 : vector<16xf32>, vector<16xi1> -> vector<16xf32>
        %reduce_min3A_1174 = vector.extract %reduce_min3A_1173[15] : f32 from vector<16xf32>
        %eq3A_1175 = arith.constant 10 : i32
        %eq3A_1176 = vector.broadcast %eq3A_1175 : i32 to vector<16xi32>
        %eq3A_1177 = arith.cmpi eq, %iota3A_32, %eq3A_1176 : vector<16xi32>
        %broadcast_in_dim3A_1178 = vector.broadcast %reduce_min3A_1174 : f32 to vector<16xf32>
        %select_n3A_1179 = arith.select %eq3A_1177, %broadcast_in_dim3A_1178, %select_n3A_1162 : vector<16xi1>, vector<16xf32>
        %mul3A_1180 = arith.constant 16 : i32
        %mul3A_1181 = arith.muli %scan3A_990, %mul3A_1180 : i32
        %add3A_1182 = arith.constant 11 : i32
        %add3A_1183 = arith.addi %mul3A_1181, %add3A_1182 : i32
        %mul3A_1184 = arith.constant 16 : i32
        %mul3A_1185 = arith.muli %add3A_1183, %mul3A_1184 : i32
        %get3A_1186 = arith.index_cast %mul3A_1185 : i32 to index
        %get3A_1187 = tpu.vector_load %arg7[%get3A_1186] {strides = array<i32>} : memref<7936xf32, #tpu.memory_space<vmem>>, vector<16xf32>,
        %reduce_min3A_1188 = arith.constant true
        %reduce_min3A_1189 = vector.broadcast %reduce_min3A_1188 : i1 to vector<16xi1>
        %reduce_min3A_1190 = tpu.scan <min>, %get3A_1187 masked %reduce_min3A_1189 : vector<16xf32>, vector<16xi1> -> vector<16xf32>
        %reduce_min3A_1191 = vector.extract %reduce_min3A_1190[15] : f32 from vector<16xf32>
        %eq3A_1192 = arith.constant 11 : i32
        %eq3A_1193 = vector.broadcast %eq3A_1192 : i32 to vector<16xi32>
        %eq3A_1194 = arith.cmpi eq, %iota3A_32, %eq3A_1193 : vector<16xi32>
        %broadcast_in_dim3A_1195 = vector.broadcast %reduce_min3A_1191 : f32 to vector<16xf32>
        %select_n3A_1196 = arith.select %eq3A_1194, %broadcast_in_dim3A_1195, %select_n3A_1179 : vector<16xi1>, vector<16xf32>
        %mul3A_1197 = arith.constant 16 : i32
        %mul3A_1198 = arith.muli %scan3A_990, %mul3A_1197 : i32
        %add3A_1199 = arith.constant 12 : i32
        %add3A_1200 = arith.addi %mul3A_1198, %add3A_1199 : i32
        %mul3A_1201 = arith.constant 16 : i32
        %mul3A_1202 = arith.muli %add3A_1200, %mul3A_1201 : i32
        %get3A_1203 = arith.index_cast %mul3A_1202 : i32 to index
        %get3A_1204 = tpu.vector_load %arg7[%get3A_1203] {strides = array<i32>} : memref<7936xf32, #tpu.memory_space<vmem>>, vector<16xf32>,
        %reduce_min3A_1205 = arith.constant true
        %reduce_min3A_1206 = vector.broadcast %reduce_min3A_1205 : i1 to vector<16xi1>
        %reduce_min3A_1207 = tpu.scan <min>, %get3A_1204 masked %reduce_min3A_1206 : vector<16xf32>, vector<16xi1> -> vector<16xf32>
        %reduce_min3A_1208 = vector.extract %reduce_min3A_1207[15] : f32 from vector<16xf32>
        %eq3A_1209 = arith.constant 12 : i32
        %eq3A_1210 = vector.broadcast %eq3A_1209 : i32 to vector<16xi32>
        %eq3A_1211 = arith.cmpi eq, %iota3A_32, %eq3A_1210 : vector<16xi32>
        %broadcast_in_dim3A_1212 = vector.broadcast %reduce_min3A_1208 : f32 to vector<16xf32>
        %select_n3A_1213 = arith.select %eq3A_1211, %broadcast_in_dim3A_1212, %select_n3A_1196 : vector<16xi1>, vector<16xf32>
        %mul3A_1214 = arith.constant 16 : i32
        %mul3A_1215 = arith.muli %scan3A_990, %mul3A_1214 : i32
        %add3A_1216 = arith.constant 13 : i32
        %add3A_1217 = arith.addi %mul3A_1215, %add3A_1216 : i32
        %mul3A_1218 = arith.constant 16 : i32
        %mul3A_1219 = arith.muli %add3A_1217, %mul3A_1218 : i32
        %get3A_1220 = arith.index_cast %mul3A_1219 : i32 to index
        %get3A_1221 = tpu.vector_load %arg7[%get3A_1220] {strides = array<i32>} : memref<7936xf32, #tpu.memory_space<vmem>>, vector<16xf32>,
        %reduce_min3A_1222 = arith.constant true
        %reduce_min3A_1223 = vector.broadcast %reduce_min3A_1222 : i1 to vector<16xi1>
        %reduce_min3A_1224 = tpu.scan <min>, %get3A_1221 masked %reduce_min3A_1223 : vector<16xf32>, vector<16xi1> -> vector<16xf32>
        %reduce_min3A_1225 = vector.extract %reduce_min3A_1224[15] : f32 from vector<16xf32>
        %eq3A_1226 = arith.constant 13 : i32
        %eq3A_1227 = vector.broadcast %eq3A_1226 : i32 to vector<16xi32>
        %eq3A_1228 = arith.cmpi eq, %iota3A_32, %eq3A_1227 : vector<16xi32>
        %broadcast_in_dim3A_1229 = vector.broadcast %reduce_min3A_1225 : f32 to vector<16xf32>
        %select_n3A_1230 = arith.select %eq3A_1228, %broadcast_in_dim3A_1229, %select_n3A_1213 : vector<16xi1>, vector<16xf32>
        %mul3A_1231 = arith.constant 16 : i32
        %mul3A_1232 = arith.muli %scan3A_990, %mul3A_1231 : i32
        %add3A_1233 = arith.constant 14 : i32
        %add3A_1234 = arith.addi %mul3A_1232, %add3A_1233 : i32
        %mul3A_1235 = arith.constant 16 : i32
        %mul3A_1236 = arith.muli %add3A_1234, %mul3A_1235 : i32
        %get3A_1237 = arith.index_cast %mul3A_1236 : i32 to index
        %get3A_1238 = tpu.vector_load %arg7[%get3A_1237] {strides = array<i32>} : memref<7936xf32, #tpu.memory_space<vmem>>, vector<16xf32>,
        %reduce_min3A_1239 = arith.constant true
        %reduce_min3A_1240 = vector.broadcast %reduce_min3A_1239 : i1 to vector<16xi1>
        %reduce_min3A_1241 = tpu.scan <min>, %get3A_1238 masked %reduce_min3A_1240 : vector<16xf32>, vector<16xi1> -> vector<16xf32>
        %reduce_min3A_1242 = vector.extract %reduce_min3A_1241[15] : f32 from vector<16xf32>
        %eq3A_1243 = arith.constant 14 : i32
        %eq3A_1244 = vector.broadcast %eq3A_1243 : i32 to vector<16xi32>
        %eq3A_1245 = arith.cmpi eq, %iota3A_32, %eq3A_1244 : vector<16xi32>
        %broadcast_in_dim3A_1246 = vector.broadcast %reduce_min3A_1242 : f32 to vector<16xf32>
        %select_n3A_1247 = arith.select %eq3A_1245, %broadcast_in_dim3A_1246, %select_n3A_1230 : vector<16xi1>, vector<16xf32>
        %mul3A_1248 = arith.constant 16 : i32
        %mul3A_1249 = arith.muli %scan3A_990, %mul3A_1248 : i32
        %add3A_1250 = arith.constant 15 : i32
        %add3A_1251 = arith.addi %mul3A_1249, %add3A_1250 : i32
        %mul3A_1252 = arith.constant 16 : i32
        %mul3A_1253 = arith.muli %add3A_1251, %mul3A_1252 : i32
        %get3A_1254 = arith.index_cast %mul3A_1253 : i32 to index
        %get3A_1255 = tpu.vector_load %arg7[%get3A_1254] {strides = array<i32>} : memref<7936xf32, #tpu.memory_space<vmem>>, vector<16xf32>,
        %reduce_min3A_1256 = arith.constant true
        %reduce_min3A_1257 = vector.broadcast %reduce_min3A_1256 : i1 to vector<16xi1>
        %reduce_min3A_1258 = tpu.scan <min>, %get3A_1255 masked %reduce_min3A_1257 : vector<16xf32>, vector<16xi1> -> vector<16xf32>
        %reduce_min3A_1259 = vector.extract %reduce_min3A_1258[15] : f32 from vector<16xf32>
        %eq3A_1260 = arith.constant 15 : i32
        %eq3A_1261 = vector.broadcast %eq3A_1260 : i32 to vector<16xi32>
        %eq3A_1262 = arith.cmpi eq, %iota3A_32, %eq3A_1261 : vector<16xi32>
        %broadcast_in_dim3A_1263 = vector.broadcast %reduce_min3A_1259 : f32 to vector<16xf32>
        %select_n3A_1264 = arith.select %eq3A_1262, %broadcast_in_dim3A_1263, %select_n3A_1247 : vector<16xi1>, vector<16xf32>
        %mul3A_1265 = arith.constant 16 : i32
        %mul3A_1266 = arith.muli %scan3A_990, %mul3A_1265 : i32
        %swap3A_1267 = arith.index_cast %mul3A_1266 : i32 to index
        %swap3A_1268 = tpu.vector_load %arg10[%swap3A_1267] {strides = array<i32>} : memref<512xf32, #tpu.memory_space<vmem>>, vector<16xf32>,
        tpu.vector_store %arg10[%swap3A_1267], %select_n3A_1264 {strides = array<i32>} : memref<512xf32, #tpu.memory_space<vmem>>, vector<16xf32>,
      }
      %scan3A_38 = arith.constant 31 : i32
      %broadcast_in_dim3A = arith.constant 3.000000e+38 : f32
      %broadcast_in_dim3A_39 = vector.broadcast %broadcast_in_dim3A : f32 to vector<16xf32>
      %swap3A = arith.constant 496 : index
      %swap3A_40 = tpu.vector_load %arg10[%swap3A] {strides = array<i32>} : memref<512xf32, #tpu.memory_space<vmem>>, vector<16xf32>,
      tpu.vector_store %arg10[%swap3A], %broadcast_in_dim3A_39 {strides = array<i32>} : memref<512xf32, #tpu.memory_space<vmem>>, vector<16xf32>,
      %iota3A_41 = tpu.iota {dimensions = array<i32: 0>} : vector<16xi32>
      %broadcast_in_dim3A_42 = arith.constant 3.000000e+38 : f32
      %broadcast_in_dim3A_43 = vector.broadcast %broadcast_in_dim3A_42 : f32 to vector<16xf32>
      %get3A_44 = arith.constant 0 : index
      %get3A_45 = tpu.vector_load %arg10[%get3A_44] {strides = array<i32>} : memref<512xf32, #tpu.memory_space<vmem>>, vector<16xf32>,
      %reduce_min3A = arith.constant true
      %reduce_min3A_46 = vector.broadcast %reduce_min3A : i1 to vector<16xi1>
      %reduce_min3A_47 = tpu.scan <min>, %get3A_45 masked %reduce_min3A_46 : vector<16xf32>, vector<16xi1> -> vector<16xf32>
      %reduce_min3A_48 = vector.extract %reduce_min3A_47[15] : f32 from vector<16xf32>
      %eq3A = arith.constant 0 : i32
      %eq3A_49 = vector.broadcast %eq3A : i32 to vector<16xi32>
      %eq3A_50 = arith.cmpi eq, %iota3A_41, %eq3A_49 : vector<16xi32>
      %broadcast_in_dim3A_51 = vector.broadcast %reduce_min3A_48 : f32 to vector<16xf32>
      %select_n3A = arith.select %eq3A_50, %broadcast_in_dim3A_51, %broadcast_in_dim3A_43 : vector<16xi1>, vector<16xf32>
      %get3A_52 = arith.constant 16 : index
      %get3A_53 = tpu.vector_load %arg10[%get3A_52] {strides = array<i32>} : memref<512xf32, #tpu.memory_space<vmem>>, vector<16xf32>,
      %reduce_min3A_54 = arith.constant true
      %reduce_min3A_55 = vector.broadcast %reduce_min3A_54 : i1 to vector<16xi1>
      %reduce_min3A_56 = tpu.scan <min>, %get3A_53 masked %reduce_min3A_55 : vector<16xf32>, vector<16xi1> -> vector<16xf32>
      %reduce_min3A_57 = vector.extract %reduce_min3A_56[15] : f32 from vector<16xf32>
      %eq3A_58 = arith.constant 1 : i32
      %eq3A_59 = vector.broadcast %eq3A_58 : i32 to vector<16xi32>
      %eq3A_60 = arith.cmpi eq, %iota3A_41, %eq3A_59 : vector<16xi32>
      %broadcast_in_dim3A_61 = vector.broadcast %reduce_min3A_57 : f32 to vector<16xf32>
      %select_n3A_62 = arith.select %eq3A_60, %broadcast_in_dim3A_61, %select_n3A : vector<16xi1>, vector<16xf32>
      %get3A_63 = arith.constant 32 : index
      %get3A_64 = tpu.vector_load %arg10[%get3A_63] {strides = array<i32>} : memref<512xf32, #tpu.memory_space<vmem>>, vector<16xf32>,
      %reduce_min3A_65 = arith.constant true
      %reduce_min3A_66 = vector.broadcast %reduce_min3A_65 : i1 to vector<16xi1>
      %reduce_min3A_67 = tpu.scan <min>, %get3A_64 masked %reduce_min3A_66 : vector<16xf32>, vector<16xi1> -> vector<16xf32>
      %reduce_min3A_68 = vector.extract %reduce_min3A_67[15] : f32 from vector<16xf32>
      %eq3A_69 = arith.constant 2 : i32
      %eq3A_70 = vector.broadcast %eq3A_69 : i32 to vector<16xi32>
      %eq3A_71 = arith.cmpi eq, %iota3A_41, %eq3A_70 : vector<16xi32>
      %broadcast_in_dim3A_72 = vector.broadcast %reduce_min3A_68 : f32 to vector<16xf32>
      %select_n3A_73 = arith.select %eq3A_71, %broadcast_in_dim3A_72, %select_n3A_62 : vector<16xi1>, vector<16xf32>
      %get3A_74 = arith.constant 48 : index
      %get3A_75 = tpu.vector_load %arg10[%get3A_74] {strides = array<i32>} : memref<512xf32, #tpu.memory_space<vmem>>, vector<16xf32>,
      %reduce_min3A_76 = arith.constant true
      %reduce_min3A_77 = vector.broadcast %reduce_min3A_76 : i1 to vector<16xi1>
      %reduce_min3A_78 = tpu.scan <min>, %get3A_75 masked %reduce_min3A_77 : vector<16xf32>, vector<16xi1> -> vector<16xf32>
      %reduce_min3A_79 = vector.extract %reduce_min3A_78[15] : f32 from vector<16xf32>
      %eq3A_80 = arith.constant 3 : i32
      %eq3A_81 = vector.broadcast %eq3A_80 : i32 to vector<16xi32>
      %eq3A_82 = arith.cmpi eq, %iota3A_41, %eq3A_81 : vector<16xi32>
      %broadcast_in_dim3A_83 = vector.broadcast %reduce_min3A_79 : f32 to vector<16xf32>
      %select_n3A_84 = arith.select %eq3A_82, %broadcast_in_dim3A_83, %select_n3A_73 : vector<16xi1>, vector<16xf32>
      %get3A_85 = arith.constant 64 : index
      %get3A_86 = tpu.vector_load %arg10[%get3A_85] {strides = array<i32>} : memref<512xf32, #tpu.memory_space<vmem>>, vector<16xf32>,
      %reduce_min3A_87 = arith.constant true
      %reduce_min3A_88 = vector.broadcast %reduce_min3A_87 : i1 to vector<16xi1>
      %reduce_min3A_89 = tpu.scan <min>, %get3A_86 masked %reduce_min3A_88 : vector<16xf32>, vector<16xi1> -> vector<16xf32>
      %reduce_min3A_90 = vector.extract %reduce_min3A_89[15] : f32 from vector<16xf32>
      %eq3A_91 = arith.constant 4 : i32
      %eq3A_92 = vector.broadcast %eq3A_91 : i32 to vector<16xi32>
      %eq3A_93 = arith.cmpi eq, %iota3A_41, %eq3A_92 : vector<16xi32>
      %broadcast_in_dim3A_94 = vector.broadcast %reduce_min3A_90 : f32 to vector<16xf32>
      %select_n3A_95 = arith.select %eq3A_93, %broadcast_in_dim3A_94, %select_n3A_84 : vector<16xi1>, vector<16xf32>
      %get3A_96 = arith.constant 80 : index
      %get3A_97 = tpu.vector_load %arg10[%get3A_96] {strides = array<i32>} : memref<512xf32, #tpu.memory_space<vmem>>, vector<16xf32>,
      %reduce_min3A_98 = arith.constant true
      %reduce_min3A_99 = vector.broadcast %reduce_min3A_98 : i1 to vector<16xi1>
      %reduce_min3A_100 = tpu.scan <min>, %get3A_97 masked %reduce_min3A_99 : vector<16xf32>, vector<16xi1> -> vector<16xf32>
      %reduce_min3A_101 = vector.extract %reduce_min3A_100[15] : f32 from vector<16xf32>
      %eq3A_102 = arith.constant 5 : i32
      %eq3A_103 = vector.broadcast %eq3A_102 : i32 to vector<16xi32>
      %eq3A_104 = arith.cmpi eq, %iota3A_41, %eq3A_103 : vector<16xi32>
      %broadcast_in_dim3A_105 = vector.broadcast %reduce_min3A_101 : f32 to vector<16xf32>
      %select_n3A_106 = arith.select %eq3A_104, %broadcast_in_dim3A_105, %select_n3A_95 : vector<16xi1>, vector<16xf32>
      %get3A_107 = arith.constant 96 : index
      %get3A_108 = tpu.vector_load %arg10[%get3A_107] {strides = array<i32>} : memref<512xf32, #tpu.memory_space<vmem>>, vector<16xf32>,
      %reduce_min3A_109 = arith.constant true
      %reduce_min3A_110 = vector.broadcast %reduce_min3A_109 : i1 to vector<16xi1>
      %reduce_min3A_111 = tpu.scan <min>, %get3A_108 masked %reduce_min3A_110 : vector<16xf32>, vector<16xi1> -> vector<16xf32>
      %reduce_min3A_112 = vector.extract %reduce_min3A_111[15] : f32 from vector<16xf32>
      %eq3A_113 = arith.constant 6 : i32
      %eq3A_114 = vector.broadcast %eq3A_113 : i32 to vector<16xi32>
      %eq3A_115 = arith.cmpi eq, %iota3A_41, %eq3A_114 : vector<16xi32>
      %broadcast_in_dim3A_116 = vector.broadcast %reduce_min3A_112 : f32 to vector<16xf32>
      %select_n3A_117 = arith.select %eq3A_115, %broadcast_in_dim3A_116, %select_n3A_106 : vector<16xi1>, vector<16xf32>
      %get3A_118 = arith.constant 112 : index
      %get3A_119 = tpu.vector_load %arg10[%get3A_118] {strides = array<i32>} : memref<512xf32, #tpu.memory_space<vmem>>, vector<16xf32>,
      %reduce_min3A_120 = arith.constant true
      %reduce_min3A_121 = vector.broadcast %reduce_min3A_120 : i1 to vector<16xi1>
      %reduce_min3A_122 = tpu.scan <min>, %get3A_119 masked %reduce_min3A_121 : vector<16xf32>, vector<16xi1> -> vector<16xf32>
      %reduce_min3A_123 = vector.extract %reduce_min3A_122[15] : f32 from vector<16xf32>
      %eq3A_124 = arith.constant 7 : i32
      %eq3A_125 = vector.broadcast %eq3A_124 : i32 to vector<16xi32>
      %eq3A_126 = arith.cmpi eq, %iota3A_41, %eq3A_125 : vector<16xi32>
      %broadcast_in_dim3A_127 = vector.broadcast %reduce_min3A_123 : f32 to vector<16xf32>
      %select_n3A_128 = arith.select %eq3A_126, %broadcast_in_dim3A_127, %select_n3A_117 : vector<16xi1>, vector<16xf32>
      %get3A_129 = arith.constant 128 : index
      %get3A_130 = tpu.vector_load %arg10[%get3A_129] {strides = array<i32>} : memref<512xf32, #tpu.memory_space<vmem>>, vector<16xf32>,
      %reduce_min3A_131 = arith.constant true
      %reduce_min3A_132 = vector.broadcast %reduce_min3A_131 : i1 to vector<16xi1>
      %reduce_min3A_133 = tpu.scan <min>, %get3A_130 masked %reduce_min3A_132 : vector<16xf32>, vector<16xi1> -> vector<16xf32>
      %reduce_min3A_134 = vector.extract %reduce_min3A_133[15] : f32 from vector<16xf32>
      %eq3A_135 = arith.constant 8 : i32
      %eq3A_136 = vector.broadcast %eq3A_135 : i32 to vector<16xi32>
      %eq3A_137 = arith.cmpi eq, %iota3A_41, %eq3A_136 : vector<16xi32>
      %broadcast_in_dim3A_138 = vector.broadcast %reduce_min3A_134 : f32 to vector<16xf32>
      %select_n3A_139 = arith.select %eq3A_137, %broadcast_in_dim3A_138, %select_n3A_128 : vector<16xi1>, vector<16xf32>
      %get3A_140 = arith.constant 144 : index
      %get3A_141 = tpu.vector_load %arg10[%get3A_140] {strides = array<i32>} : memref<512xf32, #tpu.memory_space<vmem>>, vector<16xf32>,
      %reduce_min3A_142 = arith.constant true
      %reduce_min3A_143 = vector.broadcast %reduce_min3A_142 : i1 to vector<16xi1>
      %reduce_min3A_144 = tpu.scan <min>, %get3A_141 masked %reduce_min3A_143 : vector<16xf32>, vector<16xi1> -> vector<16xf32>
      %reduce_min3A_145 = vector.extract %reduce_min3A_144[15] : f32 from vector<16xf32>
      %eq3A_146 = arith.constant 9 : i32
      %eq3A_147 = vector.broadcast %eq3A_146 : i32 to vector<16xi32>
      %eq3A_148 = arith.cmpi eq, %iota3A_41, %eq3A_147 : vector<16xi32>
      %broadcast_in_dim3A_149 = vector.broadcast %reduce_min3A_145 : f32 to vector<16xf32>
      %select_n3A_150 = arith.select %eq3A_148, %broadcast_in_dim3A_149, %select_n3A_139 : vector<16xi1>, vector<16xf32>
      %get3A_151 = arith.constant 160 : index
      %get3A_152 = tpu.vector_load %arg10[%get3A_151] {strides = array<i32>} : memref<512xf32, #tpu.memory_space<vmem>>, vector<16xf32>,
      %reduce_min3A_153 = arith.constant true
      %reduce_min3A_154 = vector.broadcast %reduce_min3A_153 : i1 to vector<16xi1>
      %reduce_min3A_155 = tpu.scan <min>, %get3A_152 masked %reduce_min3A_154 : vector<16xf32>, vector<16xi1> -> vector<16xf32>
      %reduce_min3A_156 = vector.extract %reduce_min3A_155[15] : f32 from vector<16xf32>
      %eq3A_157 = arith.constant 10 : i32
      %eq3A_158 = vector.broadcast %eq3A_157 : i32 to vector<16xi32>
      %eq3A_159 = arith.cmpi eq, %iota3A_41, %eq3A_158 : vector<16xi32>
      %broadcast_in_dim3A_160 = vector.broadcast %reduce_min3A_156 : f32 to vector<16xf32>
      %select_n3A_161 = arith.select %eq3A_159, %broadcast_in_dim3A_160, %select_n3A_150 : vector<16xi1>, vector<16xf32>
      %get3A_162 = arith.constant 176 : index
      %get3A_163 = tpu.vector_load %arg10[%get3A_162] {strides = array<i32>} : memref<512xf32, #tpu.memory_space<vmem>>, vector<16xf32>,
      %reduce_min3A_164 = arith.constant true
      %reduce_min3A_165 = vector.broadcast %reduce_min3A_164 : i1 to vector<16xi1>
      %reduce_min3A_166 = tpu.scan <min>, %get3A_163 masked %reduce_min3A_165 : vector<16xf32>, vector<16xi1> -> vector<16xf32>
      %reduce_min3A_167 = vector.extract %reduce_min3A_166[15] : f32 from vector<16xf32>
      %eq3A_168 = arith.constant 11 : i32
      %eq3A_169 = vector.broadcast %eq3A_168 : i32 to vector<16xi32>
      %eq3A_170 = arith.cmpi eq, %iota3A_41, %eq3A_169 : vector<16xi32>
      %broadcast_in_dim3A_171 = vector.broadcast %reduce_min3A_167 : f32 to vector<16xf32>
      %select_n3A_172 = arith.select %eq3A_170, %broadcast_in_dim3A_171, %select_n3A_161 : vector<16xi1>, vector<16xf32>
      %get3A_173 = arith.constant 192 : index
      %get3A_174 = tpu.vector_load %arg10[%get3A_173] {strides = array<i32>} : memref<512xf32, #tpu.memory_space<vmem>>, vector<16xf32>,
      %reduce_min3A_175 = arith.constant true
      %reduce_min3A_176 = vector.broadcast %reduce_min3A_175 : i1 to vector<16xi1>
      %reduce_min3A_177 = tpu.scan <min>, %get3A_174 masked %reduce_min3A_176 : vector<16xf32>, vector<16xi1> -> vector<16xf32>
      %reduce_min3A_178 = vector.extract %reduce_min3A_177[15] : f32 from vector<16xf32>
      %eq3A_179 = arith.constant 12 : i32
      %eq3A_180 = vector.broadcast %eq3A_179 : i32 to vector<16xi32>
      %eq3A_181 = arith.cmpi eq, %iota3A_41, %eq3A_180 : vector<16xi32>
      %broadcast_in_dim3A_182 = vector.broadcast %reduce_min3A_178 : f32 to vector<16xf32>
      %select_n3A_183 = arith.select %eq3A_181, %broadcast_in_dim3A_182, %select_n3A_172 : vector<16xi1>, vector<16xf32>
      %get3A_184 = arith.constant 208 : index
      %get3A_185 = tpu.vector_load %arg10[%get3A_184] {strides = array<i32>} : memref<512xf32, #tpu.memory_space<vmem>>, vector<16xf32>,
      %reduce_min3A_186 = arith.constant true
      %reduce_min3A_187 = vector.broadcast %reduce_min3A_186 : i1 to vector<16xi1>
      %reduce_min3A_188 = tpu.scan <min>, %get3A_185 masked %reduce_min3A_187 : vector<16xf32>, vector<16xi1> -> vector<16xf32>
      %reduce_min3A_189 = vector.extract %reduce_min3A_188[15] : f32 from vector<16xf32>
      %eq3A_190 = arith.constant 13 : i32
      %eq3A_191 = vector.broadcast %eq3A_190 : i32 to vector<16xi32>
      %eq3A_192 = arith.cmpi eq, %iota3A_41, %eq3A_191 : vector<16xi32>
      %broadcast_in_dim3A_193 = vector.broadcast %reduce_min3A_189 : f32 to vector<16xf32>
      %select_n3A_194 = arith.select %eq3A_192, %broadcast_in_dim3A_193, %select_n3A_183 : vector<16xi1>, vector<16xf32>
      %get3A_195 = arith.constant 224 : index
      %get3A_196 = tpu.vector_load %arg10[%get3A_195] {strides = array<i32>} : memref<512xf32, #tpu.memory_space<vmem>>, vector<16xf32>,
      %reduce_min3A_197 = arith.constant true
      %reduce_min3A_198 = vector.broadcast %reduce_min3A_197 : i1 to vector<16xi1>
      %reduce_min3A_199 = tpu.scan <min>, %get3A_196 masked %reduce_min3A_198 : vector<16xf32>, vector<16xi1> -> vector<16xf32>
      %reduce_min3A_200 = vector.extract %reduce_min3A_199[15] : f32 from vector<16xf32>
      %eq3A_201 = arith.constant 14 : i32
      %eq3A_202 = vector.broadcast %eq3A_201 : i32 to vector<16xi32>
      %eq3A_203 = arith.cmpi eq, %iota3A_41, %eq3A_202 : vector<16xi32>
      %broadcast_in_dim3A_204 = vector.broadcast %reduce_min3A_200 : f32 to vector<16xf32>
      %select_n3A_205 = arith.select %eq3A_203, %broadcast_in_dim3A_204, %select_n3A_194 : vector<16xi1>, vector<16xf32>
      %get3A_206 = arith.constant 240 : index
      %get3A_207 = tpu.vector_load %arg10[%get3A_206] {strides = array<i32>} : memref<512xf32, #tpu.memory_space<vmem>>, vector<16xf32>,
      %reduce_min3A_208 = arith.constant true
      %reduce_min3A_209 = vector.broadcast %reduce_min3A_208 : i1 to vector<16xi1>
      %reduce_min3A_210 = tpu.scan <min>, %get3A_207 masked %reduce_min3A_209 : vector<16xf32>, vector<16xi1> -> vector<16xf32>
      %reduce_min3A_211 = vector.extract %reduce_min3A_210[15] : f32 from vector<16xf32>
      %eq3A_212 = arith.constant 15 : i32
      %eq3A_213 = vector.broadcast %eq3A_212 : i32 to vector<16xi32>
      %eq3A_214 = arith.cmpi eq, %iota3A_41, %eq3A_213 : vector<16xi32>
      %broadcast_in_dim3A_215 = vector.broadcast %reduce_min3A_211 : f32 to vector<16xf32>
      %select_n3A_216 = arith.select %eq3A_214, %broadcast_in_dim3A_215, %select_n3A_205 : vector<16xi1>, vector<16xf32>
      %swap3A_217 = arith.constant 0 : index
      %swap3A_218 = tpu.vector_load %arg11[%swap3A_217] {strides = array<i32>} : memref<32xf32, #tpu.memory_space<vmem>>, vector<16xf32>,
      tpu.vector_store %arg11[%swap3A_217], %select_n3A_216 {strides = array<i32>} : memref<32xf32, #tpu.memory_space<vmem>>, vector<16xf32>,
      %broadcast_in_dim3A_219 = arith.constant 3.000000e+38 : f32
      %broadcast_in_dim3A_220 = vector.broadcast %broadcast_in_dim3A_219 : f32 to vector<16xf32>
      %get3A_221 = arith.constant 256 : index
      %get3A_222 = tpu.vector_load %arg10[%get3A_221] {strides = array<i32>} : memref<512xf32, #tpu.memory_space<vmem>>, vector<16xf32>,
      %reduce_min3A_223 = arith.constant true
      %reduce_min3A_224 = vector.broadcast %reduce_min3A_223 : i1 to vector<16xi1>
      %reduce_min3A_225 = tpu.scan <min>, %get3A_222 masked %reduce_min3A_224 : vector<16xf32>, vector<16xi1> -> vector<16xf32>
      %reduce_min3A_226 = vector.extract %reduce_min3A_225[15] : f32 from vector<16xf32>
      %eq3A_227 = arith.constant 0 : i32
      %eq3A_228 = vector.broadcast %eq3A_227 : i32 to vector<16xi32>
      %eq3A_229 = arith.cmpi eq, %iota3A_41, %eq3A_228 : vector<16xi32>
      %broadcast_in_dim3A_230 = vector.broadcast %reduce_min3A_226 : f32 to vector<16xf32>
      %select_n3A_231 = arith.select %eq3A_229, %broadcast_in_dim3A_230, %broadcast_in_dim3A_220 : vector<16xi1>, vector<16xf32>
      %get3A_232 = arith.constant 272 : index
      %get3A_233 = tpu.vector_load %arg10[%get3A_232] {strides = array<i32>} : memref<512xf32, #tpu.memory_space<vmem>>, vector<16xf32>,
      %reduce_min3A_234 = arith.constant true
      %reduce_min3A_235 = vector.broadcast %reduce_min3A_234 : i1 to vector<16xi1>
      %reduce_min3A_236 = tpu.scan <min>, %get3A_233 masked %reduce_min3A_235 : vector<16xf32>, vector<16xi1> -> vector<16xf32>
      %reduce_min3A_237 = vector.extract %reduce_min3A_236[15] : f32 from vector<16xf32>
      %eq3A_238 = arith.constant 1 : i32
      %eq3A_239 = vector.broadcast %eq3A_238 : i32 to vector<16xi32>
      %eq3A_240 = arith.cmpi eq, %iota3A_41, %eq3A_239 : vector<16xi32>
      %broadcast_in_dim3A_241 = vector.broadcast %reduce_min3A_237 : f32 to vector<16xf32>
      %select_n3A_242 = arith.select %eq3A_240, %broadcast_in_dim3A_241, %select_n3A_231 : vector<16xi1>, vector<16xf32>
      %get3A_243 = arith.constant 288 : index
      %get3A_244 = tpu.vector_load %arg10[%get3A_243] {strides = array<i32>} : memref<512xf32, #tpu.memory_space<vmem>>, vector<16xf32>,
      %reduce_min3A_245 = arith.constant true
      %reduce_min3A_246 = vector.broadcast %reduce_min3A_245 : i1 to vector<16xi1>
      %reduce_min3A_247 = tpu.scan <min>, %get3A_244 masked %reduce_min3A_246 : vector<16xf32>, vector<16xi1> -> vector<16xf32>
      %reduce_min3A_248 = vector.extract %reduce_min3A_247[15] : f32 from vector<16xf32>
      %eq3A_249 = arith.constant 2 : i32
      %eq3A_250 = vector.broadcast %eq3A_249 : i32 to vector<16xi32>
      %eq3A_251 = arith.cmpi eq, %iota3A_41, %eq3A_250 : vector<16xi32>
      %broadcast_in_dim3A_252 = vector.broadcast %reduce_min3A_248 : f32 to vector<16xf32>
      %select_n3A_253 = arith.select %eq3A_251, %broadcast_in_dim3A_252, %select_n3A_242 : vector<16xi1>, vector<16xf32>
      %get3A_254 = arith.constant 304 : index
      %get3A_255 = tpu.vector_load %arg10[%get3A_254] {strides = array<i32>} : memref<512xf32, #tpu.memory_space<vmem>>, vector<16xf32>,
      %reduce_min3A_256 = arith.constant true
      %reduce_min3A_257 = vector.broadcast %reduce_min3A_256 : i1 to vector<16xi1>
      %reduce_min3A_258 = tpu.scan <min>, %get3A_255 masked %reduce_min3A_257 : vector<16xf32>, vector<16xi1> -> vector<16xf32>
      %reduce_min3A_259 = vector.extract %reduce_min3A_258[15] : f32 from vector<16xf32>
      %eq3A_260 = arith.constant 3 : i32
      %eq3A_261 = vector.broadcast %eq3A_260 : i32 to vector<16xi32>
      %eq3A_262 = arith.cmpi eq, %iota3A_41, %eq3A_261 : vector<16xi32>
      %broadcast_in_dim3A_263 = vector.broadcast %reduce_min3A_259 : f32 to vector<16xf32>
      %select_n3A_264 = arith.select %eq3A_262, %broadcast_in_dim3A_263, %select_n3A_253 : vector<16xi1>, vector<16xf32>
      %get3A_265 = arith.constant 320 : index
      %get3A_266 = tpu.vector_load %arg10[%get3A_265] {strides = array<i32>} : memref<512xf32, #tpu.memory_space<vmem>>, vector<16xf32>,
      %reduce_min3A_267 = arith.constant true
      %reduce_min3A_268 = vector.broadcast %reduce_min3A_267 : i1 to vector<16xi1>
      %reduce_min3A_269 = tpu.scan <min>, %get3A_266 masked %reduce_min3A_268 : vector<16xf32>, vector<16xi1> -> vector<16xf32>
      %reduce_min3A_270 = vector.extract %reduce_min3A_269[15] : f32 from vector<16xf32>
      %eq3A_271 = arith.constant 4 : i32
      %eq3A_272 = vector.broadcast %eq3A_271 : i32 to vector<16xi32>
      %eq3A_273 = arith.cmpi eq, %iota3A_41, %eq3A_272 : vector<16xi32>
      %broadcast_in_dim3A_274 = vector.broadcast %reduce_min3A_270 : f32 to vector<16xf32>
      %select_n3A_275 = arith.select %eq3A_273, %broadcast_in_dim3A_274, %select_n3A_264 : vector<16xi1>, vector<16xf32>
      %get3A_276 = arith.constant 336 : index
      %get3A_277 = tpu.vector_load %arg10[%get3A_276] {strides = array<i32>} : memref<512xf32, #tpu.memory_space<vmem>>, vector<16xf32>,
      %reduce_min3A_278 = arith.constant true
      %reduce_min3A_279 = vector.broadcast %reduce_min3A_278 : i1 to vector<16xi1>
      %reduce_min3A_280 = tpu.scan <min>, %get3A_277 masked %reduce_min3A_279 : vector<16xf32>, vector<16xi1> -> vector<16xf32>
      %reduce_min3A_281 = vector.extract %reduce_min3A_280[15] : f32 from vector<16xf32>
      %eq3A_282 = arith.constant 5 : i32
      %eq3A_283 = vector.broadcast %eq3A_282 : i32 to vector<16xi32>
      %eq3A_284 = arith.cmpi eq, %iota3A_41, %eq3A_283 : vector<16xi32>
      %broadcast_in_dim3A_285 = vector.broadcast %reduce_min3A_281 : f32 to vector<16xf32>
      %select_n3A_286 = arith.select %eq3A_284, %broadcast_in_dim3A_285, %select_n3A_275 : vector<16xi1>, vector<16xf32>
      %get3A_287 = arith.constant 352 : index
      %get3A_288 = tpu.vector_load %arg10[%get3A_287] {strides = array<i32>} : memref<512xf32, #tpu.memory_space<vmem>>, vector<16xf32>,
      %reduce_min3A_289 = arith.constant true
      %reduce_min3A_290 = vector.broadcast %reduce_min3A_289 : i1 to vector<16xi1>
      %reduce_min3A_291 = tpu.scan <min>, %get3A_288 masked %reduce_min3A_290 : vector<16xf32>, vector<16xi1> -> vector<16xf32>
      %reduce_min3A_292 = vector.extract %reduce_min3A_291[15] : f32 from vector<16xf32>
      %eq3A_293 = arith.constant 6 : i32
      %eq3A_294 = vector.broadcast %eq3A_293 : i32 to vector<16xi32>
      %eq3A_295 = arith.cmpi eq, %iota3A_41, %eq3A_294 : vector<16xi32>
      %broadcast_in_dim3A_296 = vector.broadcast %reduce_min3A_292 : f32 to vector<16xf32>
      %select_n3A_297 = arith.select %eq3A_295, %broadcast_in_dim3A_296, %select_n3A_286 : vector<16xi1>, vector<16xf32>
      %get3A_298 = arith.constant 368 : index
      %get3A_299 = tpu.vector_load %arg10[%get3A_298] {strides = array<i32>} : memref<512xf32, #tpu.memory_space<vmem>>, vector<16xf32>,
      %reduce_min3A_300 = arith.constant true
      %reduce_min3A_301 = vector.broadcast %reduce_min3A_300 : i1 to vector<16xi1>
      %reduce_min3A_302 = tpu.scan <min>, %get3A_299 masked %reduce_min3A_301 : vector<16xf32>, vector<16xi1> -> vector<16xf32>
      %reduce_min3A_303 = vector.extract %reduce_min3A_302[15] : f32 from vector<16xf32>
      %eq3A_304 = arith.constant 7 : i32
      %eq3A_305 = vector.broadcast %eq3A_304 : i32 to vector<16xi32>
      %eq3A_306 = arith.cmpi eq, %iota3A_41, %eq3A_305 : vector<16xi32>
      %broadcast_in_dim3A_307 = vector.broadcast %reduce_min3A_303 : f32 to vector<16xf32>
      %select_n3A_308 = arith.select %eq3A_306, %broadcast_in_dim3A_307, %select_n3A_297 : vector<16xi1>, vector<16xf32>
      %get3A_309 = arith.constant 384 : index
      %get3A_310 = tpu.vector_load %arg10[%get3A_309] {strides = array<i32>} : memref<512xf32, #tpu.memory_space<vmem>>, vector<16xf32>,
      %reduce_min3A_311 = arith.constant true
      %reduce_min3A_312 = vector.broadcast %reduce_min3A_311 : i1 to vector<16xi1>
      %reduce_min3A_313 = tpu.scan <min>, %get3A_310 masked %reduce_min3A_312 : vector<16xf32>, vector<16xi1> -> vector<16xf32>
      %reduce_min3A_314 = vector.extract %reduce_min3A_313[15] : f32 from vector<16xf32>
      %eq3A_315 = arith.constant 8 : i32
      %eq3A_316 = vector.broadcast %eq3A_315 : i32 to vector<16xi32>
      %eq3A_317 = arith.cmpi eq, %iota3A_41, %eq3A_316 : vector<16xi32>
      %broadcast_in_dim3A_318 = vector.broadcast %reduce_min3A_314 : f32 to vector<16xf32>
      %select_n3A_319 = arith.select %eq3A_317, %broadcast_in_dim3A_318, %select_n3A_308 : vector<16xi1>, vector<16xf32>
      %get3A_320 = arith.constant 400 : index
      %get3A_321 = tpu.vector_load %arg10[%get3A_320] {strides = array<i32>} : memref<512xf32, #tpu.memory_space<vmem>>, vector<16xf32>,
      %reduce_min3A_322 = arith.constant true
      %reduce_min3A_323 = vector.broadcast %reduce_min3A_322 : i1 to vector<16xi1>
      %reduce_min3A_324 = tpu.scan <min>, %get3A_321 masked %reduce_min3A_323 : vector<16xf32>, vector<16xi1> -> vector<16xf32>
      %reduce_min3A_325 = vector.extract %reduce_min3A_324[15] : f32 from vector<16xf32>
      %eq3A_326 = arith.constant 9 : i32
      %eq3A_327 = vector.broadcast %eq3A_326 : i32 to vector<16xi32>
      %eq3A_328 = arith.cmpi eq, %iota3A_41, %eq3A_327 : vector<16xi32>
      %broadcast_in_dim3A_329 = vector.broadcast %reduce_min3A_325 : f32 to vector<16xf32>
      %select_n3A_330 = arith.select %eq3A_328, %broadcast_in_dim3A_329, %select_n3A_319 : vector<16xi1>, vector<16xf32>
      %get3A_331 = arith.constant 416 : index
      %get3A_332 = tpu.vector_load %arg10[%get3A_331] {strides = array<i32>} : memref<512xf32, #tpu.memory_space<vmem>>, vector<16xf32>,
      %reduce_min3A_333 = arith.constant true
      %reduce_min3A_334 = vector.broadcast %reduce_min3A_333 : i1 to vector<16xi1>
      %reduce_min3A_335 = tpu.scan <min>, %get3A_332 masked %reduce_min3A_334 : vector<16xf32>, vector<16xi1> -> vector<16xf32>
      %reduce_min3A_336 = vector.extract %reduce_min3A_335[15] : f32 from vector<16xf32>
      %eq3A_337 = arith.constant 10 : i32
      %eq3A_338 = vector.broadcast %eq3A_337 : i32 to vector<16xi32>
      %eq3A_339 = arith.cmpi eq, %iota3A_41, %eq3A_338 : vector<16xi32>
      %broadcast_in_dim3A_340 = vector.broadcast %reduce_min3A_336 : f32 to vector<16xf32>
      %select_n3A_341 = arith.select %eq3A_339, %broadcast_in_dim3A_340, %select_n3A_330 : vector<16xi1>, vector<16xf32>
      %get3A_342 = arith.constant 432 : index
      %get3A_343 = tpu.vector_load %arg10[%get3A_342] {strides = array<i32>} : memref<512xf32, #tpu.memory_space<vmem>>, vector<16xf32>,
      %reduce_min3A_344 = arith.constant true
      %reduce_min3A_345 = vector.broadcast %reduce_min3A_344 : i1 to vector<16xi1>
      %reduce_min3A_346 = tpu.scan <min>, %get3A_343 masked %reduce_min3A_345 : vector<16xf32>, vector<16xi1> -> vector<16xf32>
      %reduce_min3A_347 = vector.extract %reduce_min3A_346[15] : f32 from vector<16xf32>
      %eq3A_348 = arith.constant 11 : i32
      %eq3A_349 = vector.broadcast %eq3A_348 : i32 to vector<16xi32>
      %eq3A_350 = arith.cmpi eq, %iota3A_41, %eq3A_349 : vector<16xi32>
      %broadcast_in_dim3A_351 = vector.broadcast %reduce_min3A_347 : f32 to vector<16xf32>
      %select_n3A_352 = arith.select %eq3A_350, %broadcast_in_dim3A_351, %select_n3A_341 : vector<16xi1>, vector<16xf32>
      %get3A_353 = arith.constant 448 : index
      %get3A_354 = tpu.vector_load %arg10[%get3A_353] {strides = array<i32>} : memref<512xf32, #tpu.memory_space<vmem>>, vector<16xf32>,
      %reduce_min3A_355 = arith.constant true
      %reduce_min3A_356 = vector.broadcast %reduce_min3A_355 : i1 to vector<16xi1>
      %reduce_min3A_357 = tpu.scan <min>, %get3A_354 masked %reduce_min3A_356 : vector<16xf32>, vector<16xi1> -> vector<16xf32>
      %reduce_min3A_358 = vector.extract %reduce_min3A_357[15] : f32 from vector<16xf32>
      %eq3A_359 = arith.constant 12 : i32
      %eq3A_360 = vector.broadcast %eq3A_359 : i32 to vector<16xi32>
      %eq3A_361 = arith.cmpi eq, %iota3A_41, %eq3A_360 : vector<16xi32>
      %broadcast_in_dim3A_362 = vector.broadcast %reduce_min3A_358 : f32 to vector<16xf32>
      %select_n3A_363 = arith.select %eq3A_361, %broadcast_in_dim3A_362, %select_n3A_352 : vector<16xi1>, vector<16xf32>
      %get3A_364 = arith.constant 464 : index
      %get3A_365 = tpu.vector_load %arg10[%get3A_364] {strides = array<i32>} : memref<512xf32, #tpu.memory_space<vmem>>, vector<16xf32>,
      %reduce_min3A_366 = arith.constant true
      %reduce_min3A_367 = vector.broadcast %reduce_min3A_366 : i1 to vector<16xi1>
      %reduce_min3A_368 = tpu.scan <min>, %get3A_365 masked %reduce_min3A_367 : vector<16xf32>, vector<16xi1> -> vector<16xf32>
      %reduce_min3A_369 = vector.extract %reduce_min3A_368[15] : f32 from vector<16xf32>
      %eq3A_370 = arith.constant 13 : i32
      %eq3A_371 = vector.broadcast %eq3A_370 : i32 to vector<16xi32>
      %eq3A_372 = arith.cmpi eq, %iota3A_41, %eq3A_371 : vector<16xi32>
      %broadcast_in_dim3A_373 = vector.broadcast %reduce_min3A_369 : f32 to vector<16xf32>
      %select_n3A_374 = arith.select %eq3A_372, %broadcast_in_dim3A_373, %select_n3A_363 : vector<16xi1>, vector<16xf32>
      %get3A_375 = arith.constant 480 : index
      %get3A_376 = tpu.vector_load %arg10[%get3A_375] {strides = array<i32>} : memref<512xf32, #tpu.memory_space<vmem>>, vector<16xf32>,
      %reduce_min3A_377 = arith.constant true
      %reduce_min3A_378 = vector.broadcast %reduce_min3A_377 : i1 to vector<16xi1>
      %reduce_min3A_379 = tpu.scan <min>, %get3A_376 masked %reduce_min3A_378 : vector<16xf32>, vector<16xi1> -> vector<16xf32>
      %reduce_min3A_380 = vector.extract %reduce_min3A_379[15] : f32 from vector<16xf32>
      %eq3A_381 = arith.constant 14 : i32
      %eq3A_382 = vector.broadcast %eq3A_381 : i32 to vector<16xi32>
      %eq3A_383 = arith.cmpi eq, %iota3A_41, %eq3A_382 : vector<16xi32>
      %broadcast_in_dim3A_384 = vector.broadcast %reduce_min3A_380 : f32 to vector<16xf32>
      %select_n3A_385 = arith.select %eq3A_383, %broadcast_in_dim3A_384, %select_n3A_374 : vector<16xi1>, vector<16xf32>
      %get3A_386 = arith.constant 496 : index
      %get3A_387 = tpu.vector_load %arg10[%get3A_386] {strides = array<i32>} : memref<512xf32, #tpu.memory_space<vmem>>, vector<16xf32>,
      %reduce_min3A_388 = arith.constant true
      %reduce_min3A_389 = vector.broadcast %reduce_min3A_388 : i1 to vector<16xi1>
      %reduce_min3A_390 = tpu.scan <min>, %get3A_387 masked %reduce_min3A_389 : vector<16xf32>, vector<16xi1> -> vector<16xf32>
      %reduce_min3A_391 = vector.extract %reduce_min3A_390[15] : f32 from vector<16xf32>
      %eq3A_392 = arith.constant 15 : i32
      %eq3A_393 = vector.broadcast %eq3A_392 : i32 to vector<16xi32>
      %eq3A_394 = arith.cmpi eq, %iota3A_41, %eq3A_393 : vector<16xi32>
      %broadcast_in_dim3A_395 = vector.broadcast %reduce_min3A_391 : f32 to vector<16xf32>
      %select_n3A_396 = arith.select %eq3A_394, %broadcast_in_dim3A_395, %select_n3A_385 : vector<16xi1>, vector<16xf32>
      %swap3A_397 = arith.constant 16 : index
      %swap3A_398 = tpu.vector_load %arg11[%swap3A_397] {strides = array<i32>} : memref<32xf32, #tpu.memory_space<vmem>>, vector<16xf32>,
      tpu.vector_store %arg11[%swap3A_397], %select_n3A_396 {strides = array<i32>} : memref<32xf32, #tpu.memory_space<vmem>>, vector<16xf32>,
      %iota3A_399 = tpu.iota {dimensions = array<i32: 0>} : vector<16xi32>
      %scan3A_400 = arith.constant 0 : i32
      %scan3A_401 = arith.constant 0 : i32
      %scan3A_402 = arith.constant 64 : i32
      %scan3A_403 = arith.addi %scan3A_401, %scan3A_402 : i32
      %scan3A_404 = arith.constant 1 : i32
      scf.for %scan3A_990 = %scan3A_401 to %scan3A_403 step %scan3A_404  : i32 {
        %get3A_991 = arith.constant 0 : index
        %get3A_992 = tpu.vector_load %arg11[%get3A_991] {strides = array<i32>} : memref<32xf32, #tpu.memory_space<vmem>>, vector<16xf32>,
        %get3A_993 = arith.constant 16 : index
        %get3A_994 = tpu.vector_load %arg11[%get3A_993] {strides = array<i32>} : memref<32xf32, #tpu.memory_space<vmem>>, vector<16xf32>,
        %min3A = arith.minimumf %get3A_992, %get3A_994 : vector<16xf32>
        %reduce_min3A_995 = arith.constant true
        %reduce_min3A_996 = vector.broadcast %reduce_min3A_995 : i1 to vector<16xi1>
        %reduce_min3A_997 = tpu.scan <min>, %min3A masked %reduce_min3A_996 : vector<16xf32>, vector<16xi1> -> vector<16xf32>
        %reduce_min3A_998 = vector.extract %reduce_min3A_997[15] : f32 from vector<16xf32>
        %le3A = vector.broadcast %reduce_min3A_998 : f32 to vector<16xf32>
        %le3A_999 = arith.cmpf ole, %get3A_992, %le3A : vector<16xf32>
        %jit3A = arith.constant 1073741824 : i32
        %broadcast_in_dim3A_1000 = vector.broadcast %jit3A : i32 to vector<16xi32>
        %select_n3A_1001 = arith.select %le3A_999, %iota3A_399, %broadcast_in_dim3A_1000 : vector<16xi1>, vector<16xi32>
        %le3A_1002 = vector.broadcast %reduce_min3A_998 : f32 to vector<16xf32>
        %le3A_1003 = arith.cmpf ole, %get3A_994, %le3A_1002 : vector<16xf32>
        %add3A_1004 = arith.constant 16 : i32
        %add3A_1005 = vector.broadcast %add3A_1004 : i32 to vector<16xi32>
        %add3A_1006 = arith.addi %add3A_1005, %iota3A_399 : vector<16xi32>
        %jit3A_1007 = arith.constant 1073741824 : i32
        %broadcast_in_dim3A_1008 = vector.broadcast %jit3A_1007 : i32 to vector<16xi32>
        %select_n3A_1009 = arith.select %le3A_1003, %add3A_1006, %broadcast_in_dim3A_1008 : vector<16xi1>, vector<16xi32>
        %min3A_1010 = arith.minsi %select_n3A_1001, %select_n3A_1009 : vector<16xi32>
        %reduce_min3A_1011 = arith.constant true
        %reduce_min3A_1012 = vector.broadcast %reduce_min3A_1011 : i1 to vector<16xi1>
        %reduce_min3A_1013 = arith.constant -2147483648 : i32
        %reduce_min3A_1014 = vector.broadcast %reduce_min3A_1013 : i32 to vector<16xi32>
        %reduce_min3A_1015 = arith.xori %min3A_1010, %reduce_min3A_1014 : vector<16xi32>
        %reduce_min3A_1016 = tpu.scan <min>, %reduce_min3A_1015 masked %reduce_min3A_1012 : vector<16xi32>, vector<16xi1> -> vector<16xi32>
        %reduce_min3A_1017 = arith.xori %reduce_min3A_1016, %reduce_min3A_1014 : vector<16xi32>
        %reduce_min3A_1018 = vector.extract %reduce_min3A_1017[15] : i32 from vector<16xi32>
        %mul3A_1019 = arith.constant 16 : i32
        %mul3A_1020 = arith.muli %reduce_min3A_1018, %mul3A_1019 : i32
        %get3A_1021 = arith.index_cast %mul3A_1020 : i32 to index
        %get3A_1022 = tpu.vector_load %arg10[%get3A_1021] {strides = array<i32>} : memref<512xf32, #tpu.memory_space<vmem>>, vector<16xf32>,
        %le3A_1023 = vector.broadcast %reduce_min3A_998 : f32 to vector<16xf32>
        %le3A_1024 = arith.cmpf ole, %get3A_1022, %le3A_1023 : vector<16xf32>
        %jit3A_1025 = arith.constant 1073741824 : i32
        %broadcast_in_dim3A_1026 = vector.broadcast %jit3A_1025 : i32 to vector<16xi32>
        %select_n3A_1027 = arith.select %le3A_1024, %iota3A_399, %broadcast_in_dim3A_1026 : vector<16xi1>, vector<16xi32>
        %reduce_min3A_1028 = arith.constant true
        %reduce_min3A_1029 = vector.broadcast %reduce_min3A_1028 : i1 to vector<16xi1>
        %reduce_min3A_1030 = arith.constant -2147483648 : i32
        %reduce_min3A_1031 = vector.broadcast %reduce_min3A_1030 : i32 to vector<16xi32>
        %reduce_min3A_1032 = arith.xori %select_n3A_1027, %reduce_min3A_1031 : vector<16xi32>
        %reduce_min3A_1033 = tpu.scan <min>, %reduce_min3A_1032 masked %reduce_min3A_1029 : vector<16xi32>, vector<16xi1> -> vector<16xi32>
        %reduce_min3A_1034 = arith.xori %reduce_min3A_1033, %reduce_min3A_1031 : vector<16xi32>
        %reduce_min3A_1035 = vector.extract %reduce_min3A_1034[15] : i32 from vector<16xi32>
        %mul3A_1036 = arith.constant 16 : i32
        %mul3A_1037 = arith.muli %reduce_min3A_1018, %mul3A_1036 : i32
        %add3A_1038 = arith.addi %mul3A_1037, %reduce_min3A_1035 : i32
        %mul3A_1039 = arith.constant 16 : i32
        %mul3A_1040 = arith.muli %add3A_1038, %mul3A_1039 : i32
        %get3A_1041 = arith.index_cast %mul3A_1040 : i32 to index
        %get3A_1042 = tpu.vector_load %arg7[%get3A_1041] {strides = array<i32>} : memref<7936xf32, #tpu.memory_space<vmem>>, vector<16xf32>,
        %le3A_1043 = vector.broadcast %reduce_min3A_998 : f32 to vector<16xf32>
        %le3A_1044 = arith.cmpf ole, %get3A_1042, %le3A_1043 : vector<16xf32>
        %jit3A_1045 = arith.constant 1073741824 : i32
        %broadcast_in_dim3A_1046 = vector.broadcast %jit3A_1045 : i32 to vector<16xi32>
        %select_n3A_1047 = arith.select %le3A_1044, %iota3A_399, %broadcast_in_dim3A_1046 : vector<16xi1>, vector<16xi32>
        %reduce_min3A_1048 = arith.constant true
        %reduce_min3A_1049 = vector.broadcast %reduce_min3A_1048 : i1 to vector<16xi1>
        %reduce_min3A_1050 = arith.constant -2147483648 : i32
        %reduce_min3A_1051 = vector.broadcast %reduce_min3A_1050 : i32 to vector<16xi32>
        %reduce_min3A_1052 = arith.xori %select_n3A_1047, %reduce_min3A_1051 : vector<16xi32>
        %reduce_min3A_1053 = tpu.scan <min>, %reduce_min3A_1052 masked %reduce_min3A_1049 : vector<16xi32>, vector<16xi1> -> vector<16xi32>
        %reduce_min3A_1054 = arith.xori %reduce_min3A_1053, %reduce_min3A_1051 : vector<16xi32>
        %reduce_min3A_1055 = vector.extract %reduce_min3A_1054[15] : i32 from vector<16xi32>
        %mul3A_1056 = arith.constant 16 : i32
        %mul3A_1057 = arith.muli %add3A_1038, %mul3A_1056 : i32
        %add3A_1058 = arith.addi %mul3A_1057, %reduce_min3A_1055 : i32
        %broadcast_in_dim3A_1059 = vector.broadcast %scan3A_990 : i32 to vector<16xi32>
        %broadcast_in_dim3A_1060 = vector.broadcast %add3A_1058 : i32 to vector<16xi32>
        %iota3A_1061 = tpu.iota {dimensions = array<i32: 0>} : vector<16xi32>
        %eq3A_1062 = arith.constant 0 : i32
        %eq3A_1063 = vector.broadcast %eq3A_1062 : i32 to vector<16xi32>
        %eq3A_1064 = arith.cmpi eq, %iota3A_1061, %eq3A_1063 : vector<16xi32>
        tpu.vector_store_idx %arg12[%broadcast_in_dim3A_1059], %broadcast_in_dim3A_1060 masked %eq3A_1064 : memref<64xi32, #tpu.memory_space<vmem>>[vector<16xi32>], vector<16xi32>, vector<16xi1>
        %eq3A_1065 = vector.broadcast %reduce_min3A_1055 : i32 to vector<16xi32>
        %eq3A_1066 = arith.cmpi eq, %iota3A_399, %eq3A_1065 : vector<16xi32>
        %jit3A_1067 = arith.constant 3.000000e+38 : f32
        %broadcast_in_dim3A_1068 = vector.broadcast %jit3A_1067 : f32 to vector<16xf32>
        %select_n3A_1069 = arith.select %eq3A_1066, %broadcast_in_dim3A_1068, %get3A_1042 : vector<16xi1>, vector<16xf32>
        %mul3A_1070 = arith.constant 16 : i32
        %mul3A_1071 = arith.muli %add3A_1038, %mul3A_1070 : i32
        %swap3A_1072 = arith.index_cast %mul3A_1071 : i32 to index
        %swap3A_1073 = tpu.vector_load %arg7[%swap3A_1072] {strides = array<i32>} : memref<7936xf32, #tpu.memory_space<vmem>>, vector<16xf32>,
        tpu.vector_store %arg7[%swap3A_1072], %select_n3A_1069 {strides = array<i32>} : memref<7936xf32, #tpu.memory_space<vmem>>, vector<16xf32>,
        %eq3A_1074 = vector.broadcast %reduce_min3A_1035 : i32 to vector<16xi32>
        %eq3A_1075 = arith.cmpi eq, %iota3A_399, %eq3A_1074 : vector<16xi32>
        %reduce_min3A_1076 = arith.constant true
        %reduce_min3A_1077 = vector.broadcast %reduce_min3A_1076 : i1 to vector<16xi1>
        %reduce_min3A_1078 = tpu.scan <min>, %select_n3A_1069 masked %reduce_min3A_1077 : vector<16xf32>, vector<16xi1> -> vector<16xf32>
        %reduce_min3A_1079 = vector.extract %reduce_min3A_1078[15] : f32 from vector<16xf32>
        %broadcast_in_dim3A_1080 = vector.broadcast %reduce_min3A_1079 : f32 to vector<16xf32>
        %select_n3A_1081 = arith.select %eq3A_1075, %broadcast_in_dim3A_1080, %get3A_1022 : vector<16xi1>, vector<16xf32>
        %mul3A_1082 = arith.constant 16 : i32
        %mul3A_1083 = arith.muli %reduce_min3A_1018, %mul3A_1082 : i32
        %swap3A_1084 = arith.index_cast %mul3A_1083 : i32 to index
        %swap3A_1085 = tpu.vector_load %arg10[%swap3A_1084] {strides = array<i32>} : memref<512xf32, #tpu.memory_space<vmem>>, vector<16xf32>,
        tpu.vector_store %arg10[%swap3A_1084], %select_n3A_1081 {strides = array<i32>} : memref<512xf32, #tpu.memory_space<vmem>>, vector<16xf32>,
        %reduce_min3A_1086 = arith.constant true
        %reduce_min3A_1087 = vector.broadcast %reduce_min3A_1086 : i1 to vector<16xi1>
        %reduce_min3A_1088 = tpu.scan <min>, %select_n3A_1081 masked %reduce_min3A_1087 : vector<16xf32>, vector<16xi1> -> vector<16xf32>
        %reduce_min3A_1089 = vector.extract %reduce_min3A_1088[15] : f32 from vector<16xf32>
        %broadcast_in_dim3A_1090 = vector.broadcast %reduce_min3A_1018 : i32 to vector<16xi32>
        %broadcast_in_dim3A_1091 = vector.broadcast %reduce_min3A_1089 : f32 to vector<16xf32>
        %iota3A_1092 = tpu.iota {dimensions = array<i32: 0>} : vector<16xi32>
        %eq3A_1093 = arith.constant 0 : i32
        %eq3A_1094 = vector.broadcast %eq3A_1093 : i32 to vector<16xi32>
        %eq3A_1095 = arith.cmpi eq, %iota3A_1092, %eq3A_1094 : vector<16xi32>
        tpu.vector_store_idx %arg11[%broadcast_in_dim3A_1090], %broadcast_in_dim3A_1091 masked %eq3A_1095 : memref<32xf32, #tpu.memory_space<vmem>>[vector<16xi32>], vector<16xf32>, vector<16xi1>
      }
      %scan3A_405 = arith.constant 64 : i32
      %iota3A_406 = tpu.iota {dimensions = array<i32: 0>} : vector<16xi32>
      %scan3A_407 = arith.constant 0 : i32
      %scan3A_408 = arith.constant 0 : i32
      %scan3A_409 = arith.constant 64 : i32
      %scan3A_410 = arith.addi %scan3A_408, %scan3A_409 : i32
      %scan3A_411 = arith.constant 1 : i32
      scf.for %scan3A_990 = %scan3A_408 to %scan3A_410 step %scan3A_411  : i32 {
        %broadcast_in_dim3A_991 = arith.constant 1073741824 : i32
        %broadcast_in_dim3A_992 = vector.broadcast %broadcast_in_dim3A_991 : i32 to vector<16xi32>
        %get3A_993 = arith.constant 0 : index
        %get3A_994 = tpu.vector_load %arg12[%get3A_993] {strides = array<i32>} : memref<64xi32, #tpu.memory_space<vmem>>, vector<16xi32>,
        %min3A = arith.minsi %broadcast_in_dim3A_992, %get3A_994 : vector<16xi32>
        %get3A_995 = arith.constant 16 : index
        %get3A_996 = tpu.vector_load %arg12[%get3A_995] {strides = array<i32>} : memref<64xi32, #tpu.memory_space<vmem>>, vector<16xi32>,
        %min3A_997 = arith.minsi %min3A, %get3A_996 : vector<16xi32>
        %get3A_998 = arith.constant 32 : index
        %get3A_999 = tpu.vector_load %arg12[%get3A_998] {strides = array<i32>} : memref<64xi32, #tpu.memory_space<vmem>>, vector<16xi32>,
        %min3A_1000 = arith.minsi %min3A_997, %get3A_999 : vector<16xi32>
        %get3A_1001 = arith.constant 48 : index
        %get3A_1002 = tpu.vector_load %arg12[%get3A_1001] {strides = array<i32>} : memref<64xi32, #tpu.memory_space<vmem>>, vector<16xi32>,
        %min3A_1003 = arith.minsi %min3A_1000, %get3A_1002 : vector<16xi32>
        %reduce_min3A_1004 = arith.constant true
        %reduce_min3A_1005 = vector.broadcast %reduce_min3A_1004 : i1 to vector<16xi1>
        %reduce_min3A_1006 = arith.constant -2147483648 : i32
        %reduce_min3A_1007 = vector.broadcast %reduce_min3A_1006 : i32 to vector<16xi32>
        %reduce_min3A_1008 = arith.xori %min3A_1003, %reduce_min3A_1007 : vector<16xi32>
        %reduce_min3A_1009 = tpu.scan <min>, %reduce_min3A_1008 masked %reduce_min3A_1005 : vector<16xi32>, vector<16xi1> -> vector<16xi32>
        %reduce_min3A_1010 = arith.xori %reduce_min3A_1009, %reduce_min3A_1007 : vector<16xi32>
        %reduce_min3A_1011 = vector.extract %reduce_min3A_1010[15] : i32 from vector<16xi32>
        %broadcast_in_dim3A_1012 = arith.constant 1073741824 : i32
        %broadcast_in_dim3A_1013 = vector.broadcast %broadcast_in_dim3A_1012 : i32 to vector<16xi32>
        %get3A_1014 = arith.constant 0 : index
        %get3A_1015 = tpu.vector_load %arg12[%get3A_1014] {strides = array<i32>} : memref<64xi32, #tpu.memory_space<vmem>>, vector<16xi32>,
        %le3A = vector.broadcast %reduce_min3A_1011 : i32 to vector<16xi32>
        %le3A_1016 = arith.cmpi sle, %get3A_1015, %le3A : vector<16xi32>
        %add3A_1017 = arith.constant 0 : i32
        %add3A_1018 = vector.broadcast %add3A_1017 : i32 to vector<16xi32>
        %add3A_1019 = arith.addi %add3A_1018, %iota3A_406 : vector<16xi32>
        %jit3A = arith.constant 1073741824 : i32
        %broadcast_in_dim3A_1020 = vector.broadcast %jit3A : i32 to vector<16xi32>
        %select_n3A_1021 = arith.select %le3A_1016, %add3A_1019, %broadcast_in_dim3A_1020 : vector<16xi1>, vector<16xi32>
        %min3A_1022 = arith.minsi %broadcast_in_dim3A_1013, %select_n3A_1021 : vector<16xi32>
        %get3A_1023 = arith.constant 16 : index
        %get3A_1024 = tpu.vector_load %arg12[%get3A_1023] {strides = array<i32>} : memref<64xi32, #tpu.memory_space<vmem>>, vector<16xi32>,
        %le3A_1025 = vector.broadcast %reduce_min3A_1011 : i32 to vector<16xi32>
        %le3A_1026 = arith.cmpi sle, %get3A_1024, %le3A_1025 : vector<16xi32>
        %add3A_1027 = arith.constant 16 : i32
        %add3A_1028 = vector.broadcast %add3A_1027 : i32 to vector<16xi32>
        %add3A_1029 = arith.addi %add3A_1028, %iota3A_406 : vector<16xi32>
        %jit3A_1030 = arith.constant 1073741824 : i32
        %broadcast_in_dim3A_1031 = vector.broadcast %jit3A_1030 : i32 to vector<16xi32>
        %select_n3A_1032 = arith.select %le3A_1026, %add3A_1029, %broadcast_in_dim3A_1031 : vector<16xi1>, vector<16xi32>
        %min3A_1033 = arith.minsi %min3A_1022, %select_n3A_1032 : vector<16xi32>
        %get3A_1034 = arith.constant 32 : index
        %get3A_1035 = tpu.vector_load %arg12[%get3A_1034] {strides = array<i32>} : memref<64xi32, #tpu.memory_space<vmem>>, vector<16xi32>,
        %le3A_1036 = vector.broadcast %reduce_min3A_1011 : i32 to vector<16xi32>
        %le3A_1037 = arith.cmpi sle, %get3A_1035, %le3A_1036 : vector<16xi32>
        %add3A_1038 = arith.constant 32 : i32
        %add3A_1039 = vector.broadcast %add3A_1038 : i32 to vector<16xi32>
        %add3A_1040 = arith.addi %add3A_1039, %iota3A_406 : vector<16xi32>
        %jit3A_1041 = arith.constant 1073741824 : i32
        %broadcast_in_dim3A_1042 = vector.broadcast %jit3A_1041 : i32 to vector<16xi32>
        %select_n3A_1043 = arith.select %le3A_1037, %add3A_1040, %broadcast_in_dim3A_1042 : vector<16xi1>, vector<16xi32>
        %min3A_1044 = arith.minsi %min3A_1033, %select_n3A_1043 : vector<16xi32>
        %get3A_1045 = arith.constant 48 : index
        %get3A_1046 = tpu.vector_load %arg12[%get3A_1045] {strides = array<i32>} : memref<64xi32, #tpu.memory_space<vmem>>, vector<16xi32>,
        %le3A_1047 = vector.broadcast %reduce_min3A_1011 : i32 to vector<16xi32>
        %le3A_1048 = arith.cmpi sle, %get3A_1046, %le3A_1047 : vector<16xi32>
        %add3A_1049 = arith.constant 48 : i32
        %add3A_1050 = vector.broadcast %add3A_1049 : i32 to vector<16xi32>
        %add3A_1051 = arith.addi %add3A_1050, %iota3A_406 : vector<16xi32>
        %jit3A_1052 = arith.constant 1073741824 : i32
        %broadcast_in_dim3A_1053 = vector.broadcast %jit3A_1052 : i32 to vector<16xi32>
        %select_n3A_1054 = arith.select %le3A_1048, %add3A_1051, %broadcast_in_dim3A_1053 : vector<16xi1>, vector<16xi32>
        %min3A_1055 = arith.minsi %min3A_1044, %select_n3A_1054 : vector<16xi32>
        %reduce_min3A_1056 = arith.constant true
        %reduce_min3A_1057 = vector.broadcast %reduce_min3A_1056 : i1 to vector<16xi1>
        %reduce_min3A_1058 = arith.constant -2147483648 : i32
        %reduce_min3A_1059 = vector.broadcast %reduce_min3A_1058 : i32 to vector<16xi32>
        %reduce_min3A_1060 = arith.xori %min3A_1055, %reduce_min3A_1059 : vector<16xi32>
        %reduce_min3A_1061 = tpu.scan <min>, %reduce_min3A_1060 masked %reduce_min3A_1057 : vector<16xi32>, vector<16xi1> -> vector<16xi32>
        %reduce_min3A_1062 = arith.xori %reduce_min3A_1061, %reduce_min3A_1059 : vector<16xi32>
        %reduce_min3A_1063 = vector.extract %reduce_min3A_1062[15] : i32 from vector<16xi32>
        %broadcast_in_dim3A_1064 = vector.broadcast %scan3A_990 : i32 to vector<16xi32>
        %broadcast_in_dim3A_1065 = vector.broadcast %reduce_min3A_1011 : i32 to vector<16xi32>
        %iota3A_1066 = tpu.iota {dimensions = array<i32: 0>} : vector<16xi32>
        %eq3A_1067 = arith.constant 0 : i32
        %eq3A_1068 = vector.broadcast %eq3A_1067 : i32 to vector<16xi32>
        %eq3A_1069 = arith.cmpi eq, %iota3A_1066, %eq3A_1068 : vector<16xi32>
        tpu.vector_store_idx %arg13[%broadcast_in_dim3A_1064], %broadcast_in_dim3A_1065 masked %eq3A_1069 : memref<64xi32, #tpu.memory_space<vmem>>[vector<16xi32>], vector<16xi32>, vector<16xi1>
        %broadcast_in_dim3A_1070 = vector.broadcast %reduce_min3A_1063 : i32 to vector<16xi32>
        %broadcast_in_dim3A_1071 = arith.constant 1073741824 : i32
        %broadcast_in_dim3A_1072 = vector.broadcast %broadcast_in_dim3A_1071 : i32 to vector<16xi32>
        %iota3A_1073 = tpu.iota {dimensions = array<i32: 0>} : vector<16xi32>
        %eq3A_1074 = arith.constant 0 : i32
        %eq3A_1075 = vector.broadcast %eq3A_1074 : i32 to vector<16xi32>
        %eq3A_1076 = arith.cmpi eq, %iota3A_1073, %eq3A_1075 : vector<16xi32>
        tpu.vector_store_idx %arg12[%broadcast_in_dim3A_1070], %broadcast_in_dim3A_1072 masked %eq3A_1076 : memref<64xi32, #tpu.memory_space<vmem>>[vector<16xi32>], vector<16xi32>, vector<16xi1>
      }
      %scan3A_412 = arith.constant 64 : i32
      %lt3A = arith.constant 3 : i32
      %lt3A_413 = arith.cmpi slt, %scan3A_24, %lt3A : i32
      %convert_element_type3A = arith.extui %lt3A_413 : i1 to i32
      %cond3A = arith.constant 0 : i32
      %cond3A_414 = arith.cmpi ne, %convert_element_type3A, %cond3A : i32
      scf.if %cond3A_414 {
        %add3A_990 = arith.constant 1 : i32
        %add3A_991 = arith.addi %add3A_27, %add3A_990 : i32
        %mul3A_992 = arith.constant 7936 : i32
        %mul3A_993 = arith.muli %add3A_991, %mul3A_992 : i32
        %dma_start3A_994 = tpu.memref_slice %arg3[%mul3A_993] : memref<1015808xf32, #tpu.memory_space<hbm>> -> memref<7936xf32, #tpu.memory_space<hbm>>
        %dma_start3A_995 = tpu.memref_slice %arg3[%mul3A_993] : memref<1015808xf32, #tpu.memory_space<hbm>> -> memref<7936xf32, #tpu.memory_space<hbm>>
        tpu.enqueue_dma source(%dma_start3A_995 : memref<7936xf32, #tpu.memory_space<hbm>>) target(%arg7 : memref<7936xf32, #tpu.memory_space<vmem>>) target_semaphore(%arg21 : memref<!tpu.dma_semaphore, #tpu.memory_space<semaphore_mem>>)
      } else {
      }
      %scan3A_415 = arith.constant 0 : i32
      %scan3A_416 = arith.constant 0 : i32
      %scan3A_417 = arith.constant 64 : i32
      %scan3A_418 = arith.addi %scan3A_416, %scan3A_417 : i32
      %scan3A_419 = arith.constant 1 : i32
      scf.for %scan3A_990 = %scan3A_416 to %scan3A_418 step %scan3A_419  : i32 {
        %shift_right_arithmetic3A_991 = arith.constant 4 : i32
        %shift_right_arithmetic3A_992 = arith.shrsi %scan3A_990, %shift_right_arithmetic3A_991 : i32
        %mul3A_993 = arith.constant 16 : i32
        %mul3A_994 = arith.muli %shift_right_arithmetic3A_992, %mul3A_993 : i32
        %get3A_995 = arith.index_cast %mul3A_994 : i32 to index
        %get3A_996 = tpu.vector_load %arg13[%get3A_995] {strides = array<i32>} : memref<64xi32, #tpu.memory_space<vmem>>, vector<16xi32>,
        %and3A_997 = arith.constant 15 : i32
        %and3A_998 = arith.andi %scan3A_990, %and3A_997 : i32
        %eq3A_999 = vector.broadcast %and3A_998 : i32 to vector<16xi32>
        %eq3A_1000 = arith.cmpi eq, %iota3A, %eq3A_999 : vector<16xi32>
        %jit3A = arith.constant 0 : i32
        %broadcast_in_dim3A_1001 = vector.broadcast %jit3A : i32 to vector<16xi32>
        %select_n3A_1002 = arith.select %eq3A_1000, %get3A_996, %broadcast_in_dim3A_1001 : vector<16xi1>, vector<16xi32>
        %reduce_sum3A_1003 = arith.constant true
        %reduce_sum3A_1004 = vector.broadcast %reduce_sum3A_1003 : i1 to vector<16xi1>
        %reduce_sum3A_1005 = tpu.scan <sum>, %select_n3A_1002 masked %reduce_sum3A_1004 : vector<16xi32>, vector<16xi1> -> vector<16xi32>
        %reduce_sum3A_1006 = vector.extract %reduce_sum3A_1005[15] : i32 from vector<16xi32>
        %jit3A_1007 = arith.constant 128 : i32
        %div3A_1008 = arith.divsi %reduce_sum3A_1006, %jit3A_1007 : i32
        %sign3A = arith.constant 0 : i32
        %sign3A_1009 = arith.cmpi sgt, %reduce_sum3A_1006, %sign3A : i32
        %sign3A_1010 = arith.extui %sign3A_1009 : i1 to i32
        %sign3A_1011 = arith.constant 0 : i32
        %sign3A_1012 = arith.cmpi slt, %reduce_sum3A_1006, %sign3A_1011 : i32
        %sign3A_1013 = arith.extui %sign3A_1012 : i1 to i32
        %sign3A_1014 = arith.subi %sign3A_1010, %sign3A_1013 : i32
        %sign3A_1015 = arith.constant 0 : i32
        %sign3A_1016 = arith.cmpi sgt, %jit3A_1007, %sign3A_1015 : i32
        %sign3A_1017 = arith.extui %sign3A_1016 : i1 to i32
        %sign3A_1018 = arith.constant 0 : i32
        %sign3A_1019 = arith.cmpi slt, %jit3A_1007, %sign3A_1018 : i32
        %sign3A_1020 = arith.extui %sign3A_1019 : i1 to i32
        %sign3A_1021 = arith.subi %sign3A_1017, %sign3A_1020 : i32
        %ne3A = arith.cmpi ne, %sign3A_1014, %sign3A_1021 : i32
        %rem3A = arith.remsi %reduce_sum3A_1006, %jit3A_1007 : i32
        %ne3A_1022 = arith.constant 0 : i32
        %ne3A_1023 = arith.cmpi ne, %rem3A, %ne3A_1022 : i32
        %and3A_1024 = arith.andi %ne3A, %ne3A_1023 : i1
        %sub3A_1025 = arith.constant 1 : i32
        %sub3A_1026 = arith.subi %div3A_1008, %sub3A_1025 : i32
        %select_n3A_1027 = arith.select %and3A_1024, %sub3A_1026, %div3A_1008 : i32
        %jit3A_1028 = arith.constant 128 : i32
        %eq3A_1029 = arith.constant 0 : i32
        %eq3A_1030 = arith.cmpi eq, %jit3A_1028, %eq3A_1029 : i32
        %jit3A_1031 = arith.constant 1 : i32
        %select_n3A_1032 = arith.select %eq3A_1030, %jit3A_1031, %jit3A_1028 : i32
        %rem3A_1033 = arith.remsi %reduce_sum3A_1006, %select_n3A_1032 : i32
        %ne3A_1034 = arith.constant 0 : i32
        %ne3A_1035 = arith.cmpi ne, %rem3A_1033, %ne3A_1034 : i32
        %lt3A_1036 = arith.constant 0 : i32
        %lt3A_1037 = arith.cmpi slt, %rem3A_1033, %lt3A_1036 : i32
        %lt3A_1038 = arith.constant 0 : i32
        %lt3A_1039 = arith.cmpi slt, %select_n3A_1032, %lt3A_1038 : i32
        %ne3A_1040 = arith.xori %lt3A_1037, %lt3A_1039 : i1
        %and3A_1041 = arith.andi %ne3A_1040, %ne3A_1035 : i1
        %add3A_1042 = arith.addi %rem3A_1033, %select_n3A_1032 : i32
        %select_n3A_1043 = arith.select %and3A_1041, %add3A_1042, %rem3A_1033 : i32
        %mul3A_1044 = arith.constant 128 : i32
        %mul3A_1045 = arith.muli %select_n3A_1043, %mul3A_1044 : i32
        %mul3A_1046 = arith.constant 128 : i32
        %mul3A_1047 = arith.muli %scan3A_990, %mul3A_1046 : i32
        %dma_start3A_1048 = tpu.memref_slice %arg8[%mul3A_1047] : memref<8192xf32, #tpu.memory_space<vmem>> -> memref<128xf32, #tpu.memory_space<vmem>>
        %dma_start3A_1049 = tpu.memref_slice %arg2[%select_n3A_1027, %add3A_27, %mul3A_1045] : memref<62x128x16384xf32, #tpu.memory_space<hbm>> -> memref<1x1x128xf32, #tpu.memory_space<hbm>>
        %dma_start3A_1050 = tpu.memref_squeeze %dma_start3A_1049 : memref<1x1x128xf32, #tpu.memory_space<hbm>> -> memref<128xf32, #tpu.memory_space<hbm>>
        %dma_start3A_1051 = tpu.memref_slice %arg8[%mul3A_1047] : memref<8192xf32, #tpu.memory_space<vmem>> -> memref<128xf32, #tpu.memory_space<vmem>>
        %dma_start3A_1052 = tpu.memref_slice %arg2[%select_n3A_1027, %add3A_27, %mul3A_1045] : memref<62x128x16384xf32, #tpu.memory_space<hbm>> -> memref<1x1x128xf32, #tpu.memory_space<hbm>>
        %dma_start3A_1053 = tpu.memref_squeeze %dma_start3A_1052 : memref<1x1x128xf32, #tpu.memory_space<hbm>> -> memref<128xf32, #tpu.memory_space<hbm>>
        tpu.enqueue_dma source(%dma_start3A_1053 : memref<128xf32, #tpu.memory_space<hbm>>) target(%dma_start3A_1051 : memref<128xf32, #tpu.memory_space<vmem>>) target_semaphore(%arg20 : memref<!tpu.dma_semaphore, #tpu.memory_space<semaphore_mem>>)
      }
      %scan3A_420 = arith.constant 64 : i32
      %scan3A_421 = arith.constant 0 : i32
      %scan3A_422 = arith.constant 0 : i32
      %scan3A_423 = arith.constant 64 : i32
      %scan3A_424 = arith.addi %scan3A_422, %scan3A_423 : i32
      %scan3A_425 = arith.constant 1 : i32
      scf.for %scan3A_990 = %scan3A_422 to %scan3A_424 step %scan3A_425  : i32 {
        %dma_wait3A_991 = arith.constant 0 : i32
        %dma_wait3A_992 = arith.constant 0 : i32
        %dma_wait3A_993 = arith.constant 0 : i32
        %dma_wait3A_994 = tpu.memref_slice %arg8[%dma_wait3A_993] : memref<8192xf32, #tpu.memory_space<vmem>> -> memref<128xf32, #tpu.memory_space<vmem>>
        %dma_wait3A_995 = arith.constant 0 : i32
        %dma_wait3A_996 = tpu.memref_slice %arg2[%dma_wait3A_991, %dma_wait3A_992, %dma_wait3A_995] : memref<62x128x16384xf32, #tpu.memory_space<hbm>> -> memref<1x1x128xf32, #tpu.memory_space<hbm>>
        %dma_wait3A_997 = tpu.memref_squeeze %dma_wait3A_996 : memref<1x1x128xf32, #tpu.memory_space<hbm>> -> memref<128xf32, #tpu.memory_space<hbm>>
        %dma_wait3A_998 = arith.constant 0 : i32
        %dma_wait3A_999 = tpu.memref_slice %arg8[%dma_wait3A_998] : memref<8192xf32, #tpu.memory_space<vmem>> -> memref<128xf32, #tpu.memory_space<vmem>>
        %dma_wait3A_1000 = arith.constant 0 : i32
        %dma_wait3A_1001 = tpu.memref_slice %arg2[%dma_wait3A_991, %dma_wait3A_992, %dma_wait3A_1000] : memref<62x128x16384xf32, #tpu.memory_space<hbm>> -> memref<1x1x128xf32, #tpu.memory_space<hbm>>
        %dma_wait3A_1002 = tpu.memref_squeeze %dma_wait3A_1001 : memref<1x1x128xf32, #tpu.memory_space<hbm>> -> memref<128xf32, #tpu.memory_space<hbm>>
        tpu.wait_dma2 semaphore(%arg20 : memref<!tpu.dma_semaphore, #tpu.memory_space<semaphore_mem>>) src(%dma_wait3A_1002 : memref<128xf32, #tpu.memory_space<hbm>>) dst(%dma_wait3A_999 : memref<128xf32, #tpu.memory_space<vmem>>)
      }
      %scan3A_426 = arith.constant 64 : i32
      %iota3A_427 = tpu.iota {dimensions = array<i32: 0>} : vector<16xi32>
      %scan3A_428 = arith.constant 0 : i32
      %scan3A_429 = arith.constant 0 : i32
      %scan3A_430 = arith.constant 32 : i32
      %scan3A_431 = arith.addi %scan3A_429, %scan3A_430 : i32
      %scan3A_432 = arith.constant 1 : i32
      scf.for %scan3A_990 = %scan3A_429 to %scan3A_431 step %scan3A_432  : i32 {
        %broadcast_in_dim3A_991 = arith.constant 3.000000e+38 : f32
        %broadcast_in_dim3A_992 = vector.broadcast %broadcast_in_dim3A_991 : f32 to vector<16xf32>
        %mul3A_993 = arith.constant 16 : i32
        %mul3A_994 = arith.muli %scan3A_990, %mul3A_993 : i32
        %add3A_995 = arith.constant 0 : i32
        %add3A_996 = arith.addi %mul3A_994, %add3A_995 : i32
        %mul3A_997 = arith.constant 16 : i32
        %mul3A_998 = arith.muli %add3A_996, %mul3A_997 : i32
        %get3A_999 = arith.index_cast %mul3A_998 : i32 to index
        %get3A_1000 = tpu.vector_load %arg8[%get3A_999] {strides = array<i32>} : memref<8192xf32, #tpu.memory_space<vmem>>, vector<16xf32>,
        %reduce_min3A_1001 = arith.constant true
        %reduce_min3A_1002 = vector.broadcast %reduce_min3A_1001 : i1 to vector<16xi1>
        %reduce_min3A_1003 = tpu.scan <min>, %get3A_1000 masked %reduce_min3A_1002 : vector<16xf32>, vector<16xi1> -> vector<16xf32>
        %reduce_min3A_1004 = vector.extract %reduce_min3A_1003[15] : f32 from vector<16xf32>
        %eq3A_1005 = arith.constant 0 : i32
        %eq3A_1006 = vector.broadcast %eq3A_1005 : i32 to vector<16xi32>
        %eq3A_1007 = arith.cmpi eq, %iota3A_427, %eq3A_1006 : vector<16xi32>
        %broadcast_in_dim3A_1008 = vector.broadcast %reduce_min3A_1004 : f32 to vector<16xf32>
        %select_n3A_1009 = arith.select %eq3A_1007, %broadcast_in_dim3A_1008, %broadcast_in_dim3A_992 : vector<16xi1>, vector<16xf32>
        %mul3A_1010 = arith.constant 16 : i32
        %mul3A_1011 = arith.muli %scan3A_990, %mul3A_1010 : i32
        %add3A_1012 = arith.constant 1 : i32
        %add3A_1013 = arith.addi %mul3A_1011, %add3A_1012 : i32
        %mul3A_1014 = arith.constant 16 : i32
        %mul3A_1015 = arith.muli %add3A_1013, %mul3A_1014 : i32
        %get3A_1016 = arith.index_cast %mul3A_1015 : i32 to index
        %get3A_1017 = tpu.vector_load %arg8[%get3A_1016] {strides = array<i32>} : memref<8192xf32, #tpu.memory_space<vmem>>, vector<16xf32>,
        %reduce_min3A_1018 = arith.constant true
        %reduce_min3A_1019 = vector.broadcast %reduce_min3A_1018 : i1 to vector<16xi1>
        %reduce_min3A_1020 = tpu.scan <min>, %get3A_1017 masked %reduce_min3A_1019 : vector<16xf32>, vector<16xi1> -> vector<16xf32>
        %reduce_min3A_1021 = vector.extract %reduce_min3A_1020[15] : f32 from vector<16xf32>
        %eq3A_1022 = arith.constant 1 : i32
        %eq3A_1023 = vector.broadcast %eq3A_1022 : i32 to vector<16xi32>
        %eq3A_1024 = arith.cmpi eq, %iota3A_427, %eq3A_1023 : vector<16xi32>
        %broadcast_in_dim3A_1025 = vector.broadcast %reduce_min3A_1021 : f32 to vector<16xf32>
        %select_n3A_1026 = arith.select %eq3A_1024, %broadcast_in_dim3A_1025, %select_n3A_1009 : vector<16xi1>, vector<16xf32>
        %mul3A_1027 = arith.constant 16 : i32
        %mul3A_1028 = arith.muli %scan3A_990, %mul3A_1027 : i32
        %add3A_1029 = arith.constant 2 : i32
        %add3A_1030 = arith.addi %mul3A_1028, %add3A_1029 : i32
        %mul3A_1031 = arith.constant 16 : i32
        %mul3A_1032 = arith.muli %add3A_1030, %mul3A_1031 : i32
        %get3A_1033 = arith.index_cast %mul3A_1032 : i32 to index
        %get3A_1034 = tpu.vector_load %arg8[%get3A_1033] {strides = array<i32>} : memref<8192xf32, #tpu.memory_space<vmem>>, vector<16xf32>,
        %reduce_min3A_1035 = arith.constant true
        %reduce_min3A_1036 = vector.broadcast %reduce_min3A_1035 : i1 to vector<16xi1>
        %reduce_min3A_1037 = tpu.scan <min>, %get3A_1034 masked %reduce_min3A_1036 : vector<16xf32>, vector<16xi1> -> vector<16xf32>
        %reduce_min3A_1038 = vector.extract %reduce_min3A_1037[15] : f32 from vector<16xf32>
        %eq3A_1039 = arith.constant 2 : i32
        %eq3A_1040 = vector.broadcast %eq3A_1039 : i32 to vector<16xi32>
        %eq3A_1041 = arith.cmpi eq, %iota3A_427, %eq3A_1040 : vector<16xi32>
        %broadcast_in_dim3A_1042 = vector.broadcast %reduce_min3A_1038 : f32 to vector<16xf32>
        %select_n3A_1043 = arith.select %eq3A_1041, %broadcast_in_dim3A_1042, %select_n3A_1026 : vector<16xi1>, vector<16xf32>
        %mul3A_1044 = arith.constant 16 : i32
        %mul3A_1045 = arith.muli %scan3A_990, %mul3A_1044 : i32
        %add3A_1046 = arith.constant 3 : i32
        %add3A_1047 = arith.addi %mul3A_1045, %add3A_1046 : i32
        %mul3A_1048 = arith.constant 16 : i32
        %mul3A_1049 = arith.muli %add3A_1047, %mul3A_1048 : i32
        %get3A_1050 = arith.index_cast %mul3A_1049 : i32 to index
        %get3A_1051 = tpu.vector_load %arg8[%get3A_1050] {strides = array<i32>} : memref<8192xf32, #tpu.memory_space<vmem>>, vector<16xf32>,
        %reduce_min3A_1052 = arith.constant true
        %reduce_min3A_1053 = vector.broadcast %reduce_min3A_1052 : i1 to vector<16xi1>
        %reduce_min3A_1054 = tpu.scan <min>, %get3A_1051 masked %reduce_min3A_1053 : vector<16xf32>, vector<16xi1> -> vector<16xf32>
        %reduce_min3A_1055 = vector.extract %reduce_min3A_1054[15] : f32 from vector<16xf32>
        %eq3A_1056 = arith.constant 3 : i32
        %eq3A_1057 = vector.broadcast %eq3A_1056 : i32 to vector<16xi32>
        %eq3A_1058 = arith.cmpi eq, %iota3A_427, %eq3A_1057 : vector<16xi32>
        %broadcast_in_dim3A_1059 = vector.broadcast %reduce_min3A_1055 : f32 to vector<16xf32>
        %select_n3A_1060 = arith.select %eq3A_1058, %broadcast_in_dim3A_1059, %select_n3A_1043 : vector<16xi1>, vector<16xf32>
        %mul3A_1061 = arith.constant 16 : i32
        %mul3A_1062 = arith.muli %scan3A_990, %mul3A_1061 : i32
        %add3A_1063 = arith.constant 4 : i32
        %add3A_1064 = arith.addi %mul3A_1062, %add3A_1063 : i32
        %mul3A_1065 = arith.constant 16 : i32
        %mul3A_1066 = arith.muli %add3A_1064, %mul3A_1065 : i32
        %get3A_1067 = arith.index_cast %mul3A_1066 : i32 to index
        %get3A_1068 = tpu.vector_load %arg8[%get3A_1067] {strides = array<i32>} : memref<8192xf32, #tpu.memory_space<vmem>>, vector<16xf32>,
        %reduce_min3A_1069 = arith.constant true
        %reduce_min3A_1070 = vector.broadcast %reduce_min3A_1069 : i1 to vector<16xi1>
        %reduce_min3A_1071 = tpu.scan <min>, %get3A_1068 masked %reduce_min3A_1070 : vector<16xf32>, vector<16xi1> -> vector<16xf32>
        %reduce_min3A_1072 = vector.extract %reduce_min3A_1071[15] : f32 from vector<16xf32>
        %eq3A_1073 = arith.constant 4 : i32
        %eq3A_1074 = vector.broadcast %eq3A_1073 : i32 to vector<16xi32>
        %eq3A_1075 = arith.cmpi eq, %iota3A_427, %eq3A_1074 : vector<16xi32>
        %broadcast_in_dim3A_1076 = vector.broadcast %reduce_min3A_1072 : f32 to vector<16xf32>
        %select_n3A_1077 = arith.select %eq3A_1075, %broadcast_in_dim3A_1076, %select_n3A_1060 : vector<16xi1>, vector<16xf32>
        %mul3A_1078 = arith.constant 16 : i32
        %mul3A_1079 = arith.muli %scan3A_990, %mul3A_1078 : i32
        %add3A_1080 = arith.constant 5 : i32
        %add3A_1081 = arith.addi %mul3A_1079, %add3A_1080 : i32
        %mul3A_1082 = arith.constant 16 : i32
        %mul3A_1083 = arith.muli %add3A_1081, %mul3A_1082 : i32
        %get3A_1084 = arith.index_cast %mul3A_1083 : i32 to index
        %get3A_1085 = tpu.vector_load %arg8[%get3A_1084] {strides = array<i32>} : memref<8192xf32, #tpu.memory_space<vmem>>, vector<16xf32>,
        %reduce_min3A_1086 = arith.constant true
        %reduce_min3A_1087 = vector.broadcast %reduce_min3A_1086 : i1 to vector<16xi1>
        %reduce_min3A_1088 = tpu.scan <min>, %get3A_1085 masked %reduce_min3A_1087 : vector<16xf32>, vector<16xi1> -> vector<16xf32>
        %reduce_min3A_1089 = vector.extract %reduce_min3A_1088[15] : f32 from vector<16xf32>
        %eq3A_1090 = arith.constant 5 : i32
        %eq3A_1091 = vector.broadcast %eq3A_1090 : i32 to vector<16xi32>
        %eq3A_1092 = arith.cmpi eq, %iota3A_427, %eq3A_1091 : vector<16xi32>
        %broadcast_in_dim3A_1093 = vector.broadcast %reduce_min3A_1089 : f32 to vector<16xf32>
        %select_n3A_1094 = arith.select %eq3A_1092, %broadcast_in_dim3A_1093, %select_n3A_1077 : vector<16xi1>, vector<16xf32>
        %mul3A_1095 = arith.constant 16 : i32
        %mul3A_1096 = arith.muli %scan3A_990, %mul3A_1095 : i32
        %add3A_1097 = arith.constant 6 : i32
        %add3A_1098 = arith.addi %mul3A_1096, %add3A_1097 : i32
        %mul3A_1099 = arith.constant 16 : i32
        %mul3A_1100 = arith.muli %add3A_1098, %mul3A_1099 : i32
        %get3A_1101 = arith.index_cast %mul3A_1100 : i32 to index
        %get3A_1102 = tpu.vector_load %arg8[%get3A_1101] {strides = array<i32>} : memref<8192xf32, #tpu.memory_space<vmem>>, vector<16xf32>,
        %reduce_min3A_1103 = arith.constant true
        %reduce_min3A_1104 = vector.broadcast %reduce_min3A_1103 : i1 to vector<16xi1>
        %reduce_min3A_1105 = tpu.scan <min>, %get3A_1102 masked %reduce_min3A_1104 : vector<16xf32>, vector<16xi1> -> vector<16xf32>
        %reduce_min3A_1106 = vector.extract %reduce_min3A_1105[15] : f32 from vector<16xf32>
        %eq3A_1107 = arith.constant 6 : i32
        %eq3A_1108 = vector.broadcast %eq3A_1107 : i32 to vector<16xi32>
        %eq3A_1109 = arith.cmpi eq, %iota3A_427, %eq3A_1108 : vector<16xi32>
        %broadcast_in_dim3A_1110 = vector.broadcast %reduce_min3A_1106 : f32 to vector<16xf32>
        %select_n3A_1111 = arith.select %eq3A_1109, %broadcast_in_dim3A_1110, %select_n3A_1094 : vector<16xi1>, vector<16xf32>
        %mul3A_1112 = arith.constant 16 : i32
        %mul3A_1113 = arith.muli %scan3A_990, %mul3A_1112 : i32
        %add3A_1114 = arith.constant 7 : i32
        %add3A_1115 = arith.addi %mul3A_1113, %add3A_1114 : i32
        %mul3A_1116 = arith.constant 16 : i32
        %mul3A_1117 = arith.muli %add3A_1115, %mul3A_1116 : i32
        %get3A_1118 = arith.index_cast %mul3A_1117 : i32 to index
        %get3A_1119 = tpu.vector_load %arg8[%get3A_1118] {strides = array<i32>} : memref<8192xf32, #tpu.memory_space<vmem>>, vector<16xf32>,
        %reduce_min3A_1120 = arith.constant true
        %reduce_min3A_1121 = vector.broadcast %reduce_min3A_1120 : i1 to vector<16xi1>
        %reduce_min3A_1122 = tpu.scan <min>, %get3A_1119 masked %reduce_min3A_1121 : vector<16xf32>, vector<16xi1> -> vector<16xf32>
        %reduce_min3A_1123 = vector.extract %reduce_min3A_1122[15] : f32 from vector<16xf32>
        %eq3A_1124 = arith.constant 7 : i32
        %eq3A_1125 = vector.broadcast %eq3A_1124 : i32 to vector<16xi32>
        %eq3A_1126 = arith.cmpi eq, %iota3A_427, %eq3A_1125 : vector<16xi32>
        %broadcast_in_dim3A_1127 = vector.broadcast %reduce_min3A_1123 : f32 to vector<16xf32>
        %select_n3A_1128 = arith.select %eq3A_1126, %broadcast_in_dim3A_1127, %select_n3A_1111 : vector<16xi1>, vector<16xf32>
        %mul3A_1129 = arith.constant 16 : i32
        %mul3A_1130 = arith.muli %scan3A_990, %mul3A_1129 : i32
        %add3A_1131 = arith.constant 8 : i32
        %add3A_1132 = arith.addi %mul3A_1130, %add3A_1131 : i32
        %mul3A_1133 = arith.constant 16 : i32
        %mul3A_1134 = arith.muli %add3A_1132, %mul3A_1133 : i32
        %get3A_1135 = arith.index_cast %mul3A_1134 : i32 to index
        %get3A_1136 = tpu.vector_load %arg8[%get3A_1135] {strides = array<i32>} : memref<8192xf32, #tpu.memory_space<vmem>>, vector<16xf32>,
        %reduce_min3A_1137 = arith.constant true
        %reduce_min3A_1138 = vector.broadcast %reduce_min3A_1137 : i1 to vector<16xi1>
        %reduce_min3A_1139 = tpu.scan <min>, %get3A_1136 masked %reduce_min3A_1138 : vector<16xf32>, vector<16xi1> -> vector<16xf32>
        %reduce_min3A_1140 = vector.extract %reduce_min3A_1139[15] : f32 from vector<16xf32>
        %eq3A_1141 = arith.constant 8 : i32
        %eq3A_1142 = vector.broadcast %eq3A_1141 : i32 to vector<16xi32>
        %eq3A_1143 = arith.cmpi eq, %iota3A_427, %eq3A_1142 : vector<16xi32>
        %broadcast_in_dim3A_1144 = vector.broadcast %reduce_min3A_1140 : f32 to vector<16xf32>
        %select_n3A_1145 = arith.select %eq3A_1143, %broadcast_in_dim3A_1144, %select_n3A_1128 : vector<16xi1>, vector<16xf32>
        %mul3A_1146 = arith.constant 16 : i32
        %mul3A_1147 = arith.muli %scan3A_990, %mul3A_1146 : i32
        %add3A_1148 = arith.constant 9 : i32
        %add3A_1149 = arith.addi %mul3A_1147, %add3A_1148 : i32
        %mul3A_1150 = arith.constant 16 : i32
        %mul3A_1151 = arith.muli %add3A_1149, %mul3A_1150 : i32
        %get3A_1152 = arith.index_cast %mul3A_1151 : i32 to index
        %get3A_1153 = tpu.vector_load %arg8[%get3A_1152] {strides = array<i32>} : memref<8192xf32, #tpu.memory_space<vmem>>, vector<16xf32>,
        %reduce_min3A_1154 = arith.constant true
        %reduce_min3A_1155 = vector.broadcast %reduce_min3A_1154 : i1 to vector<16xi1>
        %reduce_min3A_1156 = tpu.scan <min>, %get3A_1153 masked %reduce_min3A_1155 : vector<16xf32>, vector<16xi1> -> vector<16xf32>
        %reduce_min3A_1157 = vector.extract %reduce_min3A_1156[15] : f32 from vector<16xf32>
        %eq3A_1158 = arith.constant 9 : i32
        %eq3A_1159 = vector.broadcast %eq3A_1158 : i32 to vector<16xi32>
        %eq3A_1160 = arith.cmpi eq, %iota3A_427, %eq3A_1159 : vector<16xi32>
        %broadcast_in_dim3A_1161 = vector.broadcast %reduce_min3A_1157 : f32 to vector<16xf32>
        %select_n3A_1162 = arith.select %eq3A_1160, %broadcast_in_dim3A_1161, %select_n3A_1145 : vector<16xi1>, vector<16xf32>
        %mul3A_1163 = arith.constant 16 : i32
        %mul3A_1164 = arith.muli %scan3A_990, %mul3A_1163 : i32
        %add3A_1165 = arith.constant 10 : i32
        %add3A_1166 = arith.addi %mul3A_1164, %add3A_1165 : i32
        %mul3A_1167 = arith.constant 16 : i32
        %mul3A_1168 = arith.muli %add3A_1166, %mul3A_1167 : i32
        %get3A_1169 = arith.index_cast %mul3A_1168 : i32 to index
        %get3A_1170 = tpu.vector_load %arg8[%get3A_1169] {strides = array<i32>} : memref<8192xf32, #tpu.memory_space<vmem>>, vector<16xf32>,
        %reduce_min3A_1171 = arith.constant true
        %reduce_min3A_1172 = vector.broadcast %reduce_min3A_1171 : i1 to vector<16xi1>
        %reduce_min3A_1173 = tpu.scan <min>, %get3A_1170 masked %reduce_min3A_1172 : vector<16xf32>, vector<16xi1> -> vector<16xf32>
        %reduce_min3A_1174 = vector.extract %reduce_min3A_1173[15] : f32 from vector<16xf32>
        %eq3A_1175 = arith.constant 10 : i32
        %eq3A_1176 = vector.broadcast %eq3A_1175 : i32 to vector<16xi32>
        %eq3A_1177 = arith.cmpi eq, %iota3A_427, %eq3A_1176 : vector<16xi32>
        %broadcast_in_dim3A_1178 = vector.broadcast %reduce_min3A_1174 : f32 to vector<16xf32>
        %select_n3A_1179 = arith.select %eq3A_1177, %broadcast_in_dim3A_1178, %select_n3A_1162 : vector<16xi1>, vector<16xf32>
        %mul3A_1180 = arith.constant 16 : i32
        %mul3A_1181 = arith.muli %scan3A_990, %mul3A_1180 : i32
        %add3A_1182 = arith.constant 11 : i32
        %add3A_1183 = arith.addi %mul3A_1181, %add3A_1182 : i32
        %mul3A_1184 = arith.constant 16 : i32
        %mul3A_1185 = arith.muli %add3A_1183, %mul3A_1184 : i32
        %get3A_1186 = arith.index_cast %mul3A_1185 : i32 to index
        %get3A_1187 = tpu.vector_load %arg8[%get3A_1186] {strides = array<i32>} : memref<8192xf32, #tpu.memory_space<vmem>>, vector<16xf32>,
        %reduce_min3A_1188 = arith.constant true
        %reduce_min3A_1189 = vector.broadcast %reduce_min3A_1188 : i1 to vector<16xi1>
        %reduce_min3A_1190 = tpu.scan <min>, %get3A_1187 masked %reduce_min3A_1189 : vector<16xf32>, vector<16xi1> -> vector<16xf32>
        %reduce_min3A_1191 = vector.extract %reduce_min3A_1190[15] : f32 from vector<16xf32>
        %eq3A_1192 = arith.constant 11 : i32
        %eq3A_1193 = vector.broadcast %eq3A_1192 : i32 to vector<16xi32>
        %eq3A_1194 = arith.cmpi eq, %iota3A_427, %eq3A_1193 : vector<16xi32>
        %broadcast_in_dim3A_1195 = vector.broadcast %reduce_min3A_1191 : f32 to vector<16xf32>
        %select_n3A_1196 = arith.select %eq3A_1194, %broadcast_in_dim3A_1195, %select_n3A_1179 : vector<16xi1>, vector<16xf32>
        %mul3A_1197 = arith.constant 16 : i32
        %mul3A_1198 = arith.muli %scan3A_990, %mul3A_1197 : i32
        %add3A_1199 = arith.constant 12 : i32
        %add3A_1200 = arith.addi %mul3A_1198, %add3A_1199 : i32
        %mul3A_1201 = arith.constant 16 : i32
        %mul3A_1202 = arith.muli %add3A_1200, %mul3A_1201 : i32
        %get3A_1203 = arith.index_cast %mul3A_1202 : i32 to index
        %get3A_1204 = tpu.vector_load %arg8[%get3A_1203] {strides = array<i32>} : memref<8192xf32, #tpu.memory_space<vmem>>, vector<16xf32>,
        %reduce_min3A_1205 = arith.constant true
        %reduce_min3A_1206 = vector.broadcast %reduce_min3A_1205 : i1 to vector<16xi1>
        %reduce_min3A_1207 = tpu.scan <min>, %get3A_1204 masked %reduce_min3A_1206 : vector<16xf32>, vector<16xi1> -> vector<16xf32>
        %reduce_min3A_1208 = vector.extract %reduce_min3A_1207[15] : f32 from vector<16xf32>
        %eq3A_1209 = arith.constant 12 : i32
        %eq3A_1210 = vector.broadcast %eq3A_1209 : i32 to vector<16xi32>
        %eq3A_1211 = arith.cmpi eq, %iota3A_427, %eq3A_1210 : vector<16xi32>
        %broadcast_in_dim3A_1212 = vector.broadcast %reduce_min3A_1208 : f32 to vector<16xf32>
        %select_n3A_1213 = arith.select %eq3A_1211, %broadcast_in_dim3A_1212, %select_n3A_1196 : vector<16xi1>, vector<16xf32>
        %mul3A_1214 = arith.constant 16 : i32
        %mul3A_1215 = arith.muli %scan3A_990, %mul3A_1214 : i32
        %add3A_1216 = arith.constant 13 : i32
        %add3A_1217 = arith.addi %mul3A_1215, %add3A_1216 : i32
        %mul3A_1218 = arith.constant 16 : i32
        %mul3A_1219 = arith.muli %add3A_1217, %mul3A_1218 : i32
        %get3A_1220 = arith.index_cast %mul3A_1219 : i32 to index
        %get3A_1221 = tpu.vector_load %arg8[%get3A_1220] {strides = array<i32>} : memref<8192xf32, #tpu.memory_space<vmem>>, vector<16xf32>,
        %reduce_min3A_1222 = arith.constant true
        %reduce_min3A_1223 = vector.broadcast %reduce_min3A_1222 : i1 to vector<16xi1>
        %reduce_min3A_1224 = tpu.scan <min>, %get3A_1221 masked %reduce_min3A_1223 : vector<16xf32>, vector<16xi1> -> vector<16xf32>
        %reduce_min3A_1225 = vector.extract %reduce_min3A_1224[15] : f32 from vector<16xf32>
        %eq3A_1226 = arith.constant 13 : i32
        %eq3A_1227 = vector.broadcast %eq3A_1226 : i32 to vector<16xi32>
        %eq3A_1228 = arith.cmpi eq, %iota3A_427, %eq3A_1227 : vector<16xi32>
        %broadcast_in_dim3A_1229 = vector.broadcast %reduce_min3A_1225 : f32 to vector<16xf32>
        %select_n3A_1230 = arith.select %eq3A_1228, %broadcast_in_dim3A_1229, %select_n3A_1213 : vector<16xi1>, vector<16xf32>
        %mul3A_1231 = arith.constant 16 : i32
        %mul3A_1232 = arith.muli %scan3A_990, %mul3A_1231 : i32
        %add3A_1233 = arith.constant 14 : i32
        %add3A_1234 = arith.addi %mul3A_1232, %add3A_1233 : i32
        %mul3A_1235 = arith.constant 16 : i32
        %mul3A_1236 = arith.muli %add3A_1234, %mul3A_1235 : i32
        %get3A_1237 = arith.index_cast %mul3A_1236 : i32 to index
        %get3A_1238 = tpu.vector_load %arg8[%get3A_1237] {strides = array<i32>} : memref<8192xf32, #tpu.memory_space<vmem>>, vector<16xf32>,
        %reduce_min3A_1239 = arith.constant true
        %reduce_min3A_1240 = vector.broadcast %reduce_min3A_1239 : i1 to vector<16xi1>
        %reduce_min3A_1241 = tpu.scan <min>, %get3A_1238 masked %reduce_min3A_1240 : vector<16xf32>, vector<16xi1> -> vector<16xf32>
        %reduce_min3A_1242 = vector.extract %reduce_min3A_1241[15] : f32 from vector<16xf32>
        %eq3A_1243 = arith.constant 14 : i32
        %eq3A_1244 = vector.broadcast %eq3A_1243 : i32 to vector<16xi32>
        %eq3A_1245 = arith.cmpi eq, %iota3A_427, %eq3A_1244 : vector<16xi32>
        %broadcast_in_dim3A_1246 = vector.broadcast %reduce_min3A_1242 : f32 to vector<16xf32>
        %select_n3A_1247 = arith.select %eq3A_1245, %broadcast_in_dim3A_1246, %select_n3A_1230 : vector<16xi1>, vector<16xf32>
        %mul3A_1248 = arith.constant 16 : i32
        %mul3A_1249 = arith.muli %scan3A_990, %mul3A_1248 : i32
        %add3A_1250 = arith.constant 15 : i32
        %add3A_1251 = arith.addi %mul3A_1249, %add3A_1250 : i32
        %mul3A_1252 = arith.constant 16 : i32
        %mul3A_1253 = arith.muli %add3A_1251, %mul3A_1252 : i32
        %get3A_1254 = arith.index_cast %mul3A_1253 : i32 to index
        %get3A_1255 = tpu.vector_load %arg8[%get3A_1254] {strides = array<i32>} : memref<8192xf32, #tpu.memory_space<vmem>>, vector<16xf32>,
        %reduce_min3A_1256 = arith.constant true
        %reduce_min3A_1257 = vector.broadcast %reduce_min3A_1256 : i1 to vector<16xi1>
        %reduce_min3A_1258 = tpu.scan <min>, %get3A_1255 masked %reduce_min3A_1257 : vector<16xf32>, vector<16xi1> -> vector<16xf32>
        %reduce_min3A_1259 = vector.extract %reduce_min3A_1258[15] : f32 from vector<16xf32>
        %eq3A_1260 = arith.constant 15 : i32
        %eq3A_1261 = vector.broadcast %eq3A_1260 : i32 to vector<16xi32>
        %eq3A_1262 = arith.cmpi eq, %iota3A_427, %eq3A_1261 : vector<16xi32>
        %broadcast_in_dim3A_1263 = vector.broadcast %reduce_min3A_1259 : f32 to vector<16xf32>
        %select_n3A_1264 = arith.select %eq3A_1262, %broadcast_in_dim3A_1263, %select_n3A_1247 : vector<16xi1>, vector<16xf32>
        %mul3A_1265 = arith.constant 16 : i32
        %mul3A_1266 = arith.muli %scan3A_990, %mul3A_1265 : i32
        %swap3A_1267 = arith.index_cast %mul3A_1266 : i32 to index
        %swap3A_1268 = tpu.vector_load %arg10[%swap3A_1267] {strides = array<i32>} : memref<512xf32, #tpu.memory_space<vmem>>, vector<16xf32>,
        tpu.vector_store %arg10[%swap3A_1267], %select_n3A_1264 {strides = array<i32>} : memref<512xf32, #tpu.memory_space<vmem>>, vector<16xf32>,
      }
      %scan3A_433 = arith.constant 32 : i32
      %iota3A_434 = tpu.iota {dimensions = array<i32: 0>} : vector<16xi32>
      %broadcast_in_dim3A_435 = arith.constant 3.000000e+38 : f32
      %broadcast_in_dim3A_436 = vector.broadcast %broadcast_in_dim3A_435 : f32 to vector<16xf32>
      %get3A_437 = arith.constant 0 : index
      %get3A_438 = tpu.vector_load %arg10[%get3A_437] {strides = array<i32>} : memref<512xf32, #tpu.memory_space<vmem>>, vector<16xf32>,
      %reduce_min3A_439 = arith.constant true
      %reduce_min3A_440 = vector.broadcast %reduce_min3A_439 : i1 to vector<16xi1>
      %reduce_min3A_441 = tpu.scan <min>, %get3A_438 masked %reduce_min3A_440 : vector<16xf32>, vector<16xi1> -> vector<16xf32>
      %reduce_min3A_442 = vector.extract %reduce_min3A_441[15] : f32 from vector<16xf32>
      %eq3A_443 = arith.constant 0 : i32
      %eq3A_444 = vector.broadcast %eq3A_443 : i32 to vector<16xi32>
      %eq3A_445 = arith.cmpi eq, %iota3A_434, %eq3A_444 : vector<16xi32>
      %broadcast_in_dim3A_446 = vector.broadcast %reduce_min3A_442 : f32 to vector<16xf32>
      %select_n3A_447 = arith.select %eq3A_445, %broadcast_in_dim3A_446, %broadcast_in_dim3A_436 : vector<16xi1>, vector<16xf32>
      %get3A_448 = arith.constant 16 : index
      %get3A_449 = tpu.vector_load %arg10[%get3A_448] {strides = array<i32>} : memref<512xf32, #tpu.memory_space<vmem>>, vector<16xf32>,
      %reduce_min3A_450 = arith.constant true
      %reduce_min3A_451 = vector.broadcast %reduce_min3A_450 : i1 to vector<16xi1>
      %reduce_min3A_452 = tpu.scan <min>, %get3A_449 masked %reduce_min3A_451 : vector<16xf32>, vector<16xi1> -> vector<16xf32>
      %reduce_min3A_453 = vector.extract %reduce_min3A_452[15] : f32 from vector<16xf32>
      %eq3A_454 = arith.constant 1 : i32
      %eq3A_455 = vector.broadcast %eq3A_454 : i32 to vector<16xi32>
      %eq3A_456 = arith.cmpi eq, %iota3A_434, %eq3A_455 : vector<16xi32>
      %broadcast_in_dim3A_457 = vector.broadcast %reduce_min3A_453 : f32 to vector<16xf32>
      %select_n3A_458 = arith.select %eq3A_456, %broadcast_in_dim3A_457, %select_n3A_447 : vector<16xi1>, vector<16xf32>
      %get3A_459 = arith.constant 32 : index
      %get3A_460 = tpu.vector_load %arg10[%get3A_459] {strides = array<i32>} : memref<512xf32, #tpu.memory_space<vmem>>, vector<16xf32>,
      %reduce_min3A_461 = arith.constant true
      %reduce_min3A_462 = vector.broadcast %reduce_min3A_461 : i1 to vector<16xi1>
      %reduce_min3A_463 = tpu.scan <min>, %get3A_460 masked %reduce_min3A_462 : vector<16xf32>, vector<16xi1> -> vector<16xf32>
      %reduce_min3A_464 = vector.extract %reduce_min3A_463[15] : f32 from vector<16xf32>
      %eq3A_465 = arith.constant 2 : i32
      %eq3A_466 = vector.broadcast %eq3A_465 : i32 to vector<16xi32>
      %eq3A_467 = arith.cmpi eq, %iota3A_434, %eq3A_466 : vector<16xi32>
      %broadcast_in_dim3A_468 = vector.broadcast %reduce_min3A_464 : f32 to vector<16xf32>
      %select_n3A_469 = arith.select %eq3A_467, %broadcast_in_dim3A_468, %select_n3A_458 : vector<16xi1>, vector<16xf32>
      %get3A_470 = arith.constant 48 : index
      %get3A_471 = tpu.vector_load %arg10[%get3A_470] {strides = array<i32>} : memref<512xf32, #tpu.memory_space<vmem>>, vector<16xf32>,
      %reduce_min3A_472 = arith.constant true
      %reduce_min3A_473 = vector.broadcast %reduce_min3A_472 : i1 to vector<16xi1>
      %reduce_min3A_474 = tpu.scan <min>, %get3A_471 masked %reduce_min3A_473 : vector<16xf32>, vector<16xi1> -> vector<16xf32>
      %reduce_min3A_475 = vector.extract %reduce_min3A_474[15] : f32 from vector<16xf32>
      %eq3A_476 = arith.constant 3 : i32
      %eq3A_477 = vector.broadcast %eq3A_476 : i32 to vector<16xi32>
      %eq3A_478 = arith.cmpi eq, %iota3A_434, %eq3A_477 : vector<16xi32>
      %broadcast_in_dim3A_479 = vector.broadcast %reduce_min3A_475 : f32 to vector<16xf32>
      %select_n3A_480 = arith.select %eq3A_478, %broadcast_in_dim3A_479, %select_n3A_469 : vector<16xi1>, vector<16xf32>
      %get3A_481 = arith.constant 64 : index
      %get3A_482 = tpu.vector_load %arg10[%get3A_481] {strides = array<i32>} : memref<512xf32, #tpu.memory_space<vmem>>, vector<16xf32>,
      %reduce_min3A_483 = arith.constant true
      %reduce_min3A_484 = vector.broadcast %reduce_min3A_483 : i1 to vector<16xi1>
      %reduce_min3A_485 = tpu.scan <min>, %get3A_482 masked %reduce_min3A_484 : vector<16xf32>, vector<16xi1> -> vector<16xf32>
      %reduce_min3A_486 = vector.extract %reduce_min3A_485[15] : f32 from vector<16xf32>
      %eq3A_487 = arith.constant 4 : i32
      %eq3A_488 = vector.broadcast %eq3A_487 : i32 to vector<16xi32>
      %eq3A_489 = arith.cmpi eq, %iota3A_434, %eq3A_488 : vector<16xi32>
      %broadcast_in_dim3A_490 = vector.broadcast %reduce_min3A_486 : f32 to vector<16xf32>
      %select_n3A_491 = arith.select %eq3A_489, %broadcast_in_dim3A_490, %select_n3A_480 : vector<16xi1>, vector<16xf32>
      %get3A_492 = arith.constant 80 : index
      %get3A_493 = tpu.vector_load %arg10[%get3A_492] {strides = array<i32>} : memref<512xf32, #tpu.memory_space<vmem>>, vector<16xf32>,
      %reduce_min3A_494 = arith.constant true
      %reduce_min3A_495 = vector.broadcast %reduce_min3A_494 : i1 to vector<16xi1>
      %reduce_min3A_496 = tpu.scan <min>, %get3A_493 masked %reduce_min3A_495 : vector<16xf32>, vector<16xi1> -> vector<16xf32>
      %reduce_min3A_497 = vector.extract %reduce_min3A_496[15] : f32 from vector<16xf32>
      %eq3A_498 = arith.constant 5 : i32
      %eq3A_499 = vector.broadcast %eq3A_498 : i32 to vector<16xi32>
      %eq3A_500 = arith.cmpi eq, %iota3A_434, %eq3A_499 : vector<16xi32>
      %broadcast_in_dim3A_501 = vector.broadcast %reduce_min3A_497 : f32 to vector<16xf32>
      %select_n3A_502 = arith.select %eq3A_500, %broadcast_in_dim3A_501, %select_n3A_491 : vector<16xi1>, vector<16xf32>
      %get3A_503 = arith.constant 96 : index
      %get3A_504 = tpu.vector_load %arg10[%get3A_503] {strides = array<i32>} : memref<512xf32, #tpu.memory_space<vmem>>, vector<16xf32>,
      %reduce_min3A_505 = arith.constant true
      %reduce_min3A_506 = vector.broadcast %reduce_min3A_505 : i1 to vector<16xi1>
      %reduce_min3A_507 = tpu.scan <min>, %get3A_504 masked %reduce_min3A_506 : vector<16xf32>, vector<16xi1> -> vector<16xf32>
      %reduce_min3A_508 = vector.extract %reduce_min3A_507[15] : f32 from vector<16xf32>
      %eq3A_509 = arith.constant 6 : i32
      %eq3A_510 = vector.broadcast %eq3A_509 : i32 to vector<16xi32>
      %eq3A_511 = arith.cmpi eq, %iota3A_434, %eq3A_510 : vector<16xi32>
      %broadcast_in_dim3A_512 = vector.broadcast %reduce_min3A_508 : f32 to vector<16xf32>
      %select_n3A_513 = arith.select %eq3A_511, %broadcast_in_dim3A_512, %select_n3A_502 : vector<16xi1>, vector<16xf32>
      %get3A_514 = arith.constant 112 : index
      %get3A_515 = tpu.vector_load %arg10[%get3A_514] {strides = array<i32>} : memref<512xf32, #tpu.memory_space<vmem>>, vector<16xf32>,
      %reduce_min3A_516 = arith.constant true
      %reduce_min3A_517 = vector.broadcast %reduce_min3A_516 : i1 to vector<16xi1>
      %reduce_min3A_518 = tpu.scan <min>, %get3A_515 masked %reduce_min3A_517 : vector<16xf32>, vector<16xi1> -> vector<16xf32>
      %reduce_min3A_519 = vector.extract %reduce_min3A_518[15] : f32 from vector<16xf32>
      %eq3A_520 = arith.constant 7 : i32
      %eq3A_521 = vector.broadcast %eq3A_520 : i32 to vector<16xi32>
      %eq3A_522 = arith.cmpi eq, %iota3A_434, %eq3A_521 : vector<16xi32>
      %broadcast_in_dim3A_523 = vector.broadcast %reduce_min3A_519 : f32 to vector<16xf32>
      %select_n3A_524 = arith.select %eq3A_522, %broadcast_in_dim3A_523, %select_n3A_513 : vector<16xi1>, vector<16xf32>
      %get3A_525 = arith.constant 128 : index
      %get3A_526 = tpu.vector_load %arg10[%get3A_525] {strides = array<i32>} : memref<512xf32, #tpu.memory_space<vmem>>, vector<16xf32>,
      %reduce_min3A_527 = arith.constant true
      %reduce_min3A_528 = vector.broadcast %reduce_min3A_527 : i1 to vector<16xi1>
      %reduce_min3A_529 = tpu.scan <min>, %get3A_526 masked %reduce_min3A_528 : vector<16xf32>, vector<16xi1> -> vector<16xf32>
      %reduce_min3A_530 = vector.extract %reduce_min3A_529[15] : f32 from vector<16xf32>
      %eq3A_531 = arith.constant 8 : i32
      %eq3A_532 = vector.broadcast %eq3A_531 : i32 to vector<16xi32>
      %eq3A_533 = arith.cmpi eq, %iota3A_434, %eq3A_532 : vector<16xi32>
      %broadcast_in_dim3A_534 = vector.broadcast %reduce_min3A_530 : f32 to vector<16xf32>
      %select_n3A_535 = arith.select %eq3A_533, %broadcast_in_dim3A_534, %select_n3A_524 : vector<16xi1>, vector<16xf32>
      %get3A_536 = arith.constant 144 : index
      %get3A_537 = tpu.vector_load %arg10[%get3A_536] {strides = array<i32>} : memref<512xf32, #tpu.memory_space<vmem>>, vector<16xf32>,
      %reduce_min3A_538 = arith.constant true
      %reduce_min3A_539 = vector.broadcast %reduce_min3A_538 : i1 to vector<16xi1>
      %reduce_min3A_540 = tpu.scan <min>, %get3A_537 masked %reduce_min3A_539 : vector<16xf32>, vector<16xi1> -> vector<16xf32>
      %reduce_min3A_541 = vector.extract %reduce_min3A_540[15] : f32 from vector<16xf32>
      %eq3A_542 = arith.constant 9 : i32
      %eq3A_543 = vector.broadcast %eq3A_542 : i32 to vector<16xi32>
      %eq3A_544 = arith.cmpi eq, %iota3A_434, %eq3A_543 : vector<16xi32>
      %broadcast_in_dim3A_545 = vector.broadcast %reduce_min3A_541 : f32 to vector<16xf32>
      %select_n3A_546 = arith.select %eq3A_544, %broadcast_in_dim3A_545, %select_n3A_535 : vector<16xi1>, vector<16xf32>
      %get3A_547 = arith.constant 160 : index
      %get3A_548 = tpu.vector_load %arg10[%get3A_547] {strides = array<i32>} : memref<512xf32, #tpu.memory_space<vmem>>, vector<16xf32>,
      %reduce_min3A_549 = arith.constant true
      %reduce_min3A_550 = vector.broadcast %reduce_min3A_549 : i1 to vector<16xi1>
      %reduce_min3A_551 = tpu.scan <min>, %get3A_548 masked %reduce_min3A_550 : vector<16xf32>, vector<16xi1> -> vector<16xf32>
      %reduce_min3A_552 = vector.extract %reduce_min3A_551[15] : f32 from vector<16xf32>
      %eq3A_553 = arith.constant 10 : i32
      %eq3A_554 = vector.broadcast %eq3A_553 : i32 to vector<16xi32>
      %eq3A_555 = arith.cmpi eq, %iota3A_434, %eq3A_554 : vector<16xi32>
      %broadcast_in_dim3A_556 = vector.broadcast %reduce_min3A_552 : f32 to vector<16xf32>
      %select_n3A_557 = arith.select %eq3A_555, %broadcast_in_dim3A_556, %select_n3A_546 : vector<16xi1>, vector<16xf32>
      %get3A_558 = arith.constant 176 : index
      %get3A_559 = tpu.vector_load %arg10[%get3A_558] {strides = array<i32>} : memref<512xf32, #tpu.memory_space<vmem>>, vector<16xf32>,
      %reduce_min3A_560 = arith.constant true
      %reduce_min3A_561 = vector.broadcast %reduce_min3A_560 : i1 to vector<16xi1>
      %reduce_min3A_562 = tpu.scan <min>, %get3A_559 masked %reduce_min3A_561 : vector<16xf32>, vector<16xi1> -> vector<16xf32>
      %reduce_min3A_563 = vector.extract %reduce_min3A_562[15] : f32 from vector<16xf32>
      %eq3A_564 = arith.constant 11 : i32
      %eq3A_565 = vector.broadcast %eq3A_564 : i32 to vector<16xi32>
      %eq3A_566 = arith.cmpi eq, %iota3A_434, %eq3A_565 : vector<16xi32>
      %broadcast_in_dim3A_567 = vector.broadcast %reduce_min3A_563 : f32 to vector<16xf32>
      %select_n3A_568 = arith.select %eq3A_566, %broadcast_in_dim3A_567, %select_n3A_557 : vector<16xi1>, vector<16xf32>
      %get3A_569 = arith.constant 192 : index
      %get3A_570 = tpu.vector_load %arg10[%get3A_569] {strides = array<i32>} : memref<512xf32, #tpu.memory_space<vmem>>, vector<16xf32>,
      %reduce_min3A_571 = arith.constant true
      %reduce_min3A_572 = vector.broadcast %reduce_min3A_571 : i1 to vector<16xi1>
      %reduce_min3A_573 = tpu.scan <min>, %get3A_570 masked %reduce_min3A_572 : vector<16xf32>, vector<16xi1> -> vector<16xf32>
      %reduce_min3A_574 = vector.extract %reduce_min3A_573[15] : f32 from vector<16xf32>
      %eq3A_575 = arith.constant 12 : i32
      %eq3A_576 = vector.broadcast %eq3A_575 : i32 to vector<16xi32>
      %eq3A_577 = arith.cmpi eq, %iota3A_434, %eq3A_576 : vector<16xi32>
      %broadcast_in_dim3A_578 = vector.broadcast %reduce_min3A_574 : f32 to vector<16xf32>
      %select_n3A_579 = arith.select %eq3A_577, %broadcast_in_dim3A_578, %select_n3A_568 : vector<16xi1>, vector<16xf32>
      %get3A_580 = arith.constant 208 : index
      %get3A_581 = tpu.vector_load %arg10[%get3A_580] {strides = array<i32>} : memref<512xf32, #tpu.memory_space<vmem>>, vector<16xf32>,
      %reduce_min3A_582 = arith.constant true
      %reduce_min3A_583 = vector.broadcast %reduce_min3A_582 : i1 to vector<16xi1>
      %reduce_min3A_584 = tpu.scan <min>, %get3A_581 masked %reduce_min3A_583 : vector<16xf32>, vector<16xi1> -> vector<16xf32>
      %reduce_min3A_585 = vector.extract %reduce_min3A_584[15] : f32 from vector<16xf32>
      %eq3A_586 = arith.constant 13 : i32
      %eq3A_587 = vector.broadcast %eq3A_586 : i32 to vector<16xi32>
      %eq3A_588 = arith.cmpi eq, %iota3A_434, %eq3A_587 : vector<16xi32>
      %broadcast_in_dim3A_589 = vector.broadcast %reduce_min3A_585 : f32 to vector<16xf32>
      %select_n3A_590 = arith.select %eq3A_588, %broadcast_in_dim3A_589, %select_n3A_579 : vector<16xi1>, vector<16xf32>
      %get3A_591 = arith.constant 224 : index
      %get3A_592 = tpu.vector_load %arg10[%get3A_591] {strides = array<i32>} : memref<512xf32, #tpu.memory_space<vmem>>, vector<16xf32>,
      %reduce_min3A_593 = arith.constant true
      %reduce_min3A_594 = vector.broadcast %reduce_min3A_593 : i1 to vector<16xi1>
      %reduce_min3A_595 = tpu.scan <min>, %get3A_592 masked %reduce_min3A_594 : vector<16xf32>, vector<16xi1> -> vector<16xf32>
      %reduce_min3A_596 = vector.extract %reduce_min3A_595[15] : f32 from vector<16xf32>
      %eq3A_597 = arith.constant 14 : i32
      %eq3A_598 = vector.broadcast %eq3A_597 : i32 to vector<16xi32>
      %eq3A_599 = arith.cmpi eq, %iota3A_434, %eq3A_598 : vector<16xi32>
      %broadcast_in_dim3A_600 = vector.broadcast %reduce_min3A_596 : f32 to vector<16xf32>
      %select_n3A_601 = arith.select %eq3A_599, %broadcast_in_dim3A_600, %select_n3A_590 : vector<16xi1>, vector<16xf32>
      %get3A_602 = arith.constant 240 : index
      %get3A_603 = tpu.vector_load %arg10[%get3A_602] {strides = array<i32>} : memref<512xf32, #tpu.memory_space<vmem>>, vector<16xf32>,
      %reduce_min3A_604 = arith.constant true
      %reduce_min3A_605 = vector.broadcast %reduce_min3A_604 : i1 to vector<16xi1>
      %reduce_min3A_606 = tpu.scan <min>, %get3A_603 masked %reduce_min3A_605 : vector<16xf32>, vector<16xi1> -> vector<16xf32>
      %reduce_min3A_607 = vector.extract %reduce_min3A_606[15] : f32 from vector<16xf32>
      %eq3A_608 = arith.constant 15 : i32
      %eq3A_609 = vector.broadcast %eq3A_608 : i32 to vector<16xi32>
      %eq3A_610 = arith.cmpi eq, %iota3A_434, %eq3A_609 : vector<16xi32>
      %broadcast_in_dim3A_611 = vector.broadcast %reduce_min3A_607 : f32 to vector<16xf32>
      %select_n3A_612 = arith.select %eq3A_610, %broadcast_in_dim3A_611, %select_n3A_601 : vector<16xi1>, vector<16xf32>
      %swap3A_613 = arith.constant 0 : index
      %swap3A_614 = tpu.vector_load %arg11[%swap3A_613] {strides = array<i32>} : memref<32xf32, #tpu.memory_space<vmem>>, vector<16xf32>,
      tpu.vector_store %arg11[%swap3A_613], %select_n3A_612 {strides = array<i32>} : memref<32xf32, #tpu.memory_space<vmem>>, vector<16xf32>,
      %broadcast_in_dim3A_615 = arith.constant 3.000000e+38 : f32
      %broadcast_in_dim3A_616 = vector.broadcast %broadcast_in_dim3A_615 : f32 to vector<16xf32>
      %get3A_617 = arith.constant 256 : index
      %get3A_618 = tpu.vector_load %arg10[%get3A_617] {strides = array<i32>} : memref<512xf32, #tpu.memory_space<vmem>>, vector<16xf32>,
      %reduce_min3A_619 = arith.constant true
      %reduce_min3A_620 = vector.broadcast %reduce_min3A_619 : i1 to vector<16xi1>
      %reduce_min3A_621 = tpu.scan <min>, %get3A_618 masked %reduce_min3A_620 : vector<16xf32>, vector<16xi1> -> vector<16xf32>
      %reduce_min3A_622 = vector.extract %reduce_min3A_621[15] : f32 from vector<16xf32>
      %eq3A_623 = arith.constant 0 : i32
      %eq3A_624 = vector.broadcast %eq3A_623 : i32 to vector<16xi32>
      %eq3A_625 = arith.cmpi eq, %iota3A_434, %eq3A_624 : vector<16xi32>
      %broadcast_in_dim3A_626 = vector.broadcast %reduce_min3A_622 : f32 to vector<16xf32>
      %select_n3A_627 = arith.select %eq3A_625, %broadcast_in_dim3A_626, %broadcast_in_dim3A_616 : vector<16xi1>, vector<16xf32>
      %get3A_628 = arith.constant 272 : index
      %get3A_629 = tpu.vector_load %arg10[%get3A_628] {strides = array<i32>} : memref<512xf32, #tpu.memory_space<vmem>>, vector<16xf32>,
      %reduce_min3A_630 = arith.constant true
      %reduce_min3A_631 = vector.broadcast %reduce_min3A_630 : i1 to vector<16xi1>
      %reduce_min3A_632 = tpu.scan <min>, %get3A_629 masked %reduce_min3A_631 : vector<16xf32>, vector<16xi1> -> vector<16xf32>
      %reduce_min3A_633 = vector.extract %reduce_min3A_632[15] : f32 from vector<16xf32>
      %eq3A_634 = arith.constant 1 : i32
      %eq3A_635 = vector.broadcast %eq3A_634 : i32 to vector<16xi32>
      %eq3A_636 = arith.cmpi eq, %iota3A_434, %eq3A_635 : vector<16xi32>
      %broadcast_in_dim3A_637 = vector.broadcast %reduce_min3A_633 : f32 to vector<16xf32>
      %select_n3A_638 = arith.select %eq3A_636, %broadcast_in_dim3A_637, %select_n3A_627 : vector<16xi1>, vector<16xf32>
      %get3A_639 = arith.constant 288 : index
      %get3A_640 = tpu.vector_load %arg10[%get3A_639] {strides = array<i32>} : memref<512xf32, #tpu.memory_space<vmem>>, vector<16xf32>,
      %reduce_min3A_641 = arith.constant true
      %reduce_min3A_642 = vector.broadcast %reduce_min3A_641 : i1 to vector<16xi1>
      %reduce_min3A_643 = tpu.scan <min>, %get3A_640 masked %reduce_min3A_642 : vector<16xf32>, vector<16xi1> -> vector<16xf32>
      %reduce_min3A_644 = vector.extract %reduce_min3A_643[15] : f32 from vector<16xf32>
      %eq3A_645 = arith.constant 2 : i32
      %eq3A_646 = vector.broadcast %eq3A_645 : i32 to vector<16xi32>
      %eq3A_647 = arith.cmpi eq, %iota3A_434, %eq3A_646 : vector<16xi32>
      %broadcast_in_dim3A_648 = vector.broadcast %reduce_min3A_644 : f32 to vector<16xf32>
      %select_n3A_649 = arith.select %eq3A_647, %broadcast_in_dim3A_648, %select_n3A_638 : vector<16xi1>, vector<16xf32>
      %get3A_650 = arith.constant 304 : index
      %get3A_651 = tpu.vector_load %arg10[%get3A_650] {strides = array<i32>} : memref<512xf32, #tpu.memory_space<vmem>>, vector<16xf32>,
      %reduce_min3A_652 = arith.constant true
      %reduce_min3A_653 = vector.broadcast %reduce_min3A_652 : i1 to vector<16xi1>
      %reduce_min3A_654 = tpu.scan <min>, %get3A_651 masked %reduce_min3A_653 : vector<16xf32>, vector<16xi1> -> vector<16xf32>
      %reduce_min3A_655 = vector.extract %reduce_min3A_654[15] : f32 from vector<16xf32>
      %eq3A_656 = arith.constant 3 : i32
      %eq3A_657 = vector.broadcast %eq3A_656 : i32 to vector<16xi32>
      %eq3A_658 = arith.cmpi eq, %iota3A_434, %eq3A_657 : vector<16xi32>
      %broadcast_in_dim3A_659 = vector.broadcast %reduce_min3A_655 : f32 to vector<16xf32>
      %select_n3A_660 = arith.select %eq3A_658, %broadcast_in_dim3A_659, %select_n3A_649 : vector<16xi1>, vector<16xf32>
      %get3A_661 = arith.constant 320 : index
      %get3A_662 = tpu.vector_load %arg10[%get3A_661] {strides = array<i32>} : memref<512xf32, #tpu.memory_space<vmem>>, vector<16xf32>,
      %reduce_min3A_663 = arith.constant true
      %reduce_min3A_664 = vector.broadcast %reduce_min3A_663 : i1 to vector<16xi1>
      %reduce_min3A_665 = tpu.scan <min>, %get3A_662 masked %reduce_min3A_664 : vector<16xf32>, vector<16xi1> -> vector<16xf32>
      %reduce_min3A_666 = vector.extract %reduce_min3A_665[15] : f32 from vector<16xf32>
      %eq3A_667 = arith.constant 4 : i32
      %eq3A_668 = vector.broadcast %eq3A_667 : i32 to vector<16xi32>
      %eq3A_669 = arith.cmpi eq, %iota3A_434, %eq3A_668 : vector<16xi32>
      %broadcast_in_dim3A_670 = vector.broadcast %reduce_min3A_666 : f32 to vector<16xf32>
      %select_n3A_671 = arith.select %eq3A_669, %broadcast_in_dim3A_670, %select_n3A_660 : vector<16xi1>, vector<16xf32>
      %get3A_672 = arith.constant 336 : index
      %get3A_673 = tpu.vector_load %arg10[%get3A_672] {strides = array<i32>} : memref<512xf32, #tpu.memory_space<vmem>>, vector<16xf32>,
      %reduce_min3A_674 = arith.constant true
      %reduce_min3A_675 = vector.broadcast %reduce_min3A_674 : i1 to vector<16xi1>
      %reduce_min3A_676 = tpu.scan <min>, %get3A_673 masked %reduce_min3A_675 : vector<16xf32>, vector<16xi1> -> vector<16xf32>
      %reduce_min3A_677 = vector.extract %reduce_min3A_676[15] : f32 from vector<16xf32>
      %eq3A_678 = arith.constant 5 : i32
      %eq3A_679 = vector.broadcast %eq3A_678 : i32 to vector<16xi32>
      %eq3A_680 = arith.cmpi eq, %iota3A_434, %eq3A_679 : vector<16xi32>
      %broadcast_in_dim3A_681 = vector.broadcast %reduce_min3A_677 : f32 to vector<16xf32>
      %select_n3A_682 = arith.select %eq3A_680, %broadcast_in_dim3A_681, %select_n3A_671 : vector<16xi1>, vector<16xf32>
      %get3A_683 = arith.constant 352 : index
      %get3A_684 = tpu.vector_load %arg10[%get3A_683] {strides = array<i32>} : memref<512xf32, #tpu.memory_space<vmem>>, vector<16xf32>,
      %reduce_min3A_685 = arith.constant true
      %reduce_min3A_686 = vector.broadcast %reduce_min3A_685 : i1 to vector<16xi1>
      %reduce_min3A_687 = tpu.scan <min>, %get3A_684 masked %reduce_min3A_686 : vector<16xf32>, vector<16xi1> -> vector<16xf32>
      %reduce_min3A_688 = vector.extract %reduce_min3A_687[15] : f32 from vector<16xf32>
      %eq3A_689 = arith.constant 6 : i32
      %eq3A_690 = vector.broadcast %eq3A_689 : i32 to vector<16xi32>
      %eq3A_691 = arith.cmpi eq, %iota3A_434, %eq3A_690 : vector<16xi32>
      %broadcast_in_dim3A_692 = vector.broadcast %reduce_min3A_688 : f32 to vector<16xf32>
      %select_n3A_693 = arith.select %eq3A_691, %broadcast_in_dim3A_692, %select_n3A_682 : vector<16xi1>, vector<16xf32>
      %get3A_694 = arith.constant 368 : index
      %get3A_695 = tpu.vector_load %arg10[%get3A_694] {strides = array<i32>} : memref<512xf32, #tpu.memory_space<vmem>>, vector<16xf32>,
      %reduce_min3A_696 = arith.constant true
      %reduce_min3A_697 = vector.broadcast %reduce_min3A_696 : i1 to vector<16xi1>
      %reduce_min3A_698 = tpu.scan <min>, %get3A_695 masked %reduce_min3A_697 : vector<16xf32>, vector<16xi1> -> vector<16xf32>
      %reduce_min3A_699 = vector.extract %reduce_min3A_698[15] : f32 from vector<16xf32>
      %eq3A_700 = arith.constant 7 : i32
      %eq3A_701 = vector.broadcast %eq3A_700 : i32 to vector<16xi32>
      %eq3A_702 = arith.cmpi eq, %iota3A_434, %eq3A_701 : vector<16xi32>
      %broadcast_in_dim3A_703 = vector.broadcast %reduce_min3A_699 : f32 to vector<16xf32>
      %select_n3A_704 = arith.select %eq3A_702, %broadcast_in_dim3A_703, %select_n3A_693 : vector<16xi1>, vector<16xf32>
      %get3A_705 = arith.constant 384 : index
      %get3A_706 = tpu.vector_load %arg10[%get3A_705] {strides = array<i32>} : memref<512xf32, #tpu.memory_space<vmem>>, vector<16xf32>,
      %reduce_min3A_707 = arith.constant true
      %reduce_min3A_708 = vector.broadcast %reduce_min3A_707 : i1 to vector<16xi1>
      %reduce_min3A_709 = tpu.scan <min>, %get3A_706 masked %reduce_min3A_708 : vector<16xf32>, vector<16xi1> -> vector<16xf32>
      %reduce_min3A_710 = vector.extract %reduce_min3A_709[15] : f32 from vector<16xf32>
      %eq3A_711 = arith.constant 8 : i32
      %eq3A_712 = vector.broadcast %eq3A_711 : i32 to vector<16xi32>
      %eq3A_713 = arith.cmpi eq, %iota3A_434, %eq3A_712 : vector<16xi32>
      %broadcast_in_dim3A_714 = vector.broadcast %reduce_min3A_710 : f32 to vector<16xf32>
      %select_n3A_715 = arith.select %eq3A_713, %broadcast_in_dim3A_714, %select_n3A_704 : vector<16xi1>, vector<16xf32>
      %get3A_716 = arith.constant 400 : index
      %get3A_717 = tpu.vector_load %arg10[%get3A_716] {strides = array<i32>} : memref<512xf32, #tpu.memory_space<vmem>>, vector<16xf32>,
      %reduce_min3A_718 = arith.constant true
      %reduce_min3A_719 = vector.broadcast %reduce_min3A_718 : i1 to vector<16xi1>
      %reduce_min3A_720 = tpu.scan <min>, %get3A_717 masked %reduce_min3A_719 : vector<16xf32>, vector<16xi1> -> vector<16xf32>
      %reduce_min3A_721 = vector.extract %reduce_min3A_720[15] : f32 from vector<16xf32>
      %eq3A_722 = arith.constant 9 : i32
      %eq3A_723 = vector.broadcast %eq3A_722 : i32 to vector<16xi32>
      %eq3A_724 = arith.cmpi eq, %iota3A_434, %eq3A_723 : vector<16xi32>
      %broadcast_in_dim3A_725 = vector.broadcast %reduce_min3A_721 : f32 to vector<16xf32>
      %select_n3A_726 = arith.select %eq3A_724, %broadcast_in_dim3A_725, %select_n3A_715 : vector<16xi1>, vector<16xf32>
      %get3A_727 = arith.constant 416 : index
      %get3A_728 = tpu.vector_load %arg10[%get3A_727] {strides = array<i32>} : memref<512xf32, #tpu.memory_space<vmem>>, vector<16xf32>,
      %reduce_min3A_729 = arith.constant true
      %reduce_min3A_730 = vector.broadcast %reduce_min3A_729 : i1 to vector<16xi1>
      %reduce_min3A_731 = tpu.scan <min>, %get3A_728 masked %reduce_min3A_730 : vector<16xf32>, vector<16xi1> -> vector<16xf32>
      %reduce_min3A_732 = vector.extract %reduce_min3A_731[15] : f32 from vector<16xf32>
      %eq3A_733 = arith.constant 10 : i32
      %eq3A_734 = vector.broadcast %eq3A_733 : i32 to vector<16xi32>
      %eq3A_735 = arith.cmpi eq, %iota3A_434, %eq3A_734 : vector<16xi32>
      %broadcast_in_dim3A_736 = vector.broadcast %reduce_min3A_732 : f32 to vector<16xf32>
      %select_n3A_737 = arith.select %eq3A_735, %broadcast_in_dim3A_736, %select_n3A_726 : vector<16xi1>, vector<16xf32>
      %get3A_738 = arith.constant 432 : index
      %get3A_739 = tpu.vector_load %arg10[%get3A_738] {strides = array<i32>} : memref<512xf32, #tpu.memory_space<vmem>>, vector<16xf32>,
      %reduce_min3A_740 = arith.constant true
      %reduce_min3A_741 = vector.broadcast %reduce_min3A_740 : i1 to vector<16xi1>
      %reduce_min3A_742 = tpu.scan <min>, %get3A_739 masked %reduce_min3A_741 : vector<16xf32>, vector<16xi1> -> vector<16xf32>
      %reduce_min3A_743 = vector.extract %reduce_min3A_742[15] : f32 from vector<16xf32>
      %eq3A_744 = arith.constant 11 : i32
      %eq3A_745 = vector.broadcast %eq3A_744 : i32 to vector<16xi32>
      %eq3A_746 = arith.cmpi eq, %iota3A_434, %eq3A_745 : vector<16xi32>
      %broadcast_in_dim3A_747 = vector.broadcast %reduce_min3A_743 : f32 to vector<16xf32>
      %select_n3A_748 = arith.select %eq3A_746, %broadcast_in_dim3A_747, %select_n3A_737 : vector<16xi1>, vector<16xf32>
      %get3A_749 = arith.constant 448 : index
      %get3A_750 = tpu.vector_load %arg10[%get3A_749] {strides = array<i32>} : memref<512xf32, #tpu.memory_space<vmem>>, vector<16xf32>,
      %reduce_min3A_751 = arith.constant true
      %reduce_min3A_752 = vector.broadcast %reduce_min3A_751 : i1 to vector<16xi1>
      %reduce_min3A_753 = tpu.scan <min>, %get3A_750 masked %reduce_min3A_752 : vector<16xf32>, vector<16xi1> -> vector<16xf32>
      %reduce_min3A_754 = vector.extract %reduce_min3A_753[15] : f32 from vector<16xf32>
      %eq3A_755 = arith.constant 12 : i32
      %eq3A_756 = vector.broadcast %eq3A_755 : i32 to vector<16xi32>
      %eq3A_757 = arith.cmpi eq, %iota3A_434, %eq3A_756 : vector<16xi32>
      %broadcast_in_dim3A_758 = vector.broadcast %reduce_min3A_754 : f32 to vector<16xf32>
      %select_n3A_759 = arith.select %eq3A_757, %broadcast_in_dim3A_758, %select_n3A_748 : vector<16xi1>, vector<16xf32>
      %get3A_760 = arith.constant 464 : index
      %get3A_761 = tpu.vector_load %arg10[%get3A_760] {strides = array<i32>} : memref<512xf32, #tpu.memory_space<vmem>>, vector<16xf32>,
      %reduce_min3A_762 = arith.constant true
      %reduce_min3A_763 = vector.broadcast %reduce_min3A_762 : i1 to vector<16xi1>
      %reduce_min3A_764 = tpu.scan <min>, %get3A_761 masked %reduce_min3A_763 : vector<16xf32>, vector<16xi1> -> vector<16xf32>
      %reduce_min3A_765 = vector.extract %reduce_min3A_764[15] : f32 from vector<16xf32>
      %eq3A_766 = arith.constant 13 : i32
      %eq3A_767 = vector.broadcast %eq3A_766 : i32 to vector<16xi32>
      %eq3A_768 = arith.cmpi eq, %iota3A_434, %eq3A_767 : vector<16xi32>
      %broadcast_in_dim3A_769 = vector.broadcast %reduce_min3A_765 : f32 to vector<16xf32>
      %select_n3A_770 = arith.select %eq3A_768, %broadcast_in_dim3A_769, %select_n3A_759 : vector<16xi1>, vector<16xf32>
      %get3A_771 = arith.constant 480 : index
      %get3A_772 = tpu.vector_load %arg10[%get3A_771] {strides = array<i32>} : memref<512xf32, #tpu.memory_space<vmem>>, vector<16xf32>,
      %reduce_min3A_773 = arith.constant true
      %reduce_min3A_774 = vector.broadcast %reduce_min3A_773 : i1 to vector<16xi1>
      %reduce_min3A_775 = tpu.scan <min>, %get3A_772 masked %reduce_min3A_774 : vector<16xf32>, vector<16xi1> -> vector<16xf32>
      %reduce_min3A_776 = vector.extract %reduce_min3A_775[15] : f32 from vector<16xf32>
      %eq3A_777 = arith.constant 14 : i32
      %eq3A_778 = vector.broadcast %eq3A_777 : i32 to vector<16xi32>
      %eq3A_779 = arith.cmpi eq, %iota3A_434, %eq3A_778 : vector<16xi32>
      %broadcast_in_dim3A_780 = vector.broadcast %reduce_min3A_776 : f32 to vector<16xf32>
      %select_n3A_781 = arith.select %eq3A_779, %broadcast_in_dim3A_780, %select_n3A_770 : vector<16xi1>, vector<16xf32>
      %get3A_782 = arith.constant 496 : index
      %get3A_783 = tpu.vector_load %arg10[%get3A_782] {strides = array<i32>} : memref<512xf32, #tpu.memory_space<vmem>>, vector<16xf32>,
      %reduce_min3A_784 = arith.constant true
      %reduce_min3A_785 = vector.broadcast %reduce_min3A_784 : i1 to vector<16xi1>
      %reduce_min3A_786 = tpu.scan <min>, %get3A_783 masked %reduce_min3A_785 : vector<16xf32>, vector<16xi1> -> vector<16xf32>
      %reduce_min3A_787 = vector.extract %reduce_min3A_786[15] : f32 from vector<16xf32>
      %eq3A_788 = arith.constant 15 : i32
      %eq3A_789 = vector.broadcast %eq3A_788 : i32 to vector<16xi32>
      %eq3A_790 = arith.cmpi eq, %iota3A_434, %eq3A_789 : vector<16xi32>
      %broadcast_in_dim3A_791 = vector.broadcast %reduce_min3A_787 : f32 to vector<16xf32>
      %select_n3A_792 = arith.select %eq3A_790, %broadcast_in_dim3A_791, %select_n3A_781 : vector<16xi1>, vector<16xf32>
      %swap3A_793 = arith.constant 16 : index
      %swap3A_794 = tpu.vector_load %arg11[%swap3A_793] {strides = array<i32>} : memref<32xf32, #tpu.memory_space<vmem>>, vector<16xf32>,
      tpu.vector_store %arg11[%swap3A_793], %select_n3A_792 {strides = array<i32>} : memref<32xf32, #tpu.memory_space<vmem>>, vector<16xf32>,
      %iota3A_795 = tpu.iota {dimensions = array<i32: 0>} : vector<16xi32>
      %scan3A_796 = arith.constant 0 : i32
      %scan3A_797 = arith.constant 0 : i32
      %scan3A_798 = arith.constant 64 : i32
      %scan3A_799 = arith.addi %scan3A_797, %scan3A_798 : i32
      %scan3A_800 = arith.constant 1 : i32
      scf.for %scan3A_990 = %scan3A_797 to %scan3A_799 step %scan3A_800  : i32 {
        %get3A_991 = arith.constant 0 : index
        %get3A_992 = tpu.vector_load %arg11[%get3A_991] {strides = array<i32>} : memref<32xf32, #tpu.memory_space<vmem>>, vector<16xf32>,
        %get3A_993 = arith.constant 16 : index
        %get3A_994 = tpu.vector_load %arg11[%get3A_993] {strides = array<i32>} : memref<32xf32, #tpu.memory_space<vmem>>, vector<16xf32>,
        %min3A = arith.minimumf %get3A_992, %get3A_994 : vector<16xf32>
        %reduce_min3A_995 = arith.constant true
        %reduce_min3A_996 = vector.broadcast %reduce_min3A_995 : i1 to vector<16xi1>
        %reduce_min3A_997 = tpu.scan <min>, %min3A masked %reduce_min3A_996 : vector<16xf32>, vector<16xi1> -> vector<16xf32>
        %reduce_min3A_998 = vector.extract %reduce_min3A_997[15] : f32 from vector<16xf32>
        %le3A = vector.broadcast %reduce_min3A_998 : f32 to vector<16xf32>
        %le3A_999 = arith.cmpf ole, %get3A_992, %le3A : vector<16xf32>
        %jit3A = arith.constant 1073741824 : i32
        %broadcast_in_dim3A_1000 = vector.broadcast %jit3A : i32 to vector<16xi32>
        %select_n3A_1001 = arith.select %le3A_999, %iota3A_795, %broadcast_in_dim3A_1000 : vector<16xi1>, vector<16xi32>
        %le3A_1002 = vector.broadcast %reduce_min3A_998 : f32 to vector<16xf32>
        %le3A_1003 = arith.cmpf ole, %get3A_994, %le3A_1002 : vector<16xf32>
        %add3A_1004 = arith.constant 16 : i32
        %add3A_1005 = vector.broadcast %add3A_1004 : i32 to vector<16xi32>
        %add3A_1006 = arith.addi %add3A_1005, %iota3A_795 : vector<16xi32>
        %jit3A_1007 = arith.constant 1073741824 : i32
        %broadcast_in_dim3A_1008 = vector.broadcast %jit3A_1007 : i32 to vector<16xi32>
        %select_n3A_1009 = arith.select %le3A_1003, %add3A_1006, %broadcast_in_dim3A_1008 : vector<16xi1>, vector<16xi32>
        %min3A_1010 = arith.minsi %select_n3A_1001, %select_n3A_1009 : vector<16xi32>
        %reduce_min3A_1011 = arith.constant true
        %reduce_min3A_1012 = vector.broadcast %reduce_min3A_1011 : i1 to vector<16xi1>
        %reduce_min3A_1013 = arith.constant -2147483648 : i32
        %reduce_min3A_1014 = vector.broadcast %reduce_min3A_1013 : i32 to vector<16xi32>
        %reduce_min3A_1015 = arith.xori %min3A_1010, %reduce_min3A_1014 : vector<16xi32>
        %reduce_min3A_1016 = tpu.scan <min>, %reduce_min3A_1015 masked %reduce_min3A_1012 : vector<16xi32>, vector<16xi1> -> vector<16xi32>
        %reduce_min3A_1017 = arith.xori %reduce_min3A_1016, %reduce_min3A_1014 : vector<16xi32>
        %reduce_min3A_1018 = vector.extract %reduce_min3A_1017[15] : i32 from vector<16xi32>
        %mul3A_1019 = arith.constant 16 : i32
        %mul3A_1020 = arith.muli %reduce_min3A_1018, %mul3A_1019 : i32
        %get3A_1021 = arith.index_cast %mul3A_1020 : i32 to index
        %get3A_1022 = tpu.vector_load %arg10[%get3A_1021] {strides = array<i32>} : memref<512xf32, #tpu.memory_space<vmem>>, vector<16xf32>,
        %le3A_1023 = vector.broadcast %reduce_min3A_998 : f32 to vector<16xf32>
        %le3A_1024 = arith.cmpf ole, %get3A_1022, %le3A_1023 : vector<16xf32>
        %jit3A_1025 = arith.constant 1073741824 : i32
        %broadcast_in_dim3A_1026 = vector.broadcast %jit3A_1025 : i32 to vector<16xi32>
        %select_n3A_1027 = arith.select %le3A_1024, %iota3A_795, %broadcast_in_dim3A_1026 : vector<16xi1>, vector<16xi32>
        %reduce_min3A_1028 = arith.constant true
        %reduce_min3A_1029 = vector.broadcast %reduce_min3A_1028 : i1 to vector<16xi1>
        %reduce_min3A_1030 = arith.constant -2147483648 : i32
        %reduce_min3A_1031 = vector.broadcast %reduce_min3A_1030 : i32 to vector<16xi32>
        %reduce_min3A_1032 = arith.xori %select_n3A_1027, %reduce_min3A_1031 : vector<16xi32>
        %reduce_min3A_1033 = tpu.scan <min>, %reduce_min3A_1032 masked %reduce_min3A_1029 : vector<16xi32>, vector<16xi1> -> vector<16xi32>
        %reduce_min3A_1034 = arith.xori %reduce_min3A_1033, %reduce_min3A_1031 : vector<16xi32>
        %reduce_min3A_1035 = vector.extract %reduce_min3A_1034[15] : i32 from vector<16xi32>
        %mul3A_1036 = arith.constant 16 : i32
        %mul3A_1037 = arith.muli %reduce_min3A_1018, %mul3A_1036 : i32
        %add3A_1038 = arith.addi %mul3A_1037, %reduce_min3A_1035 : i32
        %mul3A_1039 = arith.constant 16 : i32
        %mul3A_1040 = arith.muli %add3A_1038, %mul3A_1039 : i32
        %get3A_1041 = arith.index_cast %mul3A_1040 : i32 to index
        %get3A_1042 = tpu.vector_load %arg8[%get3A_1041] {strides = array<i32>} : memref<8192xf32, #tpu.memory_space<vmem>>, vector<16xf32>,
        %le3A_1043 = vector.broadcast %reduce_min3A_998 : f32 to vector<16xf32>
        %le3A_1044 = arith.cmpf ole, %get3A_1042, %le3A_1043 : vector<16xf32>
        %jit3A_1045 = arith.constant 1073741824 : i32
        %broadcast_in_dim3A_1046 = vector.broadcast %jit3A_1045 : i32 to vector<16xi32>
        %select_n3A_1047 = arith.select %le3A_1044, %iota3A_795, %broadcast_in_dim3A_1046 : vector<16xi1>, vector<16xi32>
        %reduce_min3A_1048 = arith.constant true
        %reduce_min3A_1049 = vector.broadcast %reduce_min3A_1048 : i1 to vector<16xi1>
        %reduce_min3A_1050 = arith.constant -2147483648 : i32
        %reduce_min3A_1051 = vector.broadcast %reduce_min3A_1050 : i32 to vector<16xi32>
        %reduce_min3A_1052 = arith.xori %select_n3A_1047, %reduce_min3A_1051 : vector<16xi32>
        %reduce_min3A_1053 = tpu.scan <min>, %reduce_min3A_1052 masked %reduce_min3A_1049 : vector<16xi32>, vector<16xi1> -> vector<16xi32>
        %reduce_min3A_1054 = arith.xori %reduce_min3A_1053, %reduce_min3A_1051 : vector<16xi32>
        %reduce_min3A_1055 = vector.extract %reduce_min3A_1054[15] : i32 from vector<16xi32>
        %mul3A_1056 = arith.constant 16 : i32
        %mul3A_1057 = arith.muli %add3A_1038, %mul3A_1056 : i32
        %add3A_1058 = arith.addi %mul3A_1057, %reduce_min3A_1055 : i32
        %broadcast_in_dim3A_1059 = vector.broadcast %scan3A_990 : i32 to vector<16xi32>
        %broadcast_in_dim3A_1060 = vector.broadcast %add3A_1058 : i32 to vector<16xi32>
        %iota3A_1061 = tpu.iota {dimensions = array<i32: 0>} : vector<16xi32>
        %eq3A_1062 = arith.constant 0 : i32
        %eq3A_1063 = vector.broadcast %eq3A_1062 : i32 to vector<16xi32>
        %eq3A_1064 = arith.cmpi eq, %iota3A_1061, %eq3A_1063 : vector<16xi32>
        tpu.vector_store_idx %arg12[%broadcast_in_dim3A_1059], %broadcast_in_dim3A_1060 masked %eq3A_1064 : memref<64xi32, #tpu.memory_space<vmem>>[vector<16xi32>], vector<16xi32>, vector<16xi1>
        %broadcast_in_dim3A_1065 = vector.broadcast %scan3A_990 : i32 to vector<16xi32>
        %broadcast_in_dim3A_1066 = vector.broadcast %reduce_min3A_998 : f32 to vector<16xf32>
        %iota3A_1067 = tpu.iota {dimensions = array<i32: 0>} : vector<16xi32>
        %eq3A_1068 = arith.constant 0 : i32
        %eq3A_1069 = vector.broadcast %eq3A_1068 : i32 to vector<16xi32>
        %eq3A_1070 = arith.cmpi eq, %iota3A_1067, %eq3A_1069 : vector<16xi32>
        tpu.vector_store_idx %arg16[%broadcast_in_dim3A_1065], %broadcast_in_dim3A_1066 masked %eq3A_1070 : memref<64xf32, #tpu.memory_space<vmem>>[vector<16xi32>], vector<16xf32>, vector<16xi1>
        %eq3A_1071 = vector.broadcast %reduce_min3A_1055 : i32 to vector<16xi32>
        %eq3A_1072 = arith.cmpi eq, %iota3A_795, %eq3A_1071 : vector<16xi32>
        %jit3A_1073 = arith.constant 3.000000e+38 : f32
        %broadcast_in_dim3A_1074 = vector.broadcast %jit3A_1073 : f32 to vector<16xf32>
        %select_n3A_1075 = arith.select %eq3A_1072, %broadcast_in_dim3A_1074, %get3A_1042 : vector<16xi1>, vector<16xf32>
        %mul3A_1076 = arith.constant 16 : i32
        %mul3A_1077 = arith.muli %add3A_1038, %mul3A_1076 : i32
        %swap3A_1078 = arith.index_cast %mul3A_1077 : i32 to index
        %swap3A_1079 = tpu.vector_load %arg8[%swap3A_1078] {strides = array<i32>} : memref<8192xf32, #tpu.memory_space<vmem>>, vector<16xf32>,
        tpu.vector_store %arg8[%swap3A_1078], %select_n3A_1075 {strides = array<i32>} : memref<8192xf32, #tpu.memory_space<vmem>>, vector<16xf32>,
        %eq3A_1080 = vector.broadcast %reduce_min3A_1035 : i32 to vector<16xi32>
        %eq3A_1081 = arith.cmpi eq, %iota3A_795, %eq3A_1080 : vector<16xi32>
        %reduce_min3A_1082 = arith.constant true
        %reduce_min3A_1083 = vector.broadcast %reduce_min3A_1082 : i1 to vector<16xi1>
        %reduce_min3A_1084 = tpu.scan <min>, %select_n3A_1075 masked %reduce_min3A_1083 : vector<16xf32>, vector<16xi1> -> vector<16xf32>
        %reduce_min3A_1085 = vector.extract %reduce_min3A_1084[15] : f32 from vector<16xf32>
        %broadcast_in_dim3A_1086 = vector.broadcast %reduce_min3A_1085 : f32 to vector<16xf32>
        %select_n3A_1087 = arith.select %eq3A_1081, %broadcast_in_dim3A_1086, %get3A_1022 : vector<16xi1>, vector<16xf32>
        %mul3A_1088 = arith.constant 16 : i32
        %mul3A_1089 = arith.muli %reduce_min3A_1018, %mul3A_1088 : i32
        %swap3A_1090 = arith.index_cast %mul3A_1089 : i32 to index
        %swap3A_1091 = tpu.vector_load %arg10[%swap3A_1090] {strides = array<i32>} : memref<512xf32, #tpu.memory_space<vmem>>, vector<16xf32>,
        tpu.vector_store %arg10[%swap3A_1090], %select_n3A_1087 {strides = array<i32>} : memref<512xf32, #tpu.memory_space<vmem>>, vector<16xf32>,
        %reduce_min3A_1092 = arith.constant true
        %reduce_min3A_1093 = vector.broadcast %reduce_min3A_1092 : i1 to vector<16xi1>
        %reduce_min3A_1094 = tpu.scan <min>, %select_n3A_1087 masked %reduce_min3A_1093 : vector<16xf32>, vector<16xi1> -> vector<16xf32>
        %reduce_min3A_1095 = vector.extract %reduce_min3A_1094[15] : f32 from vector<16xf32>
        %broadcast_in_dim3A_1096 = vector.broadcast %reduce_min3A_1018 : i32 to vector<16xi32>
        %broadcast_in_dim3A_1097 = vector.broadcast %reduce_min3A_1095 : f32 to vector<16xf32>
        %iota3A_1098 = tpu.iota {dimensions = array<i32: 0>} : vector<16xi32>
        %eq3A_1099 = arith.constant 0 : i32
        %eq3A_1100 = vector.broadcast %eq3A_1099 : i32 to vector<16xi32>
        %eq3A_1101 = arith.cmpi eq, %iota3A_1098, %eq3A_1100 : vector<16xi32>
        tpu.vector_store_idx %arg11[%broadcast_in_dim3A_1096], %broadcast_in_dim3A_1097 masked %eq3A_1101 : memref<32xf32, #tpu.memory_space<vmem>>[vector<16xi32>], vector<16xf32>, vector<16xi1>
      }
      %scan3A_801 = arith.constant 64 : i32
      %get3A_802 = arith.constant 0 : index
      %get3A_803 = tpu.vector_load %arg12[%get3A_802] {strides = array<i32>} : memref<64xi32, #tpu.memory_space<vmem>>, vector<16xi32>,
      %shift_right_arithmetic3A = arith.constant 7 : i32
      %shift_right_arithmetic3A_804 = vector.broadcast %shift_right_arithmetic3A : i32 to vector<16xi32>
      %shift_right_arithmetic3A_805 = arith.shrsi %get3A_803, %shift_right_arithmetic3A_804 : vector<16xi32>
      %gather3A = tpu.vector_load_idx %arg13[%shift_right_arithmetic3A_805] : memref<64xi32, #tpu.memory_space<vmem>>[vector<16xi32>], vector<16xi32>,
      %mul3A_806 = arith.constant 128 : i32
      %mul3A_807 = vector.broadcast %mul3A_806 : i32 to vector<16xi32>
      %mul3A_808 = arith.muli %gather3A, %mul3A_807 : vector<16xi32>
      %and3A = arith.constant 127 : i32
      %and3A_809 = vector.broadcast %and3A : i32 to vector<16xi32>
      %and3A_810 = arith.andi %get3A_803, %and3A_809 : vector<16xi32>
      %add3A_811 = arith.addi %mul3A_808, %and3A_810 : vector<16xi32>
      %swap3A_812 = arith.constant 0 : index
      %swap3A_813 = tpu.vector_load %arg15[%swap3A_812] {strides = array<i32>} : memref<64xi32, #tpu.memory_space<vmem>>, vector<16xi32>,
      tpu.vector_store %arg15[%swap3A_812], %add3A_811 {strides = array<i32>} : memref<64xi32, #tpu.memory_space<vmem>>, vector<16xi32>,
      %shift_right_arithmetic3A_814 = arith.constant 7 : i32
      %shift_right_arithmetic3A_815 = vector.broadcast %shift_right_arithmetic3A_814 : i32 to vector<16xi32>
      %shift_right_arithmetic3A_816 = arith.shrsi %add3A_811, %shift_right_arithmetic3A_815 : vector<16xi32>
      %swap3A_817 = arith.constant 0 : index
      %swap3A_818 = tpu.vector_load %arg14[%swap3A_817] {strides = array<i32>} : memref<64xi32, #tpu.memory_space<vmem>>, vector<16xi32>,
      tpu.vector_store %arg14[%swap3A_817], %shift_right_arithmetic3A_816 {strides = array<i32>} : memref<64xi32, #tpu.memory_space<vmem>>, vector<16xi32>,
      %get3A_819 = arith.constant 16 : index
      %get3A_820 = tpu.vector_load %arg12[%get3A_819] {strides = array<i32>} : memref<64xi32, #tpu.memory_space<vmem>>, vector<16xi32>,
      %shift_right_arithmetic3A_821 = arith.constant 7 : i32
      %shift_right_arithmetic3A_822 = vector.broadcast %shift_right_arithmetic3A_821 : i32 to vector<16xi32>
      %shift_right_arithmetic3A_823 = arith.shrsi %get3A_820, %shift_right_arithmetic3A_822 : vector<16xi32>
      %gather3A_824 = tpu.vector_load_idx %arg13[%shift_right_arithmetic3A_823] : memref<64xi32, #tpu.memory_space<vmem>>[vector<16xi32>], vector<16xi32>,
      %mul3A_825 = arith.constant 128 : i32
      %mul3A_826 = vector.broadcast %mul3A_825 : i32 to vector<16xi32>
      %mul3A_827 = arith.muli %gather3A_824, %mul3A_826 : vector<16xi32>
      %and3A_828 = arith.constant 127 : i32
      %and3A_829 = vector.broadcast %and3A_828 : i32 to vector<16xi32>
      %and3A_830 = arith.andi %get3A_820, %and3A_829 : vector<16xi32>
      %add3A_831 = arith.addi %mul3A_827, %and3A_830 : vector<16xi32>
      %swap3A_832 = arith.constant 16 : index
      %swap3A_833 = tpu.vector_load %arg15[%swap3A_832] {strides = array<i32>} : memref<64xi32, #tpu.memory_space<vmem>>, vector<16xi32>,
      tpu.vector_store %arg15[%swap3A_832], %add3A_831 {strides = array<i32>} : memref<64xi32, #tpu.memory_space<vmem>>, vector<16xi32>,
      %shift_right_arithmetic3A_834 = arith.constant 7 : i32
      %shift_right_arithmetic3A_835 = vector.broadcast %shift_right_arithmetic3A_834 : i32 to vector<16xi32>
      %shift_right_arithmetic3A_836 = arith.shrsi %add3A_831, %shift_right_arithmetic3A_835 : vector<16xi32>
      %swap3A_837 = arith.constant 16 : index
      %swap3A_838 = tpu.vector_load %arg14[%swap3A_837] {strides = array<i32>} : memref<64xi32, #tpu.memory_space<vmem>>, vector<16xi32>,
      tpu.vector_store %arg14[%swap3A_837], %shift_right_arithmetic3A_836 {strides = array<i32>} : memref<64xi32, #tpu.memory_space<vmem>>, vector<16xi32>,
      %get3A_839 = arith.constant 32 : index
      %get3A_840 = tpu.vector_load %arg12[%get3A_839] {strides = array<i32>} : memref<64xi32, #tpu.memory_space<vmem>>, vector<16xi32>,
      %shift_right_arithmetic3A_841 = arith.constant 7 : i32
      %shift_right_arithmetic3A_842 = vector.broadcast %shift_right_arithmetic3A_841 : i32 to vector<16xi32>
      %shift_right_arithmetic3A_843 = arith.shrsi %get3A_840, %shift_right_arithmetic3A_842 : vector<16xi32>
      %gather3A_844 = tpu.vector_load_idx %arg13[%shift_right_arithmetic3A_843] : memref<64xi32, #tpu.memory_space<vmem>>[vector<16xi32>], vector<16xi32>,
      %mul3A_845 = arith.constant 128 : i32
      %mul3A_846 = vector.broadcast %mul3A_845 : i32 to vector<16xi32>
      %mul3A_847 = arith.muli %gather3A_844, %mul3A_846 : vector<16xi32>
      %and3A_848 = arith.constant 127 : i32
      %and3A_849 = vector.broadcast %and3A_848 : i32 to vector<16xi32>
      %and3A_850 = arith.andi %get3A_840, %and3A_849 : vector<16xi32>
      %add3A_851 = arith.addi %mul3A_847, %and3A_850 : vector<16xi32>
      %swap3A_852 = arith.constant 32 : index
      %swap3A_853 = tpu.vector_load %arg15[%swap3A_852] {strides = array<i32>} : memref<64xi32, #tpu.memory_space<vmem>>, vector<16xi32>,
      tpu.vector_store %arg15[%swap3A_852], %add3A_851 {strides = array<i32>} : memref<64xi32, #tpu.memory_space<vmem>>, vector<16xi32>,
      %shift_right_arithmetic3A_854 = arith.constant 7 : i32
      %shift_right_arithmetic3A_855 = vector.broadcast %shift_right_arithmetic3A_854 : i32 to vector<16xi32>
      %shift_right_arithmetic3A_856 = arith.shrsi %add3A_851, %shift_right_arithmetic3A_855 : vector<16xi32>
      %swap3A_857 = arith.constant 32 : index
      %swap3A_858 = tpu.vector_load %arg14[%swap3A_857] {strides = array<i32>} : memref<64xi32, #tpu.memory_space<vmem>>, vector<16xi32>,
      tpu.vector_store %arg14[%swap3A_857], %shift_right_arithmetic3A_856 {strides = array<i32>} : memref<64xi32, #tpu.memory_space<vmem>>, vector<16xi32>,
      %get3A_859 = arith.constant 48 : index
      %get3A_860 = tpu.vector_load %arg12[%get3A_859] {strides = array<i32>} : memref<64xi32, #tpu.memory_space<vmem>>, vector<16xi32>,
      %shift_right_arithmetic3A_861 = arith.constant 7 : i32
      %shift_right_arithmetic3A_862 = vector.broadcast %shift_right_arithmetic3A_861 : i32 to vector<16xi32>
      %shift_right_arithmetic3A_863 = arith.shrsi %get3A_860, %shift_right_arithmetic3A_862 : vector<16xi32>
      %gather3A_864 = tpu.vector_load_idx %arg13[%shift_right_arithmetic3A_863] : memref<64xi32, #tpu.memory_space<vmem>>[vector<16xi32>], vector<16xi32>,
      %mul3A_865 = arith.constant 128 : i32
      %mul3A_866 = vector.broadcast %mul3A_865 : i32 to vector<16xi32>
      %mul3A_867 = arith.muli %gather3A_864, %mul3A_866 : vector<16xi32>
      %and3A_868 = arith.constant 127 : i32
      %and3A_869 = vector.broadcast %and3A_868 : i32 to vector<16xi32>
      %and3A_870 = arith.andi %get3A_860, %and3A_869 : vector<16xi32>
      %add3A_871 = arith.addi %mul3A_867, %and3A_870 : vector<16xi32>
      %swap3A_872 = arith.constant 48 : index
      %swap3A_873 = tpu.vector_load %arg15[%swap3A_872] {strides = array<i32>} : memref<64xi32, #tpu.memory_space<vmem>>, vector<16xi32>,
      tpu.vector_store %arg15[%swap3A_872], %add3A_871 {strides = array<i32>} : memref<64xi32, #tpu.memory_space<vmem>>, vector<16xi32>,
      %shift_right_arithmetic3A_874 = arith.constant 7 : i32
      %shift_right_arithmetic3A_875 = vector.broadcast %shift_right_arithmetic3A_874 : i32 to vector<16xi32>
      %shift_right_arithmetic3A_876 = arith.shrsi %add3A_871, %shift_right_arithmetic3A_875 : vector<16xi32>
      %swap3A_877 = arith.constant 48 : index
      %swap3A_878 = tpu.vector_load %arg14[%swap3A_877] {strides = array<i32>} : memref<64xi32, #tpu.memory_space<vmem>>, vector<16xi32>,
      tpu.vector_store %arg14[%swap3A_877], %shift_right_arithmetic3A_876 {strides = array<i32>} : memref<64xi32, #tpu.memory_space<vmem>>, vector<16xi32>,
      %dma_start3A_879 = arith.constant 0 : i32
      %dma_start3A_880 = arith.constant 0 : i32
      %dma_start3A_881 = tpu.memref_slice %arg4[%dma_start3A_879, %dma_start3A_880] : memref<7936x128xi32, #tpu.memory_space<hbm>> -> memref<7936x128xi32, #tpu.memory_space<hbm>>
      tpu.enqueue_indirect_dma source(%dma_start3A_881 : memref<7936x128xi32, #tpu.memory_space<hbm>>) target(%arg9 : memref<64x128xi32, #tpu.memory_space<vmem>>) offsets(%arg14 : memref<64xi32, #tpu.memory_space<vmem>>) semaphore(%arg20 : memref<!tpu.dma_semaphore, #tpu.memory_space<semaphore_mem>>)
      %dma_wait3A_882 = arith.constant 0 : i32
      %dma_wait3A_883 = arith.constant 0 : i32
      %dma_wait3A_884 = tpu.memref_slice %arg4[%dma_wait3A_882, %dma_wait3A_883] : memref<7936x128xi32, #tpu.memory_space<hbm>> -> memref<7936x128xi32, #tpu.memory_space<hbm>>
      tpu.wait_indirect_dma semaphore(%arg20 : memref<!tpu.dma_semaphore, #tpu.memory_space<semaphore_mem>>) src(%dma_wait3A_884 : memref<7936x128xi32, #tpu.memory_space<hbm>>) dst(%arg9 : memref<64x128xi32, #tpu.memory_space<vmem>>)
      %get3A_885 = arith.constant 0 : index
      %get3A_886 = tpu.vector_load %arg16[%get3A_885] {strides = array<i32>} : memref<64xf32, #tpu.memory_space<vmem>>, vector<16xf32>,
      %neg3A = arith.constant 0.000000e+00 : f32
      %neg3A_887 = vector.broadcast %neg3A : f32 to vector<16xf32>
      %neg3A_888 = arith.subf %neg3A_887, %get3A_886 : vector<16xf32>
      %div3A = arith.divf %neg3A_888, %get3A_1 : vector<16xf32>
      %get3A_889 = arith.constant 16 : index
      %get3A_890 = tpu.vector_load %arg16[%get3A_889] {strides = array<i32>} : memref<64xf32, #tpu.memory_space<vmem>>, vector<16xf32>,
      %neg3A_891 = arith.constant 0.000000e+00 : f32
      %neg3A_892 = vector.broadcast %neg3A_891 : f32 to vector<16xf32>
      %neg3A_893 = arith.subf %neg3A_892, %get3A_890 : vector<16xf32>
      %div3A_894 = arith.divf %neg3A_893, %get3A_1 : vector<16xf32>
      %get3A_895 = arith.constant 32 : index
      %get3A_896 = tpu.vector_load %arg16[%get3A_895] {strides = array<i32>} : memref<64xf32, #tpu.memory_space<vmem>>, vector<16xf32>,
      %neg3A_897 = arith.constant 0.000000e+00 : f32
      %neg3A_898 = vector.broadcast %neg3A_897 : f32 to vector<16xf32>
      %neg3A_899 = arith.subf %neg3A_898, %get3A_896 : vector<16xf32>
      %div3A_900 = arith.divf %neg3A_899, %get3A_1 : vector<16xf32>
      %get3A_901 = arith.constant 48 : index
      %get3A_902 = tpu.vector_load %arg16[%get3A_901] {strides = array<i32>} : memref<64xf32, #tpu.memory_space<vmem>>, vector<16xf32>,
      %neg3A_903 = arith.constant 0.000000e+00 : f32
      %neg3A_904 = vector.broadcast %neg3A_903 : f32 to vector<16xf32>
      %neg3A_905 = arith.subf %neg3A_904, %get3A_902 : vector<16xf32>
      %div3A_906 = arith.divf %neg3A_905, %get3A_1 : vector<16xf32>
      %max3A = arith.maximumf %div3A, %div3A_894 : vector<16xf32>
      %max3A_907 = arith.maximumf %max3A, %div3A_900 : vector<16xf32>
      %max3A_908 = arith.maximumf %max3A_907, %div3A_906 : vector<16xf32>
      %reduce_max3A = arith.constant true
      %reduce_max3A_909 = vector.broadcast %reduce_max3A : i1 to vector<16xi1>
      %reduce_max3A_910 = tpu.scan <max>, %max3A_908 masked %reduce_max3A_909 : vector<16xf32>, vector<16xi1> -> vector<16xf32>
      %reduce_max3A_911 = vector.extract %reduce_max3A_910[15] : f32 from vector<16xf32>
      %sub3A = vector.broadcast %reduce_max3A_911 : f32 to vector<16xf32>
      %sub3A_912 = arith.subf %div3A, %sub3A : vector<16xf32>
      %exp3A = math.exp %sub3A_912 : vector<16xf32>
      %sub3A_913 = vector.broadcast %reduce_max3A_911 : f32 to vector<16xf32>
      %sub3A_914 = arith.subf %div3A_894, %sub3A_913 : vector<16xf32>
      %exp3A_915 = math.exp %sub3A_914 : vector<16xf32>
      %sub3A_916 = vector.broadcast %reduce_max3A_911 : f32 to vector<16xf32>
      %sub3A_917 = arith.subf %div3A_900, %sub3A_916 : vector<16xf32>
      %exp3A_918 = math.exp %sub3A_917 : vector<16xf32>
      %sub3A_919 = vector.broadcast %reduce_max3A_911 : f32 to vector<16xf32>
      %sub3A_920 = arith.subf %div3A_906, %sub3A_919 : vector<16xf32>
      %exp3A_921 = math.exp %sub3A_920 : vector<16xf32>
      %add3A_922 = arith.addf %exp3A, %exp3A_915 : vector<16xf32>
      %add3A_923 = arith.addf %add3A_922, %exp3A_918 : vector<16xf32>
      %add3A_924 = arith.addf %add3A_923, %exp3A_921 : vector<16xf32>
      %reduce_sum3A = arith.constant true
      %reduce_sum3A_925 = vector.broadcast %reduce_sum3A : i1 to vector<16xi1>
      %reduce_sum3A_926 = tpu.scan <sum>, %add3A_924 masked %reduce_sum3A_925 : vector<16xf32>, vector<16xi1> -> vector<16xf32>
      %reduce_sum3A_927 = vector.extract %reduce_sum3A_926[15] : f32 from vector<16xf32>
      %gt3A = arith.constant 0 : i32
      %gt3A_928 = arith.cmpi sgt, %scan3A_24, %gt3A : i32
      %convert_element_type3A_929 = arith.extui %gt3A_928 : i1 to i32
      %cond3A_930 = arith.constant 0 : i32
      %cond3A_931 = arith.cmpi ne, %convert_element_type3A_929, %cond3A_930 : i32
      scf.if %cond3A_931 {
        %dma_wait3A_990 = arith.constant 0 : i32
        %dma_wait3A_991 = arith.constant 0 : i32
        %dma_wait3A_992 = tpu.memref_slice %arg6[%dma_wait3A_990, %dma_wait3A_991] : memref<128x32000xf32, #tpu.memory_space<hbm>> -> memref<1x32000xf32, #tpu.memory_space<hbm>>
        %dma_wait3A_993 = tpu.memref_squeeze %dma_wait3A_992 : memref<1x32000xf32, #tpu.memory_space<hbm>> -> memref<32000xf32, #tpu.memory_space<hbm>>
        %dma_wait3A_994 = arith.constant 0 : i32
        %dma_wait3A_995 = tpu.memref_slice %arg6[%dma_wait3A_990, %dma_wait3A_994] : memref<128x32000xf32, #tpu.memory_space<hbm>> -> memref<1x32000xf32, #tpu.memory_space<hbm>>
        %dma_wait3A_996 = tpu.memref_squeeze %dma_wait3A_995 : memref<1x32000xf32, #tpu.memory_space<hbm>> -> memref<32000xf32, #tpu.memory_space<hbm>>
        tpu.wait_dma2 semaphore(%arg22 : memref<!tpu.dma_semaphore, #tpu.memory_space<semaphore_mem>>) src(%arg18 : memref<32000xf32, #tpu.memory_space<vmem>>) dst(%dma_wait3A_996 : memref<32000xf32, #tpu.memory_space<hbm>>)
        %get3A_997 = arith.constant 0 : index
        %get3A_998 = tpu.vector_load %arg17[%get3A_997] {strides = array<i32>} : memref<64xi32, #tpu.memory_space<vmem>>, vector<16xi32>,
        %broadcast_in_dim3A_999 = arith.constant 0.000000e+00 : f32
        %broadcast_in_dim3A_1000 = vector.broadcast %broadcast_in_dim3A_999 : f32 to vector<16xf32>
        tpu.vector_store_idx %arg18[%get3A_998], %broadcast_in_dim3A_1000 : memref<32000xf32, #tpu.memory_space<vmem>>[vector<16xi32>], vector<16xf32>,
        %get3A_1001 = arith.constant 16 : index
        %get3A_1002 = tpu.vector_load %arg17[%get3A_1001] {strides = array<i32>} : memref<64xi32, #tpu.memory_space<vmem>>, vector<16xi32>,
        %broadcast_in_dim3A_1003 = arith.constant 0.000000e+00 : f32
        %broadcast_in_dim3A_1004 = vector.broadcast %broadcast_in_dim3A_1003 : f32 to vector<16xf32>
        tpu.vector_store_idx %arg18[%get3A_1002], %broadcast_in_dim3A_1004 : memref<32000xf32, #tpu.memory_space<vmem>>[vector<16xi32>], vector<16xf32>,
        %get3A_1005 = arith.constant 32 : index
        %get3A_1006 = tpu.vector_load %arg17[%get3A_1005] {strides = array<i32>} : memref<64xi32, #tpu.memory_space<vmem>>, vector<16xi32>,
        %broadcast_in_dim3A_1007 = arith.constant 0.000000e+00 : f32
        %broadcast_in_dim3A_1008 = vector.broadcast %broadcast_in_dim3A_1007 : f32 to vector<16xf32>
        tpu.vector_store_idx %arg18[%get3A_1006], %broadcast_in_dim3A_1008 : memref<32000xf32, #tpu.memory_space<vmem>>[vector<16xi32>], vector<16xf32>,
        %get3A_1009 = arith.constant 48 : index
        %get3A_1010 = tpu.vector_load %arg17[%get3A_1009] {strides = array<i32>} : memref<64xi32, #tpu.memory_space<vmem>>, vector<16xi32>,
        %broadcast_in_dim3A_1011 = arith.constant 0.000000e+00 : f32
        %broadcast_in_dim3A_1012 = vector.broadcast %broadcast_in_dim3A_1011 : f32 to vector<16xf32>
        tpu.vector_store_idx %arg18[%get3A_1010], %broadcast_in_dim3A_1012 : memref<32000xf32, #tpu.memory_space<vmem>>[vector<16xi32>], vector<16xf32>,
      } else {
      }
      %get3A_932 = arith.constant 0 : index
      %get3A_933 = tpu.vector_load %arg15[%get3A_932] {strides = array<i32>} : memref<64xi32, #tpu.memory_space<vmem>>, vector<16xi32>,
      %add3A_934 = arith.constant 0 : i32
      %add3A_935 = vector.broadcast %add3A_934 : i32 to vector<16xi32>
      %add3A_936 = arith.addi %add3A_935, %iota3A : vector<16xi32>
      %and3A_937 = arith.constant 127 : i32
      %and3A_938 = vector.broadcast %and3A_937 : i32 to vector<16xi32>
      %and3A_939 = arith.andi %get3A_933, %and3A_938 : vector<16xi32>
      %gather3A_940 = tpu.vector_load_idx %arg9[%add3A_936, %and3A_939] : memref<64x128xi32, #tpu.memory_space<vmem>>[vector<16xi32>, vector<16xi32>], vector<16xi32>,
      %div3A_941 = vector.broadcast %reduce_sum3A_927 : f32 to vector<16xf32>
      %div3A_942 = arith.divf %exp3A, %div3A_941 : vector<16xf32>
      tpu.vector_store_idx %arg18[%gather3A_940], %div3A_942 {add = true} : memref<32000xf32, #tpu.memory_space<vmem>>[vector<16xi32>], vector<16xf32>,
      %swap3A_943 = arith.constant 0 : index
      %swap3A_944 = tpu.vector_load %arg17[%swap3A_943] {strides = array<i32>} : memref<64xi32, #tpu.memory_space<vmem>>, vector<16xi32>,
      tpu.vector_store %arg17[%swap3A_943], %gather3A_940 {strides = array<i32>} : memref<64xi32, #tpu.memory_space<vmem>>, vector<16xi32>,
      %get3A_945 = arith.constant 16 : index
      %get3A_946 = tpu.vector_load %arg15[%get3A_945] {strides = array<i32>} : memref<64xi32, #tpu.memory_space<vmem>>, vector<16xi32>,
      %add3A_947 = arith.constant 16 : i32
      %add3A_948 = vector.broadcast %add3A_947 : i32 to vector<16xi32>
      %add3A_949 = arith.addi %add3A_948, %iota3A : vector<16xi32>
      %and3A_950 = arith.constant 127 : i32
      %and3A_951 = vector.broadcast %and3A_950 : i32 to vector<16xi32>
      %and3A_952 = arith.andi %get3A_946, %and3A_951 : vector<16xi32>
      %gather3A_953 = tpu.vector_load_idx %arg9[%add3A_949, %and3A_952] : memref<64x128xi32, #tpu.memory_space<vmem>>[vector<16xi32>, vector<16xi32>], vector<16xi32>,
      %div3A_954 = vector.broadcast %reduce_sum3A_927 : f32 to vector<16xf32>
      %div3A_955 = arith.divf %exp3A_915, %div3A_954 : vector<16xf32>
      tpu.vector_store_idx %arg18[%gather3A_953], %div3A_955 {add = true} : memref<32000xf32, #tpu.memory_space<vmem>>[vector<16xi32>], vector<16xf32>,
      %swap3A_956 = arith.constant 16 : index
      %swap3A_957 = tpu.vector_load %arg17[%swap3A_956] {strides = array<i32>} : memref<64xi32, #tpu.memory_space<vmem>>, vector<16xi32>,
      tpu.vector_store %arg17[%swap3A_956], %gather3A_953 {strides = array<i32>} : memref<64xi32, #tpu.memory_space<vmem>>, vector<16xi32>,
      %get3A_958 = arith.constant 32 : index
      %get3A_959 = tpu.vector_load %arg15[%get3A_958] {strides = array<i32>} : memref<64xi32, #tpu.memory_space<vmem>>, vector<16xi32>,
      %add3A_960 = arith.constant 32 : i32
      %add3A_961 = vector.broadcast %add3A_960 : i32 to vector<16xi32>
      %add3A_962 = arith.addi %add3A_961, %iota3A : vector<16xi32>
      %and3A_963 = arith.constant 127 : i32
      %and3A_964 = vector.broadcast %and3A_963 : i32 to vector<16xi32>
      %and3A_965 = arith.andi %get3A_959, %and3A_964 : vector<16xi32>
      %gather3A_966 = tpu.vector_load_idx %arg9[%add3A_962, %and3A_965] : memref<64x128xi32, #tpu.memory_space<vmem>>[vector<16xi32>, vector<16xi32>], vector<16xi32>,
      %div3A_967 = vector.broadcast %reduce_sum3A_927 : f32 to vector<16xf32>
      %div3A_968 = arith.divf %exp3A_918, %div3A_967 : vector<16xf32>
      tpu.vector_store_idx %arg18[%gather3A_966], %div3A_968 {add = true} : memref<32000xf32, #tpu.memory_space<vmem>>[vector<16xi32>], vector<16xf32>,
      %swap3A_969 = arith.constant 32 : index
      %swap3A_970 = tpu.vector_load %arg17[%swap3A_969] {strides = array<i32>} : memref<64xi32, #tpu.memory_space<vmem>>, vector<16xi32>,
      tpu.vector_store %arg17[%swap3A_969], %gather3A_966 {strides = array<i32>} : memref<64xi32, #tpu.memory_space<vmem>>, vector<16xi32>,
      %get3A_971 = arith.constant 48 : index
      %get3A_972 = tpu.vector_load %arg15[%get3A_971] {strides = array<i32>} : memref<64xi32, #tpu.memory_space<vmem>>, vector<16xi32>,
      %add3A_973 = arith.constant 48 : i32
      %add3A_974 = vector.broadcast %add3A_973 : i32 to vector<16xi32>
      %add3A_975 = arith.addi %add3A_974, %iota3A : vector<16xi32>
      %and3A_976 = arith.constant 127 : i32
      %and3A_977 = vector.broadcast %and3A_976 : i32 to vector<16xi32>
      %and3A_978 = arith.andi %get3A_972, %and3A_977 : vector<16xi32>
      %gather3A_979 = tpu.vector_load_idx %arg9[%add3A_975, %and3A_978] : memref<64x128xi32, #tpu.memory_space<vmem>>[vector<16xi32>, vector<16xi32>], vector<16xi32>,
      %div3A_980 = vector.broadcast %reduce_sum3A_927 : f32 to vector<16xf32>
      %div3A_981 = arith.divf %exp3A_921, %div3A_980 : vector<16xf32>
      tpu.vector_store_idx %arg18[%gather3A_979], %div3A_981 {add = true} : memref<32000xf32, #tpu.memory_space<vmem>>[vector<16xi32>], vector<16xf32>,
      %swap3A_982 = arith.constant 48 : index
      %swap3A_983 = tpu.vector_load %arg17[%swap3A_982] {strides = array<i32>} : memref<64xi32, #tpu.memory_space<vmem>>, vector<16xi32>,
      tpu.vector_store %arg17[%swap3A_982], %gather3A_979 {strides = array<i32>} : memref<64xi32, #tpu.memory_space<vmem>>, vector<16xi32>,
      %dma_start3A_984 = arith.constant 0 : i32
      %dma_start3A_985 = tpu.memref_slice %arg6[%add3A_27, %dma_start3A_984] : memref<128x32000xf32, #tpu.memory_space<hbm>> -> memref<1x32000xf32, #tpu.memory_space<hbm>>
      %dma_start3A_986 = tpu.memref_squeeze %dma_start3A_985 : memref<1x32000xf32, #tpu.memory_space<hbm>> -> memref<32000xf32, #tpu.memory_space<hbm>>
      %dma_start3A_987 = arith.constant 0 : i32
      %dma_start3A_988 = tpu.memref_slice %arg6[%add3A_27, %dma_start3A_987] : memref<128x32000xf32, #tpu.memory_space<hbm>> -> memref<1x32000xf32, #tpu.memory_space<hbm>>
      %dma_start3A_989 = tpu.memref_squeeze %dma_start3A_988 : memref<1x32000xf32, #tpu.memory_space<hbm>> -> memref<32000xf32, #tpu.memory_space<hbm>>
      tpu.enqueue_dma source(%arg18 : memref<32000xf32, #tpu.memory_space<vmem>>) target(%dma_start3A_989 : memref<32000xf32, #tpu.memory_space<hbm>>) target_semaphore(%arg22 : memref<!tpu.dma_semaphore, #tpu.memory_space<semaphore_mem>>)
    }
    %scan3A_17 = arith.constant 4 : i32
    %dma_wait3A = arith.constant 0 : i32
    %dma_wait3A_18 = arith.constant 0 : i32
    %dma_wait3A_19 = tpu.memref_slice %arg6[%dma_wait3A, %dma_wait3A_18] : memref<128x32000xf32, #tpu.memory_space<hbm>> -> memref<1x32000xf32, #tpu.memory_space<hbm>>
    %dma_wait3A_20 = tpu.memref_squeeze %dma_wait3A_19 : memref<1x32000xf32, #tpu.memory_space<hbm>> -> memref<32000xf32, #tpu.memory_space<hbm>>
    %dma_wait3A_21 = arith.constant 0 : i32
    %dma_wait3A_22 = tpu.memref_slice %arg6[%dma_wait3A, %dma_wait3A_21] : memref<128x32000xf32, #tpu.memory_space<hbm>> -> memref<1x32000xf32, #tpu.memory_space<hbm>>
    %dma_wait3A_23 = tpu.memref_squeeze %dma_wait3A_22 : memref<1x32000xf32, #tpu.memory_space<hbm>> -> memref<32000xf32, #tpu.memory_space<hbm>>
    tpu.wait_dma2 semaphore(%arg22 : memref<!tpu.dma_semaphore, #tpu.memory_space<semaphore_mem>>) src(%arg18 : memref<32000xf32, #tpu.memory_space<vmem>>) dst(%dma_wait3A_23 : memref<32000xf32, #tpu.memory_space<hbm>>)
    return
  }
}

module attributes {stable_mosaic.version = 14 : i64} {
  func.func @_tc_body(%arg0: i32, %arg1: memref<128x64xf32, #tpu.memory_space<vmem>>, %arg2: memref<64x16384xf32, #tpu.memory_space<vmem>>, %arg3: memref<1x128x16384xf32, #tpu.memory_space<vmem>>, %arg4: memref<1x128x128xf32, #tpu.memory_space<vmem>>) attributes {dimension_semantics = [#tpu.dimension_semantics<arbitrary>], iteration_bounds = array<i64: 62>, scalar_prefetch = 0 : i64, scratch_operands = 0 : i64, tpu.core_type = #tpu.core_type<tc>, window_params = [{pipeline_mode = #tpu.pipeline_mode<synchronous>, transform_indices = @transform_0, window_bounds = array<i64: 128, 64>}, {transform_indices = @transform_1, window_bounds = array<i64: 64, 16384>}, {transform_indices = @transform_2, window_bounds = array<i64: 1, 128, 16384>}, {transform_indices = @transform_3, window_bounds = array<i64: 1, 128, 128>}]} {
    %get3A = arith.constant 0 : index
    %get3A_0 = arith.constant 0 : index
    %get3A_1 = vector.load %arg1[%get3A, %get3A_0] : memref<128x64xf32, #tpu.memory_space<vmem>>, vector<128x64xf32>
    %get3A_2 = arith.constant 0 : index
    %get3A_3 = arith.constant 0 : index
    %get3A_4 = vector.load %arg2[%get3A_2, %get3A_3] : memref<64x16384xf32, #tpu.memory_space<vmem>>, vector<64x16384xf32>
    %dot_general3A = arith.constant dense<0.000000e+00> : vector<128x16384xf32>
    %dot_general3A_5 = tpu.matmul %get3A_1, %get3A_4, %dot_general3A {dimension_numbers = #tpu.dot_dimension_numbers<[1], [0], [0], [1], [0, 0, 1, 1], [], []>, transpose_lhs_hint = false} : vector<128x64xf32>, vector<64x16384xf32>, vector<128x16384xf32> -> vector<128x16384xf32>
    %mul3A = arith.mulf %get3A_1, %get3A_1 : vector<128x64xf32>
    %reduce_sum3A = arith.constant dense<0.000000e+00> : vector<128xf32>
    %reduce_sum3A_6 = vector.multi_reduction <add>, %mul3A, %reduce_sum3A [1] : vector<128x64xf32> to vector<128xf32>
    %broadcast_in_dim3A = vector.shape_cast %reduce_sum3A_6 : vector<128xf32> to vector<128x1xf32>
    %mul3A_7 = arith.mulf %get3A_4, %get3A_4 : vector<64x16384xf32>
    %reduce_sum3A_8 = arith.constant dense<0.000000e+00> : vector<16384xf32>
    %reduce_sum3A_9 = vector.multi_reduction <add>, %mul3A_7, %reduce_sum3A_8 [0] : vector<64x16384xf32> to vector<16384xf32>
    %broadcast_in_dim3A_10 = vector.shape_cast %reduce_sum3A_9 : vector<16384xf32> to vector<1x16384xf32>
    %add3A = vector.broadcast %broadcast_in_dim3A : vector<128x1xf32> to vector<128x16384xf32>
    %add3A_11 = vector.broadcast %broadcast_in_dim3A_10 : vector<1x16384xf32> to vector<128x16384xf32>
    %add3A_12 = arith.addf %add3A, %add3A_11 : vector<128x16384xf32>
    %mul3A_13 = arith.constant 2.000000e+00 : f32
    %mul3A_14 = vector.broadcast %mul3A_13 : f32 to vector<128x16384xf32>
    %mul3A_15 = arith.mulf %mul3A_14, %dot_general3A_5 : vector<128x16384xf32>
    %sub3A = arith.subf %add3A_12, %mul3A_15 : vector<128x16384xf32>
    %mul3A_16 = arith.constant 16384 : i32
    %mul3A_17 = arith.muli %arg0, %mul3A_16 : i32
    %iota3A = tpu.iota {dimensions = array<i32: 1>} : vector<1x16384xi32>
    %add3A_18 = vector.broadcast %mul3A_17 : i32 to vector<1x16384xi32>
    %add3A_19 = arith.addi %add3A_18, %iota3A : vector<1x16384xi32>
    %ge3A = arith.constant 1000000 : i32
    %ge3A_20 = vector.broadcast %ge3A : i32 to vector<1x16384xi32>
    %ge3A_21 = arith.cmpi sge, %add3A_19, %ge3A_20 : vector<1x16384xi32>
    %jit3A = arith.constant 1.000000e+30 : f32
    %broadcast_in_dim3A_22 = vector.shape_cast %ge3A_21 : vector<1x16384xi1> to vector<1x16384xi1>
    %broadcast_in_dim3A_23 = vector.broadcast %broadcast_in_dim3A_22 : vector<1x16384xi1> to vector<128x16384xi1>
    %broadcast_in_dim3A_24 = vector.broadcast %jit3A : f32 to vector<128x16384xf32>
    %select_n3A = arith.select %broadcast_in_dim3A_23, %broadcast_in_dim3A_24, %sub3A : vector<128x16384xi1>, vector<128x16384xf32>
    %broadcast_in_dim3A_25 = vector.shape_cast %select_n3A : vector<128x16384xf32> to vector<1x128x16384xf32>
    %swap3A = arith.constant 0 : index
    %swap3A_26 = arith.constant 0 : index
    %swap3A_27 = arith.constant 0 : index
    %swap3A_28 = vector.load %arg3[%swap3A, %swap3A_26, %swap3A_27] : memref<1x128x16384xf32, #tpu.memory_space<vmem>>, vector<1x128x16384xf32>
    tpu.vector_store %arg3[%swap3A, %swap3A_26, %swap3A_27], %broadcast_in_dim3A_25 {strides = array<i32>} : memref<1x128x16384xf32, #tpu.memory_space<vmem>>, vector<1x128x16384xf32>,
    %reshape3A = vector.shape_cast %select_n3A : vector<128x16384xf32> to vector<128x128x128xf32>
    %reduce_min3A = arith.constant dense<0x7F800000> : vector<128x128xf32>
    %reduce_min3A_29 = vector.multi_reduction <minimumf>, %reshape3A, %reduce_min3A [2] : vector<128x128x128xf32> to vector<128x128xf32>
    %broadcast_in_dim3A_30 = vector.shape_cast %reduce_min3A_29 : vector<128x128xf32> to vector<1x128x128xf32>
    %swap3A_31 = arith.constant 0 : index
    %swap3A_32 = arith.constant 0 : index
    %swap3A_33 = arith.constant 0 : index
    %swap3A_34 = vector.load %arg4[%swap3A_31, %swap3A_32, %swap3A_33] : memref<1x128x128xf32, #tpu.memory_space<vmem>>, vector<1x128x128xf32>
    tpu.vector_store %arg4[%swap3A_31, %swap3A_32, %swap3A_33], %broadcast_in_dim3A_30 {strides = array<i32>} : memref<1x128x128xf32, #tpu.memory_space<vmem>>, vector<1x128x128xf32>,
    return
  }
  func.func @transform_0(%arg0: i32) -> (i32, i32) {
    %c0_i32 = arith.constant 0 : i32
    %c0_i32_0 = arith.constant 0 : i32
    %c0_i32_1 = arith.constant 0 : i32
    return %c0_i32, %c0_i32_0 : i32, i32
  }
  func.func @transform_1(%arg0: i32) -> (i32, i32) {
    %c0_i32 = arith.constant 0 : i32
    %c0_i32_0 = arith.constant 0 : i32
    return %c0_i32, %arg0 : i32, i32
  }
  func.func @transform_2(%arg0: i32) -> (i32, i32, i32) {
    %c0_i32 = arith.constant 0 : i32
    %c0_i32_0 = arith.constant 0 : i32
    %c0_i32_1 = arith.constant 0 : i32
    return %arg0, %c0_i32, %c0_i32_0 : i32, i32, i32
  }
  func.func @transform_3(%arg0: i32) -> (i32, i32, i32) {
    %c0_i32 = arith.constant 0 : i32
    %c0_i32_0 = arith.constant 0 : i32
    %c0_i32_1 = arith.constant 0 : i32
    return %arg0, %c0_i32, %c0_i32_0 : i32, i32, i32
  }
}

</mosaic_0001>

<sc_bundles>
// kernel: kernel.4.cloned.1.call-start
scs
__scs_entry_jumppad:
0x0: {  	(pc) =	sbr.rel $0x88, $3  }
0x1: {  	(tag) =	ssettag $0x0;
	lr =	simm.s32 $0x1  }
0x2: {  	[smem:$0x3F9D] =	sst lr;
	_ =	strace $0xD0000000  }
0x3: {  	_ = 	snop  }
0x4: {  	_ = 	snop  }
0x5: {  	_ = 	snop  }
0x6: {  	_ = 	snop  }
0x7: {  	_ = 	snop  }
__scs_overlays_trampoline_lowered:
0x8: {  	[smem:$0x3FAC] =	sst s0  }
0x9: {  	[smem:$0x3FAD] =	sst s1  }
0xa: {  	[smem:$0x3FAE] =	sst s2  }
0xb: {  	[smem:$0x3FAF] =	sst s3  }
0xc: {  	[smem:$0x3FB0] =	sst s4  }
0xd: {  	[smem:$0x3FB1] =	sst s5  }
0xe: {  	[smem:$0x3FB2] =	sst s6  }
0xf: {  	[smem:$0x3FB3] =	sst s7  }
0x10: {  	[smem:$0x3FB4] =	sst s8  }
0x11: {  	[smem:$0x3FB5] =	sst s9;
	s0 =	simm.s32 @!p0 $0x0  }
0x12: {  	s1 =	sld [smem:$0x3F9B];
	s0 =	simm.s32 @p0 $0x1  }
0x13: {  	[smem:$0x3FB6] =	sst s0;
	s0 =	simm.s32 @!p1 $0x0  }
0x14: {  	s2 =	sld [smem:$0x3F9A];
	s0 =	simm.s32 @p1 $0x1  }
0x15: {  	[smem:$0x3FB7] =	sst s0;
	s0 =	simm.s32 @!p2 $0x0  }
0x16: {  	s3 =	sld [smem:$0x3FDB];
	s0 =	simm.s32 @p2 $0x1  }
0x17: {  	s4 =	simm.s32 $0x1BF5;
	[smem:$0x3FB9] =	sst s0  }
0x18: {  	s0 =	sld [smem:$0x3F9C];
	_ =	swait.ge [sflag:s4], $0x0  }
0x19: {  	s7 =	sld [smem:$0x3F9D]  }
0x1a: {  	s8 =	sadd.s32 $0xFFFFE003, lr  }
0x1b: {  	s9 =	sadd.s32 $0xFFFFFEF7, lr;
	s5 =	simm.s32 $0xFFFFFFFF;
	p2 =	slt.u32 s8, $0xFFFFF086  }
0x1c: {  	p1 =	slt.u32 s9, $0xF7A;
	s5 =	simm.s32 @!p2 $0x0  }
0x1d: {  	s5 =	simm.s32 @p1 $0x1;
	p0 =	seq.s32 s7, s2  }
0x1e: {  	s7 =	smul.u32 @!p0 $0xF7A, s2;
	p2 =	seq.s32 @!p0 s5, $0x0  }
0x1f: {  	s9 =	smul.u32 $0xF7A, s1;
	s8 =	simm.s32 @!p0 $0x1BF5;
	p2 =	por !p2, p0  }
0x20: {  	[sflag:s8] =	ssyncset.s32 @!p0 $0xFFFFF086;
	s6 =	sadd.s32 @!p0 s3, s7;
	s7 =	simm.s32 @!p0 $0x108  }
0x21: {  	s3 =	sadd.s32 s3, s9;
	s6 =	sadd.s32 @!p0 $0x88, s6;
	s7 =	simm.s32 @p2 $0x1082  }
0x22: {  	[simem:s7], [sflag:s8] =	dma.local @!p0 [hbm:s6], $0xF7A  }
0x23: {  	s9 =	sor.u32 $0xD0000000, s2;
	s6 =	simm.s32 $0x108;
	_ =	swait.ge @!p0 [sflag:s8], $0x0  }
0x24: {  	s3 =	sadd.s32 $0x88, s3;
	s6 =	simm.s32 @!p1 $0x1082;
	[sflag:s4] =	ssyncset.s32 $0xFFFFF086  }
0x25: {  	[simem:s6], [sflag:s4] =	dma.local [hbm:s3], $0xF7A  }
0x26: {  	[smem:$0x3F9D] =	sst s1;
	(tag) =	ssettag s2;
	_ =	strace s9  }
0x27: {  	s1 =	sld [smem:$0x3FAD]  }
0x28: {  	s2 =	sld [smem:$0x3FAE]  }
0x29: {  	s4 =	sld [smem:$0x3FB0]  }
0x2a: {  	p0 =	seq.s32 s5, $0x0;
	s5 =	sld [smem:$0x3FB1]  }
0x2b: {  	s6 =	sld [smem:$0x3FB2]  }
0x2c: {  	s7 =	sld [smem:$0x3FB3]  }
0x2d: {  	s3 =	simm.s32 $0x108;
	s8 =	sld [smem:$0x3FB4]  }
0x2e: {  	s3 =	simm.s32 @!p0 $0x1082;
	s9 =	sld [smem:$0x3FB5]  }
0x2f: {  	lr =	sadd.s32 s0, s3;
	s0 =	sld [smem:$0x3FAC]  }
0x30: {  	s3 =	sld [smem:$0x3FAF]  }
0x31: {  	[smem:$0x3FB8] =	sst s10  }
0x32: {  	s10 =	sld [smem:$0x3FB6];
	_ =	sdelay $0x3  }
0x33: {  	p0 =	seq.s32 s10, $0x1;
	s10 =	sld [smem:$0x3FB8];
	_ =	sdelay $0x3  }
0x34: {  	[smem:$0x3FB8] =	sst s10  }
0x35: {  	s10 =	sld [smem:$0x3FB7];
	_ =	sdelay $0x3  }
0x36: {  	p1 =	seq.s32 s10, $0x1;
	s10 =	sld [smem:$0x3FB8];
	_ =	sdelay $0x3  }
0x37: {  	[smem:$0x3FB8] =	sst s10  }
0x38: {  	s10 =	sld [smem:$0x3FB9]  }
0x39: {  	_ = 	snop;
	(pc) =	sbr.ind lr, $3  }
0x3a: {  	_ = 	snop  }
0x3b: {  	_ = 	snop  }
0x3c: {  	p2 =	seq.s32 s10, $0x1;
	s10 =	sld [smem:$0x3FB8]  }
0x3d: {  	_ =	shalt  }
0x3e: {  	_ =	shalt  }
0x3f: {  	_ =	shalt  }
0x40: {  	_ =	shalt  }
0x41: {  	_ =	shalt  }
0x42: {  	_ =	shalt  }
0x43: {  	_ =	shalt  }
0x44: {  	_ =	shalt  }
0x45: {  	_ =	shalt  }
0x46: {  	_ =	shalt  }
0x47: {  	_ =	shalt  }
0x48: {  	_ =	shalt  }
0x49: {  	_ =	shalt  }
0x4a: {  	_ =	shalt  }
0x4b: {  	_ =	shalt  }
0x4c: {  	_ =	shalt  }
0x4d: {  	_ =	shalt  }
0x4e: {  	_ =	shalt  }
0x4f: {  	_ =	shalt  }
0x50: {  	_ =	shalt  }
0x51: {  	_ =	shalt  }
0x52: {  	_ =	shalt  }
0x53: {  	_ =	shalt  }
0x54: {  	_ =	shalt  }
0x55: {  	_ =	shalt  }
0x56: {  	_ =	shalt  }
0x57: {  	_ =	shalt  }
0x58: {  	_ =	shalt  }
0x59: {  	_ =	shalt  }
0x5a: {  	_ =	shalt  }
0x5b: {  	_ =	shalt  }
0x5c: {  	_ =	shalt  }
0x5d: {  	_ =	shalt  }
0x5e: {  	_ =	shalt  }
0x5f: {  	_ =	shalt  }
0x60: {  	_ =	shalt  }
0x61: {  	_ =	shalt  }
0x62: {  	_ =	shalt  }
0x63: {  	_ =	shalt  }
0x64: {  	_ =	shalt  }
0x65: {  	_ =	shalt  }
0x66: {  	_ =	shalt  }
0x67: {  	_ =	shalt  }
0x68: {  	_ =	shalt  }
0x69: {  	_ =	shalt  }
0x6a: {  	_ =	shalt  }
0x6b: {  	_ =	shalt  }
0x6c: {  	_ =	shalt  }
0x6d: {  	_ =	shalt  }
0x6e: {  	_ =	shalt  }
0x6f: {  	_ =	shalt  }
0x70: {  	_ =	shalt  }
0x71: {  	_ =	shalt  }
0x72: {  	_ =	shalt  }
0x73: {  	_ =	shalt  }
0x74: {  	_ =	shalt  }
0x75: {  	_ =	shalt  }
0x76: {  	_ =	shalt  }
0x77: {  	_ =	shalt  }
0x78: {  	_ =	shalt  }
0x79: {  	_ =	shalt  }
0x7a: {  	_ =	shalt  }
0x7b: {  	_ =	shalt  }
0x7c: {  	_ =	shalt  }
0x7d: {  	_ =	shalt  }
0x7e: {  	_ =	shalt  }
0x7f: {  	_ =	shalt  }
0x80: {  	_ =	shalt  }
0x81: {  	_ =	shalt  }
0x82: {  	_ =	shalt  }
0x83: {  	_ =	shalt  }
0x84: {  	_ =	shalt  }
0x85: {  	_ =	shalt  }
0x86: {  	_ =	shalt  }
0x87: {  	_ =	shalt  }
.Lfunc_end0:
.L_simem_size_0:
called_computation_lowered:
.L_overlay_start_0:
0x88: {  	s2 =	sld [smem:$0x3FD9]  }
0x89: {  	s3 =	sld [smem:$0x3FFE];
	_ =	sdelay $0x1  }
0x8a: {  	s1 =	srdreg.scid  }
0x8b: {  	s0 =	sand.u32 $0x1, s1  }
0x8c: {  	s17 =	sshll.u32 s0, $0xA;
	s2 =	sadd.s32 s3, s2  }
0x8d: {  	s2 =	sadd.s32 s2, s17  }
0x8e: {  	[smem:$0x3FC4] =	sst s2  }
0x8f: {  	_ = 	snop  }
0x90: {  	s2 =	sld [smem:$0x3FD0];
	(tm) =	ssettm $0x1  }
0x91: {  	s18 =	sld [smem:$0x3FFB];
	_ =	sdelay $0x3  }
0x92: {  	_ =	strace s18  }
0x93: {  	s3 =	sld [smem:$0x3FFC];
	_ =	sdelay $0x3  }
0x94: {  	_ =	strace s3  }
0x95: {  	s3 =	sld [smem:$0x3FFD];
	_ =	sdelay $0x3  }
0x96: {  	_ =	strace s3  }
0x97: {  	_ =	strace $0x8FFFFFFF  }
0x98: {  	s19 =	sld [smem:$0x3FDB];
	_ =	sdelay $0x1  }
0x99: {  	s4 =	simm.s32 $_scs_section_size  }
0x9a: {  	s5 =	simm.s32 $_size__tile_overlayer_lowered;
	s6 =	simm.s32 $_tile_overlayer_lowered  }
0x9b: {  	s22 =	simm.s32 $0x1BFF;
	s21 =	sshll.u32 s6, $0x1;
	s3 =	sadd.s32 s4, s19  }
0x9c: {  	s7 =	simm.s32 $0x0;
	s20 =	sshll.u32 s5, $0x1;
	s5 =	sadd.s32 s21, s3  }
0x9d: {  	[timem:s7], [sflag:s22] =	dma.local [hbm:s5], s20  }
0x9e: {  	_ =	swait.ge [sflag:s22], s20  }
0x9f: {  	s4 =	ssub.s32 $0x0, s20;
	[sflag:s22] =	ssyncset.done $0x0  }
0xa0: {  	[sflag:s22] =	ssyncadd.s32 s4;
	_ =	sdelay $0x1  }
0xa1: {  	s23 =	simm.s32 $0x1B8B  }
0xa2: {  	_ =	swait.ge [sflag:s23], $0x1  }
0xa3: {  	[sflag:s23] =	ssyncset.done $0x0  }
0xa4: {  	s25 =	simm.s32 $0x1B8E;
	s24 =	sld [smem:$0x3FFE];
	[sflag:s23] =	ssyncadd.s32 $0xFFFFFFFF  }
0xa5: {  	s26 =	simm.s32 $execute0_lowered;
	[smem:$0x3FD2] =	sst s25  }
0xa6: {  	s5 =	sshll.u32 s26, $0x1;
	_ =	strace $0x80000046;
	[dreg:$0x1] =	wrdreg $0xFFFFFFFF  }
0xa7: {  	s28 =	simm.s32 $_size_execute0_lowered;
	s3 =	sadd.s32 s3, s5;
	[dreg:$0x0] =	wrdreg $0x0  }
0xa8: {  	s5 =	sshll.u32 s28, $0x1;
	[dreg:$0x2] =	wrdreg s3  }
0xa9: {  	[dreg:$0x3] =	wrdreg s5  }
0xaa: {  	[dreg:$0x4] =	wrdreg $0xC0  }
0xab: {  	_ =	task [dreg:s7], $0x5FFFF  }
0xac: {  	[dreg:$0x1] =	wrdreg $0xFFFFFFFF  }
0xad: {  	[dreg:$0x0] =	wrdreg $0x60  }
0xae: {  	[dreg:$0x2] =	wrdreg s24  }
0xaf: {  	[dreg:$0x3] =	wrdreg s2  }
0xb0: {  	[dreg:$0x4] =	wrdreg $0x9  }
0xb1: {  	_ =	task.clear_ibuf [dreg:s7], $0x5FFFF;
	_ =	strace $0x90000046  }
0xb2: {  	s29 =	simm.s32 $0x9;
	_ =	strace $0x80000048  }
0xb3: {  	_ =	swait.ge [sflag:s29], $0x1  }
0xb4: {  	[sflag:s29] =	ssyncadd.s32 $0xFFFFFFFF  }
0xb5: {  	_ =	strace $0x90000048  }
0xb6: {  	_ =	sfence  }
0xb7: {  	s30 =	sld [smem:$0x0];
	_ =	sdelay $0x2  }
0xb8: {  	s31 =	sshll.u32 s1, $0xD;
	s1 =	sshrl.u32 s1, $0x2  }
0xb9: {  	s3 =	sand.u32 $0x4000, s31;
	s1 =	sadd.s32 s1, s30  }
0xba: {  	s0 =	sor.u32 s3, s0;
	s1 =	sshll.u32 s1, $0x11  }
0xbb: {  	s0 =	sor.u32 s1, s0  }
0xbc: {  	s0 =	sadd.s32 $0x8F2B, s0  }
0xbd: {  	[sflag:s0] =	ssyncadd.remote.s32 $0x1  }
0xbe: {  	_ =	sfence.sel $0xFFFF  }
0xbf: {  	[dreg:$0x0] =	wrdreg $0xFFFFFFFF;
	(pc) =	sbr.abs _section_cstart, $3  }
0xc0: {  	[dreg:$0x1] =	wrdreg $0xFFFFFFFF  }
0xc1: {  	_ =	task.clear_ibuf [dreg:s7], $0x2FFFF;
	_ =	strace $0x9FFFFFFF  }
0xc2: {  	(tm) =	ssettm $0x7FFFFFFF  }
0xc3: {  	_ =	shalt  }
tec
execute0_lowered:
.L_overlay_start_1:
0x0: {  	(tag) =	ssettag $0x1  }
0x1: {  	s0 =	rddreg [dreg:$0x0]  }
0x2: {  	s1 =	rddreg [dreg:$0x1]  }
0x3: {  	s3 =	simm.s32 $0x0;
	s2 =	srdreg.scid;
	s11 =	stileid.u32  }
0x4: {  	s14 =	simm.s32 $0x4;
	s15 =	simm.s32 $0x2;
	s16 =	simm.s32 $0x6180  }
0x5: {  	s17 =	simm.s32 $0x6100;
	s18 =	simm.s32 $0x6200;
	s19 =	simm.s32 $0x1  }
0x6: {  	s20 =	simm.s32 $0x6380;
	s21 =	simm.s32 $0x40;
	s22 =	simm.s32 $0x6280  }
0x7: {  	v0 =	vimm.f32 $0.0e+00;
	s23 =	simm.s32 $0x3F00;
	s24 =	simm.s32 $0x6480;
	s25 =	simm.s32 $0x80  }
0x8: {  	vm2 =	vmmov $0x1;
	vm15 =	vmmov $0x3;
	vm0 =	vmmov $0x7;
	s26 =	simm.s32 $0x400;
	s28 =	simm.s32 $0x3;
	s29 =	simm.s32 $0x0  }
0x9: {  	vm3 =	vmmov $0xf;
	vm4 =	vmmov $0x1f;
	v4 =	vimm.s32 $0x0;
	[smem:$0x7FF] =	sst s3;
	s2 =	sand.u32 $0x1, s2;
	s5 =	sshll.u32 s11, $0x1  }
0xa: {  	vm5 =	vmmov $0x3f;
	vm6 =	vmmov $0x7f;
	s4 =	sadd.s32 $0x1F600, s0;
	v4 =	vsel vm2, $0xFFFFFFFF, v4;
	s7 =	ssub.s32 $0x2, s2;
	s2 =	sor.u32 s2, s5  }
0xb: {  	vm7 =	vmmov $0xff;
	vm8 =	vmmov $0x1ff;
	s6 =	sadd.s32 $0x600, s0;
	_ =	strace $0x80000047;
	[tilespmem:$0x1FFD0] =	vst v4;
	v4 =	vimm.s32 $0x0;
	s9 =	smul.u32 $0xF80, s2  }
0xc: {  	vm9 =	vmmov $0x3ff;
	vm10 =	vmmov $0x7ff;
	s5 =	sadd.s32 $0xF9F600, s0;
	s0 =	sadd.s32 $0xFBE600, s0;
	s8 =	sshrl.u32 s7, $0x1;
	v4 =	vsel vm15, $0xFFFFFFFF, v4  }
0xd: {  	vm11 =	vmmov $0xfff;
	vm12 =	vmmov $0x1fff;
	[dreg:$0x3] =	wrdreg s0;
	s30 =	ssub.s32 s7, s8;
	[tilespmem:$0x1FFE0] =	vst v4;
	v4 =	vimm.s32 $0x0;
	s31 =	sadd.s32 s5, s9  }
0xe: {  	vm13 =	vmmov $0x3fff;
	vm14 =	vmmov $0x7fff;
	s10 =	sshll.u32 s11, $0x11;
	s0 =	smax.u32 s30, $0x1;
	v4 =	vsel vm0, $0xFFFFFFFF, v4;
	[dreg:$0x4] =	wrdreg s31  }
0xf: {  	v1 =	vimm.f32 $3.000000010e+38;
	v2 =	vlaneseq.u32;
	v3 =	vimm.s32 $0x40000000;
	s11 =	smul.u32 $0x3E800, s11;
	s9 =	sshll.u32 s2, $0x2;
	[dreg:$0x5] =	wrdreg s0;
	[tilespmem:$0x1FFF0] =	vst v4  }
.LBB2_1:
0x10: {  	s0 =	rddreg [dreg:$0x3];
	s2 =	simm.s32 $0xE180  }
0x11: {  	[tilespmem:s2], [sflag:$0x4] =	stream.linear.gather [hbm4b:s0+s3], $0x80, $0x38;
	[tilespmem:$0xE200] =	vst v63  }
0x12: {  	_ =	swait.ge [sflag:s14], $0x80  }
0x13: {  	[sflag:s14] =	ssyncset.done $0x0  }
0x14: {  	[sflag:s14] =	ssyncadd.s32 $0xFFFFFF80  }
0x15: {  	s0 =	simm.s32 $0x0;
	s2 =	simm.s32 $0x400;
	v4 =	vld [tilespmem:$0xE180]  }
.LBB2_2:
0x16: {  	p0 =	sne.s32 s2, $0x1F000;
	[tilespmem:s0+$0x6570] =	vst v0  }
0x17: {  	[tilespmem:s0+$0x6480] =	vst v0  }
0x18: {  	[tilespmem:s0+$0x6490] =	vst v0  }
0x19: {  	[tilespmem:s0+$0x64A0] =	vst v0  }
0x1a: {  	[tilespmem:s0+$0x64B0] =	vst v0  }
0x1b: {  	[tilespmem:s0+$0x64C0] =	vst v0  }
0x1c: {  	[tilespmem:s0+$0x64D0] =	vst v0  }
0x1d: {  	[tilespmem:s0+$0x64E0] =	vst v0  }
0x1e: {  	[tilespmem:s0+$0x64F0] =	vst v0  }
0x1f: {  	[tilespmem:s0+$0x6500] =	vst v0  }
0x20: {  	[tilespmem:s0+$0x6510] =	vst v0  }
.Ltmp0:
0x21: {  	[tilespmem:s0+$0x6520] =	vst v0;
	(pc) =	sbr.rel @p0 .LBB2_2-.Ltmp0, $4  }
0x22: {  	[tilespmem:s0+$0x6530] =	vst v0  }
0x23: {  	[tilespmem:s0+$0x6540] =	vst v0  }
0x24: {  	[tilespmem:s0+$0x6550] =	vst v0  }
0x25: {  	[tilespmem:s0+$0x6560] =	vst v0;
	s0 =	sshra.s32 s2, $0x2;
	s2 =	sadd.s32 $0x400, s2  }
0x26: {  	[tilespmem:s0+$0x6570] =	vst v0  }
0x27: {  	[tilespmem:s0+$0x6480] =	vst v0  }
0x28: {  	[tilespmem:s0+$0x6490] =	vst v0  }
0x29: {  	[tilespmem:s0+$0x64A0] =	vst v0  }
0x2a: {  	[tilespmem:s0+$0x64B0] =	vst v0  }
0x2b: {  	[tilespmem:s0+$0x64C0] =	vst v0  }
0x2c: {  	[tilespmem:s0+$0x64D0] =	vst v0  }
0x2d: {  	[tilespmem:s0+$0x64E0] =	vst v0;
	(erf) = vrcp.f32 v4  }
0x2e: {  	[tilespmem:s0+$0x64F0] =	vst v0  }
0x2f: {  	[tilespmem:s0+$0x6500] =	vst v0  }
0x30: {  	[tilespmem:s0+$0x6510] =	vst v0  }
0x31: {  	[tilespmem:s0+$0x6520] =	vst v0  }
0x32: {  	[tilespmem:s0+$0x6530] =	vst v0  }
0x33: {  	[tilespmem:s0+$0x6540] =	vst v0  }
0x34: {  	[tilespmem:s0+$0x6550] =	vst v0  }
0x35: {  	[tilespmem:s0+$0x6560] =	vst v0;
	s30 =	simm.s32 $0x0;
	s31 =	rddreg [dreg:$0x4]  }
0x36: {  	[tilespmem:s30], [sflag:$0x2] =	stream.linear.gather [hbm4b:s31+s30], $0x1F00, $0x38;
	v4 =	vpop (erf);
	[tilespmem:$0xE200] =	vst v63  }
.LBB2_4:
0x37: {  	_ =	swait.ge [sflag:s15], $0x1F00  }
0x38: {  	[sflag:s15] =	ssyncset.done $0x0  }
0x39: {  	s31 =	simm.s32 $0x80;
	[sflag:s15] =	ssyncadd.s32 $0xFFFFE100  }
0x3a: {  	v6 =	vld [tilespmem:s31+$0xFFFFFF80]  }
0x3b: {  	s2 =	simm.s32 $0x40;
	s0 =	simm.s32 $0x0;
	v5 =	vld [tilespmem:s31+$0xFFFFFF90]  }
.LBB2_5:
0x3c: {  	p0 =	sne.s32 s2, $0x780;
	v7 =	vld [tilespmem:s31+$0xFFFFFFA0]  }
0x3d: {  	v8 =	vld [tilespmem:s31+$0xFFFFFFB0]  }
0x3e: {  	v9 =	vld [tilespmem:s31+$0xFFFFFFC0]  }
0x3f: {  	v10 =	vld [tilespmem:s31+$0xFFFFFFD0];
	(xrf0) =	vmin.scan.msk.f32 $0xffff, v6  }
0x40: {  	v6 =	vld [tilespmem:s31+$0xFFFFFFE0];
	(xrf0) =	vmin.scan.msk.f32 $0xffff, v5  }
0x41: {  	v5 =	vld [tilespmem:s31+$0xFFFFFFF0];
	(xrf0) =	vmin.scan.msk.f32 $0xffff, v7  }
0x42: {  	v7 =	vld [tilespmem:s31+$0x0];
	(xrf0) =	vmin.scan.msk.f32 $0xffff, v8  }
0x43: {  	v8 =	vld [tilespmem:s31+$0x10];
	(xrf0) =	vmin.scan.msk.f32 $0xffff, v9  }
0x44: {  	v9 =	vld [tilespmem:s31+$0x20];
	(xrf0) =	vmin.scan.msk.f32 $0xffff, v10  }
0x45: {  	v10 =	vld [tilespmem:s31+$0x30];
	v11, _, _ =	vpop (xrf0);
	(xrf0) =	vmin.scan.msk.f32 $0xffff, v6  }
0x46: {  	v6 =	vld [tilespmem:s31+$0x40];
	v12, _, _ =	vpop (xrf0);
	(xrf0) =	vmin.scan.msk.f32 $0xffff, v5  }
0x47: {  	v5 =	vbroadcast v11, $0xF;
	v15 =	vbroadcast v12, $0xF;
	v12 =	vld [tilespmem:s31+$0x50];
	v13, _, _ =	vpop (xrf0);
	(xrf0) =	vmin.scan.msk.f32 $0xffff, v7  }
0x48: {  	v7 =	vbroadcast v13, $0xF;
	v13 =	vld [tilespmem:s31+$0x60];
	v14, _, _ =	vpop (xrf0);
	(xrf0) =	vmin.scan.msk.f32 $0xffff, v8  }
0x49: {  	v5 =	vsel vm2, v5, v15;
	v8 =	vbroadcast v14, $0xF;
	v11, _, _ =	vpop (xrf0);
	(xrf0) =	vmin.scan.msk.f32 $0xffff, v9  }
0x4a: {  	v5 =	vsel vm15, v5, v7;
	v11 =	vbroadcast v11, $0xF;
	v9, _, _ =	vpop (xrf0);
	(xrf0) =	vmin.scan.msk.f32 $0xffff, v10  }
0x4b: {  	v5 =	vsel vm0, v5, v8;
	v14 =	vbroadcast v9, $0xF;
	v9 =	vld [tilespmem:s31+$0x70];
	v10, _, _ =	vpop (xrf0);
	(xrf0) =	vmin.scan.msk.f32 $0xffff, v6  }
0x4c: {  	v5 =	vsel vm3, v5, v11;
	v6 =	vbroadcast v10, $0xF;
	v7, _, _ =	vpop (xrf0);
	(xrf0) =	vmin.scan.msk.f32 $0xffff, v12  }
0x4d: {  	v5 =	vsel vm4, v5, v14;
	v7 =	vbroadcast v7, $0xF;
	v8, _, _ =	vpop (xrf0);
	(xrf0) =	vmin.scan.msk.f32 $0xffff, v13  }
0x4e: {  	v5 =	vsel vm5, v5, v6;
	v6 =	vbroadcast v8, $0xF;
	v8, _, _ =	vpop (xrf0)  }
0x4f: {  	v5 =	vsel vm6, v5, v7;
	v7 =	vbroadcast v8, $0xF;
	v8, _, _ =	vpop (xrf0)  }
0x50: {  	v5 =	vsel vm7, v5, v6;
	v6 =	vbroadcast v8, $0xF;
	v8, _, _ =	vpop (xrf0);
	(xrf0) =	vmin.scan.msk.f32 $0xffff, v9  }
0x51: {  	v5 =	vsel vm8, v5, v7;
	v7 =	vbroadcast v8, $0xF;
	v8, _, _ =	vpop (xrf0)  }
0x52: {  	v5 =	vsel vm9, v5, v6;
	v6 =	vbroadcast v8, $0xF;
	v8, _, _ =	vpop (xrf0)  }
0x53: {  	v5 =	vsel vm10, v5, v7;
	v7 =	vbroadcast v8, $0xF;
	v8, _, _ =	vpop (xrf0)  }
0x54: {  	v5 =	vsel vm11, v5, v6;
	v8 =	vbroadcast v8, $0xF  }
0x55: {  	v5 =	vsel vm12, v5, v7  }
.Ltmp1:
0x56: {  	v5 =	vsel vm13, v5, v8;
	v6, _, _ =	vpop (xrf0);
	(pc) =	sbr.rel @p0 .LBB2_5-.Ltmp1, $4  }
0x57: {  	s7 =	sshra.s32 s0, $0x2;
	s0 =	smov.u32 s2;
	v5 =	vsel vm14, v5, v6  }
0x58: {  	s31 =	sadd.s32 $0x100, s31;
	[tilespmem:s7+$0x5F00] =	vst v5  }
0x59: {  	v6 =	vld [tilespmem:s31+$0xFFFFFF80]  }
0x5a: {  	s2 =	sadd.s32 $0x40, s2;
	v5 =	vld [tilespmem:s31+$0xFFFFFF90]  }
0x5b: {  	_ = 	snop  }
0x5c: {  	v7 =	vld [tilespmem:s31+$0xFFFFFFA0]  }
0x5d: {  	v8 =	vld [tilespmem:s31+$0xFFFFFFB0]  }
0x5e: {  	v9 =	vld [tilespmem:s31+$0xFFFFFFC0];
	(xrf0) =	vmin.scan.msk.f32 $0xffff, v6  }
0x5f: {  	v10 =	vld [tilespmem:s31+$0xFFFFFFD0];
	(xrf0) =	vmin.scan.msk.f32 $0xffff, v5  }
0x60: {  	v6 =	vld [tilespmem:s31+$0xFFFFFFE0]  }
0x61: {  	v5 =	vld [tilespmem:s31+$0xFFFFFFF0];
	(xrf0) =	vmin.scan.msk.f32 $0xffff, v7  }
0x62: {  	(xrf0) =	vmin.scan.msk.f32 $0xffff, v8  }
0x63: {  	(xrf0) =	vmin.scan.msk.f32 $0xffff, v9  }
0x64: {  	v7 =	vld [tilespmem:s31+$0x0];
	(xrf0) =	vmin.scan.msk.f32 $0xffff, v10;
	v11, _, _ =	vpop (xrf0)  }
0x65: {  	v8 =	vld [tilespmem:s31+$0x10];
	(xrf0) =	vmin.scan.msk.f32 $0xffff, v6;
	v12, _, _ =	vpop (xrf0)  }
0x66: {  	v9 =	vld [tilespmem:s31+$0x20];
	(xrf0) =	vmin.scan.msk.f32 $0xffff, v5;
	v5 =	vbroadcast v11, $0xF;
	v11 =	vbroadcast v12, $0xF;
	_ =	sdelay $0x1  }
0x67: {  	v10 =	vld [tilespmem:s31+$0x30];
	v13, _, _ =	vpop (xrf0)  }
0x68: {  	v6 =	vld [tilespmem:s31+$0x40];
	(xrf0) =	vmin.scan.msk.f32 $0xffff, v7;
	v7 =	vbroadcast v13, $0xF;
	v14, _, _ =	vpop (xrf0)  }
0x69: {  	v42 =	vld [tilespmem:s31+$0x50];
	(xrf0) =	vmin.scan.msk.f32 $0xffff, v8;
	v5 =	vsel vm2, v5, v11;
	v8 =	vbroadcast v14, $0xF;
	v11, _, _ =	vpop (xrf0)  }
0x6a: {  	v43 =	vld [tilespmem:s31+$0x60];
	v5 =	vsel vm15, v5, v7;
	(xrf0) =	vmin.scan.msk.f32 $0xffff, v9;
	v7 =	vbroadcast v11, $0xF;
	v9, _, _ =	vpop (xrf0)  }
0x6b: {  	v5 =	vsel vm0, v5, v8;
	v8 =	vbroadcast v9, $0xF  }
0x6c: {  	(xrf0) =	vmin.scan.msk.f32 $0xffff, v10  }
0x6d: {  	v10, _, _ =	vpop (xrf0);
	(xrf0) =	vmin.scan.msk.f32 $0xffff, v6  }
0x6e: {  	v5 =	vsel vm3, v5, v7;
	v6 =	vbroadcast v10, $0xF;
	v7, _, _ =	vpop (xrf0);
	(xrf0) =	vmin.scan.msk.f32 $0xffff, v42  }
0x6f: {  	v9 =	vld [tilespmem:s31+$0x70];
	v5 =	vsel vm4, v5, v8;
	v7 =	vbroadcast v7, $0xF;
	v8, _, _ =	vpop (xrf0);
	(xrf0) =	vmin.scan.msk.f32 $0xffff, v43  }
0x70: {  	v5 =	vsel vm5, v5, v6;
	v6 =	vbroadcast v8, $0xF;
	v8, _, _ =	vpop (xrf0)  }
0x71: {  	v5 =	vsel vm6, v5, v7;
	v7 =	vbroadcast v8, $0xF;
	v8, _, _ =	vpop (xrf0)  }
0x72: {  	v5 =	vsel vm7, v5, v6;
	v6 =	vbroadcast v8, $0xF;
	v8, _, _ =	vpop (xrf0)  }
0x73: {  	v5 =	vsel vm8, v5, v7;
	v7 =	vbroadcast v8, $0xF;
	v8, _, _ =	vpop (xrf0)  }
0x74: {  	(xrf0) =	vmin.scan.msk.f32 $0xffff, v9;
	v5 =	vsel vm9, v5, v6;
	v6 =	vbroadcast v8, $0xF;
	v8, _, _ =	vpop (xrf0)  }
0x75: {  	v5 =	vsel vm10, v5, v7;
	v7 =	vbroadcast v8, $0xF;
	v8, _, _ =	vpop (xrf0)  }
0x76: {  	v5 =	vsel vm11, v5, v6;
	v6 =	vbroadcast v8, $0xF;
	_ =	sdelay $0x2  }
0x77: {  	v5 =	vsel vm12, v5, v7  }
0x78: {  	v5 =	vsel vm13, v5, v6;
	v6, _, _ =	vpop (xrf0)  }
0x79: {  	s0 =	sshra.s32 s0, $0x2;
	v5 =	vsel vm14, v5, v6  }
0x7a: {  	[tilespmem:s0+$0x5F00] =	vst v5  }
0x7b: {  	v5 =	vld [tilespmem:$0x5F00]  }
0x7c: {  	v6 =	vld [tilespmem:$0x5F10]  }
0x7d: {  	v7 =	vld [tilespmem:$0x5F20]  }
0x7e: {  	v8 =	vld [tilespmem:$0x5F30]  }
0x7f: {  	v9 =	vld [tilespmem:$0x5F40]  }
0x80: {  	(xrf0) =	vmin.scan.msk.f32 $0xffff, v5;
	v5 =	vld [tilespmem:$0x5F50]  }
0x81: {  	(xrf0) =	vmin.scan.msk.f32 $0xffff, v6;
	v6 =	vld [tilespmem:$0x5F60]  }
0x82: {  	(xrf0) =	vmin.scan.msk.f32 $0xffff, v7;
	v7 =	vld [tilespmem:$0x5F70]  }
0x83: {  	(xrf0) =	vmin.scan.msk.f32 $0xffff, v8;
	v8 =	vld [tilespmem:$0x5F80]  }
0x84: {  	(xrf0) =	vmin.scan.msk.f32 $0xffff, v9;
	v9 =	vld [tilespmem:$0x5F90]  }
0x85: {  	(xrf0) =	vmin.scan.msk.f32 $0xffff, v5;
	v5 =	vld [tilespmem:$0x5FA0]  }
0x86: {  	v10, _, _ =	vpop (xrf0);
	(xrf0) =	vmin.scan.msk.f32 $0xffff, v6;
	v6 =	vld [tilespmem:$0x5FB0]  }
0x87: {  	v11, _, _ =	vpop (xrf0);
	(xrf0) =	vmin.scan.msk.f32 $0xffff, v7;
	v7 =	vld [tilespmem:$0x5FC0]  }
0x88: {  	v44, _, _ =	vpop (xrf0);
	(xrf0) =	vmin.scan.msk.f32 $0xffff, v8;
	v8 =	vld [tilespmem:$0x5FD0]  }
0x89: {  	v45, _, _ =	vpop (xrf0);
	(xrf0) =	vmin.scan.msk.f32 $0xffff, v9;
	v9 =	vld [tilespmem:$0x5FE0]  }
0x8a: {  	v46, _, _ =	vpop (xrf0);
	(xrf0) =	vmin.scan.msk.f32 $0xffff, v5;
	v5 =	vld [tilespmem:$0x5FF0]  }
0x8b: {  	v15, _, _ =	vpop (xrf0);
	(xrf0) =	vmin.scan.msk.f32 $0xffff, v6;
	v6 =	vld [tilespmem:$0x6000]  }
0x8c: {  	v16, _, _ =	vpop (xrf0);
	(xrf0) =	vmin.scan.msk.f32 $0xffff, v7;
	v7 =	vld [tilespmem:$0x6010]  }
0x8d: {  	v17, _, _ =	vpop (xrf0);
	(xrf0) =	vmin.scan.msk.f32 $0xffff, v8;
	v8 =	vld [tilespmem:$0x6020]  }
0x8e: {  	v18, _, _ =	vpop (xrf0);
	(xrf0) =	vmin.scan.msk.f32 $0xffff, v9  }
0x8f: {  	v9, _, _ =	vpop (xrf0);
	(xrf0) =	vmin.scan.msk.f32 $0xffff, v5;
	v5 =	vld [tilespmem:$0x6030]  }
0x90: {  	v19, _, _ =	vpop (xrf0);
	(xrf0) =	vmin.scan.msk.f32 $0xffff, v6;
	v6 =	vld [tilespmem:$0x6040]  }
0x91: {  	v20, _, _ =	vpop (xrf0);
	(xrf0) =	vmin.scan.msk.f32 $0xffff, v7;
	v7 =	vld [tilespmem:$0x6050]  }
0x92: {  	v21, _, _ =	vpop (xrf0);
	(xrf0) =	vmin.scan.msk.f32 $0xffff, v8;
	v8 =	vld [tilespmem:$0x6060]  }
0x93: {  	v23 =	vld [tilespmem:$0x6070];
	v10 =	vbroadcast v10, $0xF;
	v11 =	vbroadcast v11, $0xF;
	v22, _, _ =	vpop (xrf0)  }
0x94: {  	v12 =	vbroadcast v44, $0xF;
	v47, _, _ =	vpop (xrf0);
	(xrf0) =	vmin.scan.msk.f32 $0xffff, v5;
	v5 =	vld [tilespmem:$0x6080]  }
0x95: {  	v10 =	vsel vm2, v10, v11;
	v11 =	vbroadcast v45, $0xF;
	v49, _, _ =	vpop (xrf0);
	(xrf0) =	vmin.scan.msk.f32 $0xffff, v6;
	v6 =	vld [tilespmem:$0x6090]  }
0x96: {  	v10 =	vsel vm15, v10, v12;
	v48 =	vbroadcast v46, $0xF;
	v50, _, _ =	vpop (xrf0);
	(xrf0) =	vmin.scan.msk.f32 $0xffff, v7;
	v7 =	vld [tilespmem:$0x60A0]  }
0x97: {  	v10 =	vsel vm0, v10, v11;
	v11 =	vbroadcast v15, $0xF;
	v53, _, _ =	vpop (xrf0);
	(xrf0) =	vmin.scan.msk.f32 $0xffff, v8;
	v8 =	vld [tilespmem:$0x60B0]  }
0x98: {  	v10 =	vsel vm3, v10, v48;
	v51 =	vbroadcast v16, $0xF;
	v52 =	vbroadcast v17, $0xF;
	v55, _, _ =	vpop (xrf0);
	(xrf0) =	vmin.scan.msk.f32 $0xffff, v23  }
0x99: {  	v10 =	vsel vm4, v10, v11;
	v11 =	vbroadcast v50, $0xF;
	v54 =	vbroadcast v53, $0xF;
	(xrf0) =	vmin.scan.msk.f32 $0xffff, v5  }
0x9a: {  	v56 =	vld [tilespmem:$0x60C0];
	v10 =	vsel vm5, v10, v51;
	v57 =	vbroadcast v18, $0xF;
	v17 =	vbroadcast v55, $0xF;
	v58, _, _ =	vpop (xrf0);
	(xrf0) =	vmin.scan.msk.f32 $0xffff, v6  }
0x9b: {  	v10 =	vsel vm6, v10, v52;
	v5 =	vld [tilespmem:$0x60D0];
	v11 =	vsel vm2, v11, v54;
	v59 =	vbroadcast v58, $0xF;
	v60, _, _ =	vpop (xrf0);
	(xrf0) =	vmin.scan.msk.f32 $0xffff, v7  }
0x9c: {  	v6 =	vld [tilespmem:$0x60E0];
	v11 =	vsel vm15, v11, v17;
	v7, _, _ =	vpop (xrf0);
	(xrf0) =	vmin.scan.msk.f32 $0xffff, v8;
	v8 =	vbroadcast v9, $0xF;
	v9 =	vbroadcast v60, $0xF  }
0x9d: {  	v10 =	vsel vm7, v10, v57;
	v11 =	vsel vm0, v11, v59  }
0x9e: {  	v9 =	vsel vm3, v11, v9  }
0x9f: {  	v7 =	vbroadcast v7, $0xF;
	v62, _, _ =	vpop (xrf0);
	(xrf0) =	vmin.scan.msk.f32 $0xffff, v56  }
0xa0: {  	[tilespmem:$0x60F0] =	vst v1;
	v8 =	vsel vm8, v10, v8;
	v10, _, _ =	vpop (xrf0);
	(xrf0) =	vmin.scan.msk.f32 $0xffff, v5;
	v5 =	vbroadcast v62, $0xF  }
0xa1: {  	v63 =	vld [tilespmem:$0x60F0];
	v7 =	vsel vm4, v9, v7;
	v9, _, _ =	vpop (xrf0);
	(xrf0) =	vmin.scan.msk.f32 $0xffff, v6;
	v6 =	vbroadcast v10, $0xF  }
0xa2: {  	v5 =	vsel vm5, v7, v5;
	v7 =	vbroadcast v9, $0xF;
	v9, _, _ =	vpop (xrf0)  }
0xa3: {  	v61 =	vbroadcast v19, $0xF;
	v5 =	vsel vm6, v5, v6;
	v6 =	vbroadcast v9, $0xF;
	v9, _, _ =	vpop (xrf0)  }
0xa4: {  	v11 =	vbroadcast v21, $0xF;
	v5 =	vsel vm7, v5, v7;
	v7 =	vbroadcast v9, $0xF;
	v9, _, _ =	vpop (xrf0)  }
0xa5: {  	v10 =	vbroadcast v20, $0xF;
	v5 =	vsel vm8, v5, v6;
	v6 =	vbroadcast v9, $0xF;
	v9, _, _ =	vpop (xrf0)  }
0xa6: {  	v8 =	vsel vm9, v8, v61;
	(xrf0) =	vmin.scan.msk.f32 $0xffff, v63;
	v5 =	vsel vm9, v5, v7;
	v7 =	vbroadcast v9, $0xF;
	v9, _, _ =	vpop (xrf0)  }
0xa7: {  	v8 =	vsel vm10, v8, v10;
	v5 =	vsel vm10, v5, v6;
	v6 =	vbroadcast v9, $0xF;
	v9, _, _ =	vpop (xrf0)  }
0xa8: {  	v10 =	vbroadcast v22, $0xF;
	v5 =	vsel vm11, v5, v7;
	v7 =	vbroadcast v9, $0xF  }
0xa9: {  	v8 =	vsel vm11, v8, v11;
	v11 =	vbroadcast v47, $0xF  }
0xaa: {  	v8 =	vsel vm12, v8, v10  }
0xab: {  	v8 =	vsel vm13, v8, v11;
	v5 =	vsel vm12, v5, v6  }
0xac: {  	v6 =	vsel vm14, v8, v49;
	v5 =	vsel vm13, v5, v7;
	v7, _, _ =	vpop (xrf0)  }
0xad: {  	[tilespmem:$0x6100] =	vst v6;
	v5 =	vsel vm14, v5, v7  }
0xae: {  	v6 =	vld [tilespmem:$0x6100];
	[tilespmem:$0x6110] =	vst v5  }
0xaf: {  	v5 =	vld [tilespmem:$0x6110];
	_ =	sdelay $0x4  }
0xb0: {  	v7 =	vmin.f32 v6, v5  }
0xb1: {  	(xrf0) =	vmin.scan.msk.f32 $0xffff, v7;
	_ =	sdelay $0x5  }
0xb2: {  	v7, _, _ =	vpop (xrf0)  }
0xb3: {  	v7 =	vbroadcast v7, $0xF;
	_ =	sdelay $0x1  }
0xb4: {  	vm15 =	vle.f32 v5, v7;
	v5 =	vor.u32 $0x80000010, v2  }
0xb5: {  	v8 =	vnsel vm15, $0xC0000000, v5;
	vm15 =	vle.f32 v6, v7;
	v6 =	vor.u32 $0x80000000, v2  }
0xb6: {  	v8 =	vsel vm15, v6, v8  }
0xb7: {  	(xrf0) =	vmin.scan.msk.u32 $0xffff, v8;
	_ =	sdelay $0x5  }
0xb8: {  	v8, _, _ =	vpop (xrf0)  }
0xb9: {  	(v2sf) =	vpush v8, $0xF;
	_ =	sdelay $0xe  }
0xba: {  	s0 =	spop (v2sf)  }
0xbb: {  	s2 =	sshll.u32 s0, $0x4  }
0xbc: {  	v8 =	vld [tilespmem:s2+$0x5F00];
	_ =	sdelay $0x4  }
0xbd: {  	vm15 =	vle.f32 v8, v7  }
0xbe: {  	v9 =	vnsel vm15, $0xC0000000, v6  }
0xbf: {  	(xrf0) =	vmin.scan.msk.u32 $0xffff, v9;
	_ =	sdelay $0x5  }
0xc0: {  	v9, _, _ =	vpop (xrf0)  }
0xc1: {  	(v2sf) =	vpush v9, $0xF;
	_ =	sdelay $0xe  }
0xc2: {  	s7 =	spop (v2sf)  }
0xc3: {  	s13 =	sadd.s32 s7, s2  }
0xc4: {  	s13 =	sshll.u32 s13, $0x4  }
0xc5: {  	v9 =	vld [tilespmem:s13+$0x0];
	_ =	sdelay $0x4  }
0xc6: {  	vm15 =	vle.f32 v9, v7  }
0xc7: {  	v7 =	vnsel vm15, $0xC0000000, v6  }
0xc8: {  	(xrf0) =	vmin.scan.msk.u32 $0xffff, v7;
	_ =	sdelay $0x5  }
0xc9: {  	v7, _, _ =	vpop (xrf0)  }
0xca: {  	(v2sf) =	vpush v7, $0xF;
	_ =	sdelay $0xe  }
0xcb: {  	s12 =	spop (v2sf)  }
0xcc: {  	s31 =	sxor.u32 $0x80000000, s12  }
0xcd: {  	v7 =	vmov s31  }
0xce: {  	vm15 =	veq.s32 v7, v2  }
0xcf: {  	v9 =	vsel vm15, $0x7F61B1E6, v9  }
0xd0: {  	(xrf0) =	vmin.scan.msk.f32 $0xffff, v9;
	_ =	sdelay $0x5  }
0xd1: {  	s7 =	sxor.u32 $0x80000000, s7;
	v7, _, _ =	vpop (xrf0)  }
0xd2: {  	v10 =	vmov s7;
	v7 =	vbroadcast v7, $0xF  }
0xd3: {  	s8 =	simm.s32 $0x0;
	vm15 =	veq.s32 v10, v2  }
0xd4: {  	v8 =	vsel vm15, v7, v8;
	v7 =	vmov s8;
	_ =	sdelay $0x2  }
0xd5: {  	s12 =	sadd.s32 s31, s13;
	(xrf0) =	vmin.scan.msk.f32 $0xffff, v8  }
0xd6: {  	v10 =	vmov s12  }
0xd7: {  	[tilespmem:v7+s16+$0x0] =	vst.idx.msk $0x1, v10  }
0xd8: {  	s31 =	sxor.u32 $0x80000000, s0;
	[tilespmem:s13+$0x0] =	vst v9  }
0xd9: {  	[tilespmem:s2+$0x5F00] =	vst v8;
	v8 =	vmov s31;
	_ =	sdelay $0x1  }
0xda: {  	v9, _, _ =	vpop (xrf0)  }
0xdb: {  	s0 =	simm.s32 $0x1;
	v9 =	vbroadcast v9, $0xF  }
.LBB2_7:
0xdc: {  	_ = 	snop  }
0xdd: {  	p0 =	sne.s32 s0, $0x3F;
	s2 =	smov.u32 s0;
	s0 =	sadd.s32 $0x1, s0;
	[tilespmem:v8+s17+$0x0] =	vst.idx.msk $0x1, v9  }
0xde: {  	v8 =	vld [tilespmem:$0x6100]  }
0xdf: {  	v9 =	vld [tilespmem:$0x6110];
	_ =	sdelay $0x4  }
0xe0: {  	v10 =	vmin.f32 v8, v9  }
0xe1: {  	(xrf0) =	vmin.scan.msk.f32 $0xffff, v10;
	_ =	sdelay $0x5  }
0xe2: {  	v10, _, _ =	vpop (xrf0)  }
0xe3: {  	v10 =	vbroadcast v10, $0xF;
	_ =	sdelay $0x1  }
0xe4: {  	vm15 =	vle.f32 v8, v10;
	vm0 =	vle.f32 v9, v10  }
0xe5: {  	v8 =	vnsel vm0, $0xC0000000, v5  }
0xe6: {  	v8 =	vsel vm15, v6, v8  }
0xe7: {  	(xrf0) =	vmin.scan.msk.u32 $0xffff, v8;
	_ =	sdelay $0x5  }
0xe8: {  	v8, _, _ =	vpop (xrf0)  }
0xe9: {  	(v2sf) =	vpush v8, $0xF;
	_ =	sdelay $0xe  }
0xea: {  	s7 =	spop (v2sf)  }
0xeb: {  	s13 =	sxor.u32 $0x80000000, s7;
	s7 =	sshll.u32 s7, $0x4  }
0xec: {  	v8 =	vld [tilespmem:s7+$0x5F00];
	_ =	sdelay $0x4  }
0xed: {  	vm0 =	vle.f32 v8, v10  }
0xee: {  	v9 =	vnsel vm0, $0xC0000000, v6  }
0xef: {  	(xrf0) =	vmin.scan.msk.u32 $0xffff, v9;
	_ =	sdelay $0x5  }
0xf0: {  	v9, _, _ =	vpop (xrf0)  }
0xf1: {  	(v2sf) =	vpush v9, $0xF;
	_ =	sdelay $0xe  }
0xf2: {  	s31 =	spop (v2sf)  }
0xf3: {  	s8 =	sxor.u32 $0x80000000, s31;
	s31 =	sadd.s32 s31, s7  }
0xf4: {  	s31 =	sshll.u32 s31, $0x4;
	v9 =	vmov s8  }
0xf5: {  	v11 =	vld [tilespmem:s31+$0x0];
	_ =	sdelay $0x4  }
0xf6: {  	vm0 =	vle.f32 v11, v10  }
0xf7: {  	v10 =	vnsel vm0, $0xC0000000, v6  }
0xf8: {  	(xrf0) =	vmin.scan.msk.u32 $0xffff, v10;
	_ =	sdelay $0x5  }
0xf9: {  	v10, _, _ =	vpop (xrf0)  }
0xfa: {  	(v2sf) =	vpush v10, $0xF;
	_ =	sdelay $0xd  }
0xfb: {  	v10 =	vmov s2  }
0xfc: {  	s2 =	spop (v2sf)  }
0xfd: {  	s2 =	sxor.u32 $0x80000000, s2  }
0xfe: {  	s8 =	sadd.s32 s2, s31;
	v12 =	vmov s2  }
0xff: {  	v13 =	vmov s8;
	vm0 =	veq.s32 v12, v2  }
0x100: {  	[tilespmem:v10+s16+$0x0] =	vst.idx.msk $0x1, v13;
	v10 =	vsel vm0, $0x7F61B1E6, v11  }
0x101: {  	[tilespmem:s31+$0x0] =	vst v10;
	(xrf0) =	vmin.scan.msk.f32 $0xffff, v10;
	_ =	sdelay $0x5  }
0x102: {  	v10, _, _ =	vpop (xrf0)  }
0x103: {  	v10 =	vbroadcast v10, $0xF  }
0x104: {  	vm0 =	veq.s32 v9, v2  }
0x105: {  	v8 =	vsel vm0, v10, v8  }
0x106: {  	[tilespmem:s7+$0x5F00] =	vst v8;
	(xrf0) =	vmin.scan.msk.f32 $0xffff, v8;
	_ =	sdelay $0x2  }
.Ltmp2:
0x107: {  	(pc) =	sbr.rel @p0 .LBB2_7-.Ltmp2, $3  }
0x108: {  	v8 =	vmov s13;
	_ =	sdelay $0x1  }
0x109: {  	v9, _, _ =	vpop (xrf0)  }
0x10a: {  	v9 =	vbroadcast v9, $0xF  }
0x10b: {  	_ =	sdelay $0x3  }
0x10c: {  	[tilespmem:v8+s17+$0x0] =	vst.idx.msk $0x1, v9  }
0x10d: {  	v10 =	vld [tilespmem:$0x6180]  }
0x10e: {  	v11 =	vld [tilespmem:$0x6190];
	_ =	sdelay $0x1  }
0x10f: {  	v12 =	vld [tilespmem:$0x61A0];
	_ =	sdelay $0x1  }
0x110: {  	v9 =	vld [tilespmem:$0x61B0]  }
0x111: {  	vm0 =	vlt.s32 v10, v11  }
0x112: {  	v8 =	vsel vm0, v10, v11  }
0x113: {  	vm0 =	vlt.s32 v8, v12  }
0x114: {  	v8 =	vsel vm0, v8, v12  }
0x115: {  	vm0 =	vlt.s32 v8, v9  }
0x116: {  	v8 =	vsel vm0, v8, v9  }
0x117: {  	vm0 =	vlt.s32 v8, $0x40000000  }
0x118: {  	v8 =	vnsel vm0, $0x40000000, v8  }
0x119: {  	v8 =	vxor.u32 $0x80000000, v8  }
0x11a: {  	(xrf0) =	vmin.scan.msk.u32 $0xffff, v8;
	_ =	sdelay $0x5  }
0x11b: {  	v8, _, _ =	vpop (xrf0)  }
0x11c: {  	(v2sf) =	vpush v8, $0xF;
	_ =	sdelay $0xe  }
0x11d: {  	s0 =	spop (v2sf)  }
0x11e: {  	s0 =	sxor.u32 $0x80000000, s0  }
0x11f: {  	v8 =	vor.u32 $0x80000030, v2;
	vm0 =	vgt.s32 v9, s0  }
0x120: {  	v9 =	vor.u32 $0x80000020, v2;
	vm15 =	vgt.s32 v12, s0;
	v63 =	vsel vm0, $0xC0000000, v8  }
0x121: {  	vm0 =	vgt.s32 v11, s0;
	v11 =	vsel vm15, v63, v9  }
0x122: {  	vm15 =	vgt.s32 v10, s0;
	v10 =	vsel vm0, v11, v5  }
0x123: {  	v10 =	vsel vm15, v10, v6  }
0x124: {  	(xrf0) =	vmin.scan.msk.u32 $0xffff, v10;
	_ =	sdelay $0x5  }
0x125: {  	v10, _, _ =	vpop (xrf0)  }
0x126: {  	(v2sf) =	vpush v10, $0xF;
	_ =	sdelay $0xe  }
0x127: {  	s2 =	spop (v2sf)  }
0x128: {  	v10 =	vmov s0;
	s2 =	sxor.u32 $0x80000000, s2  }
0x129: {  	s0 =	simm.s32 $0x1;
	[tilespmem:v7+s18+$0x0] =	vst.idx.msk $0x1, v10;
	v7 =	vmov s2  }
.LBB2_9:
0x12a: {  	_ =	sdelay $0x3  }
0x12b: {  	p0 =	sne.s32 s0, $0x3F;
	[tilespmem:v7+s16+$0x0] =	vst.idx.msk $0x1, v3;
	s2 =	smov.u32 s0;
	s0 =	sadd.s32 $0x1, s0  }
0x12c: {  	v7 =	vld [tilespmem:$0x6180]  }
0x12d: {  	v10 =	vld [tilespmem:$0x6190];
	_ =	sdelay $0x1  }
0x12e: {  	v11 =	vld [tilespmem:$0x61A0];
	_ =	sdelay $0x1  }
0x12f: {  	v12 =	vld [tilespmem:$0x61B0]  }
0x130: {  	vm0 =	vlt.s32 v7, v10  }
0x131: {  	v13 =	vsel vm0, v7, v10  }
0x132: {  	vm0 =	vlt.s32 v13, v11  }
0x133: {  	v13 =	vsel vm0, v13, v11  }
0x134: {  	vm0 =	vlt.s32 v13, v12  }
0x135: {  	v13 =	vsel vm0, v13, v12  }
0x136: {  	vm0 =	vlt.s32 v13, $0x40000000  }
0x137: {  	v13 =	vnsel vm0, $0x40000000, v13  }
0x138: {  	v13 =	vxor.u32 $0x80000000, v13  }
0x139: {  	(xrf0) =	vmin.scan.msk.u32 $0xffff, v13;
	_ =	sdelay $0x5  }
0x13a: {  	v13, _, _ =	vpop (xrf0)  }
0x13b: {  	(v2sf) =	vpush v13, $0xF;
	_ =	sdelay $0xd  }
0x13c: {  	v13 =	vmov s2  }
0x13d: {  	s2 =	spop (v2sf)  }
0x13e: {  	s2 =	sxor.u32 $0x80000000, s2  }
0x13f: {  	vm0 =	vgt.s32 v7, s2;
	vm15 =	vgt.s32 v10, s2;
	vm1 =	vgt.s32 v12, s2  }
0x140: {  	v7 =	vmov s2;
	vm2 =	vgt.s32 v11, s2;
	v10 =	vsel vm1, $0xC0000000, v8  }
0x141: {  	v10 =	vsel vm2, v10, v9;
	[tilespmem:v13+s18+$0x0] =	vst.idx.msk $0x1, v7  }
0x142: {  	v7 =	vsel vm15, v10, v5  }
0x143: {  	v7 =	vsel vm0, v7, v6  }
0x144: {  	(xrf0) =	vmin.scan.msk.u32 $0xffff, v7;
	_ =	sdelay $0x5  }
0x145: {  	v7, _, _ =	vpop (xrf0)  }
0x146: {  	(v2sf) =	vpush v7, $0xF;
	_ =	sdelay $0xc  }
.Ltmp3:
0x147: {  	(pc) =	sbr.rel @p0 .LBB2_9-.Ltmp3, $4  }
0x148: {  	_ = 	snop  }
0x149: {  	s2 =	spop (v2sf)  }
0x14a: {  	s2 =	sxor.u32 $0x80000000, s2  }
0x14b: {  	v7 =	vmov s2  }
0x14c: {  	s0 =	sadd.s32 s9, s30;
	p0 =	seq.s32 s30, $0x3  }
0x14d: {  	s2 =	smul.u32 @!p0 $0x1F00, s0;
	_ =	sdelay $0x1  }
0x14e: {  	s2 =	sshrl.u32 @!p0 s2, $0x3  }
0x14f: {  	s13 =	simm.s32 $0x0;
	s2 =	sadd.s32 @!p0 s5, s2  }
0x150: {  	[tilespmem:v7+s16+$0x0] =	vst.idx.msk $0x1, v3;
	s7 =	simm.s32 @!p0 $0x0;
	s8 =	sand.u32 $0x30, s13;
	s2 =	sadd.s32 @!p0 $0x3E0, s2  }
0x151: {  	[tilespmem:s7], [sflag:$0x2] =	stream.linear.gather @!p0 [hbm4b:s2+s7], $0x1F00, $0x38;
	[tilespmem:$0xE200] =	vst v63  }
0x152: {  	v7 =	vld [tilespmem:s8+$0x6200];
	_ =	sdelay $0x1  }
0x153: {  	s2 =	sand.u32 $0xF, s13  }
0x154: {  	v8 =	vmov s2  }
0x155: {  	vm0 =	veq.s32 v8, v2  }
0x156: {  	v7 =	vnsel vm0, $0x0, v7  }
0x157: {  	(xrf0) =	vadd.scan.msk.s32 $0xffff, v7;
	_ =	sdelay $0x5  }
0x158: {  	v7, _, _ =	vpop (xrf0)  }
0x159: {  	(v2sf) =	vpush v7, $0xF;
	_ =	sdelay $0xe  }
0x15a: {  	s12 =	spop (v2sf)  }
0x15b: {  	s13 =	sshra.s32 s12, $0x1F  }
0x15c: {  	s7 =	sshrl.u32 s13, $0x19  }
0x15d: {  	s7 =	sadd.s32 s7, s12  }
0x15e: {  	s8 =	sand.u32 $0xFFFFFF80, s7  }
0x15f: {  	p6 =	slt.s32 s12, $0x1;
	p1 =	sne.s32 s12, s8  }
0x160: {  	p0 =	por !p6, !p1  }
0x161: {  	s8 =	simm.s32 $0x1;
	p0 =	por !p0, !p0  }
0x162: {  	s7 =	sshrl.u32 s7, $0x7;
	s8 =	simm.s32 @!p0 $0x0  }
0x163: {  	s2 =	sshll.u32 s12, $0xA;
	s7 =	ssub.s32 s7, s8  }
0x164: {  	s2 =	sadd.s32 $0x20000, s2;
	s7 =	sshll.u32 s7, $0x15  }
0x165: {  	s0 =	sshll.u32 s0, $0x7;
	s2 =	sand.u32 $0x1FC00, s2;
	s7 =	sor.u32 s10, s7  }
0x166: {  	s31 =	sand.u32 $0x380, s0;
	s8 =	sor.u32 s2, s7  }
0x167: {  	s0 =	sor.u32 s31, s8  }
0x168: {  	s2 =	simm.s32 $0x1;
	s12 =	sshrl.u32 s0, $0x3  }
0x169: {  	s13 =	sand.u32 $0x30, s2;
	s0 =	simm.s32 $0x1F00;
	s7 =	sadd.s32 s4, s12  }
0x16a: {  	[tilespmem:s0], [sflag:$0x1] =	stream.linear.gather [hbm4b:s7+s3], $0x80, $0x38;
	[tilespmem:$0xE200] =	vst v63  }
0x16b: {  	s7 =	simm.s32 $0x2;
	v7 =	vld [tilespmem:s13+$0x6200]  }
.LBB2_11:
0x16c: {  	p0 =	sne.s32 s7, $0x3F  }
0x16d: {  	s8 =	sand.u32 $0xF, s2;
	s2 =	smov.u32 s7  }
0x16e: {  	v8 =	vmov s8  }
0x16f: {  	vm0 =	veq.s32 v8, v2  }
0x170: {  	v7 =	vnsel vm0, $0x0, v7  }
0x171: {  	(xrf0) =	vadd.scan.msk.s32 $0xffff, v7;
	_ =	sdelay $0x5  }
0x172: {  	v7, _, _ =	vpop (xrf0)  }
0x173: {  	(v2sf) =	vpush v7, $0xF;
	_ =	sdelay $0xe  }
0x174: {  	s8 =	spop (v2sf)  }
0x175: {  	s13 =	sshra.s32 s8, $0x1F  }
0x176: {  	s13 =	sshrl.u32 s13, $0x19  }
0x177: {  	s13 =	sadd.s32 s13, s8  }
0x178: {  	s12 =	sand.u32 $0xFFFFFF80, s13  }
0x179: {  	p1 =	slt.s32 s8, $0x1;
	p2 =	sne.s32 s8, s12  }
0x17a: {  	p1 =	por !p1, !p2  }
0x17b: {  	s12 =	sshrl.u32 s13, $0x7;
	s13 =	simm.s32 $0x1;
	p1 =	por !p1, !p1  }
0x17c: {  	s13 =	simm.s32 @!p1 $0x0  }
0x17d: {  	s8 =	sshll.u32 s8, $0xA;
	s12 =	ssub.s32 s12, s13  }
0x17e: {  	s8 =	sadd.s32 $0x20000, s8;
	s12 =	sshll.u32 s12, $0x15  }
0x17f: {  	s8 =	sand.u32 $0x1FC00, s8;
	s12 =	sor.u32 s10, s12  }
0x180: {  	s8 =	sor.u32 s8, s12  }
.Ltmp4:
0x181: {  	s8 =	sor.u32 s31, s8;
	(pc) =	sbr.rel @p0 .LBB2_11-.Ltmp4, $4  }
0x182: {  	s8 =	sshrl.u32 s8, $0x3  }
0x183: {  	s0 =	sadd.s32 $0x80, s0;
	s12 =	sand.u32 $0x30, s7;
	s8 =	sadd.s32 s4, s8  }
0x184: {  	[tilespmem:s0], [sflag:$0x1] =	stream.linear.gather [hbm4b:s8+s3], $0x80, $0x38;
	[tilespmem:$0xE200] =	vst v63  }
0x185: {  	s7 =	sadd.s32 $0x1, s7;
	v7 =	vld [tilespmem:s12+$0x6200]  }
0x186: {  	_ = 	snop  }
0x187: {  	s2 =	sand.u32 $0xF, s2  }
0x188: {  	v8 =	vmov s2  }
0x189: {  	vm0 =	veq.s32 v8, v2  }
0x18a: {  	v7 =	vnsel vm0, $0x0, v7  }
0x18b: {  	(xrf0) =	vadd.scan.msk.s32 $0xffff, v7;
	_ =	sdelay $0x5  }
0x18c: {  	v7, _, _ =	vpop (xrf0)  }
0x18d: {  	(v2sf) =	vpush v7, $0xF;
	_ =	sdelay $0xe  }
0x18e: {  	s13 =	spop (v2sf)  }
0x18f: {  	s7 =	sshra.s32 s13, $0x1F  }
0x190: {  	s7 =	sshrl.u32 s7, $0x19  }
0x191: {  	s7 =	sadd.s32 s7, s13  }
0x192: {  	s8 =	sand.u32 $0xFFFFFF80, s7  }
0x193: {  	p0 =	slt.s32 s13, $0x1;
	p1 =	sne.s32 s13, s8  }
0x194: {  	p0 =	por !p0, !p1  }
0x195: {  	v7 =	vld [tilespmem:$0x1FFD0];
	s8 =	simm.s32 $0x1;
	p0 =	por !p0, !p0  }
0x196: {  	s7 =	sshrl.u32 s7, $0x7;
	s8 =	simm.s32 @!p0 $0x0  }
0x197: {  	s2 =	sshll.u32 s13, $0xA;
	s7 =	ssub.s32 s7, s8  }
0x198: {  	s2 =	sadd.s32 $0x20000, s2;
	s7 =	sshll.u32 s7, $0x15  }
0x199: {  	s2 =	sand.u32 $0x1FC00, s2;
	s7 =	sor.u32 s10, s7  }
0x19a: {  	vm2 =	vnez.u8 v7;
	v7 =	vld [tilespmem:$0x1FFE0];
	s2 =	sor.u32 s2, s7  }
0x19b: {  	s2 =	sor.u32 s31, s2  }
0x19c: {  	s2 =	sshrl.u32 s2, $0x3  }
0x19d: {  	s0 =	sadd.s32 $0x80, s0;
	s2 =	sadd.s32 s4, s2  }
0x19e: {  	[tilespmem:s0], [sflag:$0x1] =	stream.linear.gather [hbm4b:s2+s3], $0x80, $0x38;
	[tilespmem:$0xE200] =	vst v63  }
0x19f: {  	vm15 =	vnez.u8 v7;
	s0 =	simm.s32 $0x40  }
.LBB2_13:
0x1a0: {  	p0 =	sne.s32 s0, $0x1  }
.Ltmp5:
0x1a1: {  	_ = 	snop;
	(pc) =	sbr.rel @p0 .LBB2_13-.Ltmp5, $4  }
0x1a2: {  	_ = 	snop  }
0x1a3: {  	_ =	swait.ge [sflag:s19], $0x80  }
0x1a4: {  	[sflag:s19] =	ssyncset.done $0x0  }
0x1a5: {  	s0 =	sadd.s32 $0xFFFFFFFF, s0;
	[sflag:s19] =	ssyncadd.s32 $0xFFFFFF80  }
0x1a6: {  	v9 =	vld [tilespmem:$0x1FFF0];
	_ =	sdelay $0x2  }
0x1a7: {  	s2 =	simm.s32 $0x1F80  }
0x1a8: {  	v8 =	vld [tilespmem:s2+$0xFFFFFF80]  }
0x1a9: {  	s0 =	simm.s32 $0x0;
	s13 =	simm.s32 $0x40;
	v7 =	vld [tilespmem:s2+$0xFFFFFF90];
	vm0 =	vnez.u8 v9  }
.LBB2_15:
0x1aa: {  	p0 =	sne.s32 s13, $0x7C0;
	v9 =	vld [tilespmem:s2+$0xFFFFFFA0]  }
0x1ab: {  	v10 =	vld [tilespmem:s2+$0xFFFFFFB0]  }
0x1ac: {  	v11 =	vld [tilespmem:s2+$0xFFFFFFC0]  }
0x1ad: {  	v12 =	vld [tilespmem:s2+$0xFFFFFFD0];
	(xrf0) =	vmin.scan.msk.f32 $0xffff, v8  }
0x1ae: {  	v8 =	vld [tilespmem:s2+$0xFFFFFFE0];
	(xrf0) =	vmin.scan.msk.f32 $0xffff, v7  }
0x1af: {  	v7 =	vld [tilespmem:s2+$0xFFFFFFF0];
	(xrf0) =	vmin.scan.msk.f32 $0xffff, v9  }
0x1b0: {  	v9 =	vld [tilespmem:s2+$0x0];
	(xrf0) =	vmin.scan.msk.f32 $0xffff, v10  }
0x1b1: {  	v10 =	vld [tilespmem:s2+$0x10];
	(xrf0) =	vmin.scan.msk.f32 $0xffff, v11  }
0x1b2: {  	v11 =	vld [tilespmem:s2+$0x20];
	(xrf0) =	vmin.scan.msk.f32 $0xffff, v12  }
0x1b3: {  	v12 =	vld [tilespmem:s2+$0x30];
	v13, _, _ =	vpop (xrf0);
	(xrf0) =	vmin.scan.msk.f32 $0xffff, v8  }
0x1b4: {  	v8 =	vld [tilespmem:s2+$0x40];
	v14, _, _ =	vpop (xrf0);
	(xrf0) =	vmin.scan.msk.f32 $0xffff, v7  }
0x1b5: {  	v7 =	vbroadcast v13, $0xF;
	v17 =	vbroadcast v14, $0xF;
	v14 =	vld [tilespmem:s2+$0x50];
	v15, _, _ =	vpop (xrf0);
	(xrf0) =	vmin.scan.msk.f32 $0xffff, v9  }
0x1b6: {  	v9 =	vbroadcast v15, $0xF;
	v15 =	vld [tilespmem:s2+$0x60];
	v16, _, _ =	vpop (xrf0);
	(xrf0) =	vmin.scan.msk.f32 $0xffff, v10  }
0x1b7: {  	v7 =	vsel vm2, v7, v17;
	v10 =	vbroadcast v16, $0xF;
	v13, _, _ =	vpop (xrf0);
	(xrf0) =	vmin.scan.msk.f32 $0xffff, v11  }
0x1b8: {  	v7 =	vsel vm15, v7, v9;
	v13 =	vbroadcast v13, $0xF;
	v11, _, _ =	vpop (xrf0);
	(xrf0) =	vmin.scan.msk.f32 $0xffff, v12  }
0x1b9: {  	v7 =	vsel vm0, v7, v10;
	v16 =	vbroadcast v11, $0xF;
	v11 =	vld [tilespmem:s2+$0x70];
	v12, _, _ =	vpop (xrf0);
	(xrf0) =	vmin.scan.msk.f32 $0xffff, v8  }
0x1ba: {  	v7 =	vsel vm3, v7, v13;
	v8 =	vbroadcast v12, $0xF;
	v9, _, _ =	vpop (xrf0);
	(xrf0) =	vmin.scan.msk.f32 $0xffff, v14  }
0x1bb: {  	v7 =	vsel vm4, v7, v16;
	v9 =	vbroadcast v9, $0xF;
	v10, _, _ =	vpop (xrf0);
	(xrf0) =	vmin.scan.msk.f32 $0xffff, v15  }
0x1bc: {  	v7 =	vsel vm5, v7, v8;
	v8 =	vbroadcast v10, $0xF;
	v10, _, _ =	vpop (xrf0)  }
0x1bd: {  	v7 =	vsel vm6, v7, v9;
	v9 =	vbroadcast v10, $0xF;
	v10, _, _ =	vpop (xrf0)  }
0x1be: {  	v7 =	vsel vm7, v7, v8;
	v8 =	vbroadcast v10, $0xF;
	v10, _, _ =	vpop (xrf0);
	(xrf0) =	vmin.scan.msk.f32 $0xffff, v11  }
0x1bf: {  	v7 =	vsel vm8, v7, v9;
	v9 =	vbroadcast v10, $0xF;
	v10, _, _ =	vpop (xrf0)  }
0x1c0: {  	v7 =	vsel vm9, v7, v8;
	v8 =	vbroadcast v10, $0xF;
	v10, _, _ =	vpop (xrf0)  }
0x1c1: {  	v7 =	vsel vm10, v7, v9;
	v9 =	vbroadcast v10, $0xF;
	v10, _, _ =	vpop (xrf0)  }
0x1c2: {  	v7 =	vsel vm11, v7, v8;
	v10 =	vbroadcast v10, $0xF  }
0x1c3: {  	v7 =	vsel vm12, v7, v9  }
.Ltmp6:
0x1c4: {  	v7 =	vsel vm13, v7, v10;
	v8, _, _ =	vpop (xrf0);
	(pc) =	sbr.rel @p0 .LBB2_15-.Ltmp6, $4  }
0x1c5: {  	s7 =	sshra.s32 s0, $0x2;
	s0 =	smov.u32 s13;
	v7 =	vsel vm14, v7, v8  }
0x1c6: {  	s2 =	sadd.s32 $0x100, s2;
	[tilespmem:s7+$0x5F00] =	vst v7  }
0x1c7: {  	v8 =	vld [tilespmem:s2+$0xFFFFFF80]  }
0x1c8: {  	s13 =	sadd.s32 $0x40, s13;
	v7 =	vld [tilespmem:s2+$0xFFFFFF90]  }
0x1c9: {  	v9 =	vld [tilespmem:s2+$0xFFFFFFA0]  }
0x1ca: {  	v10 =	vld [tilespmem:s2+$0xFFFFFFB0]  }
0x1cb: {  	v11 =	vld [tilespmem:s2+$0xFFFFFFC0]  }
0x1cc: {  	v12 =	vld [tilespmem:s2+$0xFFFFFFD0];
	(xrf0) =	vmin.scan.msk.f32 $0xffff, v8  }
0x1cd: {  	(xrf0) =	vmin.scan.msk.f32 $0xffff, v7  }
0x1ce: {  	v8 =	vld [tilespmem:s2+$0xFFFFFFE0];
	(xrf0) =	vmin.scan.msk.f32 $0xffff, v9  }
0x1cf: {  	v7 =	vld [tilespmem:s2+$0xFFFFFFF0];
	(xrf0) =	vmin.scan.msk.f32 $0xffff, v10  }
0x1d0: {  	v9 =	vld [tilespmem:s2+$0x0];
	(xrf0) =	vmin.scan.msk.f32 $0xffff, v11  }
0x1d1: {  	v10 =	vld [tilespmem:s2+$0x10];
	(xrf0) =	vmin.scan.msk.f32 $0xffff, v12  }
0x1d2: {  	v11 =	vld [tilespmem:s2+$0x20];
	v13, _, _ =	vpop (xrf0)  }
0x1d3: {  	(xrf0) =	vmin.scan.msk.f32 $0xffff, v8;
	v14, _, _ =	vpop (xrf0)  }
0x1d4: {  	v23 =	vld [tilespmem:s2+$0x30];
	(xrf0) =	vmin.scan.msk.f32 $0xffff, v7;
	v7 =	vbroadcast v13, $0xF;
	v24 =	vbroadcast v14, $0xF;
	v15, _, _ =	vpop (xrf0)  }
0x1d5: {  	v8 =	vld [tilespmem:s2+$0x40];
	(xrf0) =	vmin.scan.msk.f32 $0xffff, v9;
	v9 =	vbroadcast v15, $0xF;
	v16, _, _ =	vpop (xrf0)  }
0x1d6: {  	v25 =	vld [tilespmem:s2+$0x50];
	(xrf0) =	vmin.scan.msk.f32 $0xffff, v10;
	v7 =	vsel vm2, v7, v24;
	v10 =	vbroadcast v16, $0xF;
	v27, _, _ =	vpop (xrf0)  }
0x1d7: {  	v26 =	vld [tilespmem:s2+$0x60];
	(xrf0) =	vmin.scan.msk.f32 $0xffff, v11;
	v7 =	vsel vm15, v7, v9;
	v9 =	vbroadcast v27, $0xF;
	v11, _, _ =	vpop (xrf0)  }
0x1d8: {  	v7 =	vsel vm0, v7, v10;
	v10 =	vbroadcast v11, $0xF  }
0x1d9: {  	(xrf0) =	vmin.scan.msk.f32 $0xffff, v23  }
0x1da: {  	v28, _, _ =	vpop (xrf0);
	(xrf0) =	vmin.scan.msk.f32 $0xffff, v8  }
0x1db: {  	v7 =	vsel vm3, v7, v9;
	v8 =	vbroadcast v28, $0xF;
	v9, _, _ =	vpop (xrf0);
	(xrf0) =	vmin.scan.msk.f32 $0xffff, v25  }
0x1dc: {  	v11 =	vld [tilespmem:s2+$0x70];
	v7 =	vsel vm4, v7, v10;
	v9 =	vbroadcast v9, $0xF;
	v10, _, _ =	vpop (xrf0);
	(xrf0) =	vmin.scan.msk.f32 $0xffff, v26  }
0x1dd: {  	v7 =	vsel vm5, v7, v8;
	v8 =	vbroadcast v10, $0xF;
	v10, _, _ =	vpop (xrf0)  }
0x1de: {  	v7 =	vsel vm6, v7, v9;
	v9 =	vbroadcast v10, $0xF;
	v10, _, _ =	vpop (xrf0)  }
0x1df: {  	v7 =	vsel vm7, v7, v8;
	v8 =	vbroadcast v10, $0xF;
	v10, _, _ =	vpop (xrf0)  }
0x1e0: {  	v7 =	vsel vm8, v7, v9;
	v9 =	vbroadcast v10, $0xF;
	v10, _, _ =	vpop (xrf0)  }
0x1e1: {  	(xrf0) =	vmin.scan.msk.f32 $0xffff, v11;
	v7 =	vsel vm9, v7, v8;
	v8 =	vbroadcast v10, $0xF;
	v10, _, _ =	vpop (xrf0)  }
0x1e2: {  	v7 =	vsel vm10, v7, v9;
	v9 =	vbroadcast v10, $0xF;
	v10, _, _ =	vpop (xrf0)  }
0x1e3: {  	v7 =	vsel vm11, v7, v8;
	v8 =	vbroadcast v10, $0xF;
	_ =	sdelay $0x2  }
0x1e4: {  	v7 =	vsel vm12, v7, v9  }
0x1e5: {  	v7 =	vsel vm13, v7, v8;
	v8, _, _ =	vpop (xrf0)  }
0x1e6: {  	s0 =	sshra.s32 s0, $0x2;
	v7 =	vsel vm14, v7, v8  }
0x1e7: {  	[tilespmem:s0+$0x5F00] =	vst v7  }
0x1e8: {  	v7 =	vld [tilespmem:$0x5F00]  }
0x1e9: {  	v8 =	vld [tilespmem:$0x5F10]  }
0x1ea: {  	v9 =	vld [tilespmem:$0x5F20]  }
0x1eb: {  	v10 =	vld [tilespmem:$0x5F30]  }
0x1ec: {  	v11 =	vld [tilespmem:$0x5F40]  }
0x1ed: {  	(xrf0) =	vmin.scan.msk.f32 $0xffff, v7;
	v7 =	vld [tilespmem:$0x5F50]  }
0x1ee: {  	(xrf0) =	vmin.scan.msk.f32 $0xffff, v8;
	v8 =	vld [tilespmem:$0x5F60]  }
0x1ef: {  	(xrf0) =	vmin.scan.msk.f32 $0xffff, v9;
	v9 =	vld [tilespmem:$0x5F70]  }
0x1f0: {  	(xrf0) =	vmin.scan.msk.f32 $0xffff, v10;
	v10 =	vld [tilespmem:$0x5F80]  }
0x1f1: {  	(xrf0) =	vmin.scan.msk.f32 $0xffff, v11;
	v11 =	vld [tilespmem:$0x5F90]  }
0x1f2: {  	(xrf0) =	vmin.scan.msk.f32 $0xffff, v7;
	v7 =	vld [tilespmem:$0x5FA0]  }
0x1f3: {  	v29, _, _ =	vpop (xrf0);
	(xrf0) =	vmin.scan.msk.f32 $0xffff, v8;
	v8 =	vld [tilespmem:$0x5FB0]  }
0x1f4: {  	v30, _, _ =	vpop (xrf0);
	(xrf0) =	vmin.scan.msk.f32 $0xffff, v9;
	v9 =	vld [tilespmem:$0x5FC0]  }
0x1f5: {  	v31, _, _ =	vpop (xrf0);
	(xrf0) =	vmin.scan.msk.f32 $0xffff, v10;
	v10 =	vld [tilespmem:$0x5FD0]  }
0x1f6: {  	v32, _, _ =	vpop (xrf0);
	(xrf0) =	vmin.scan.msk.f32 $0xffff, v11;
	v11 =	vld [tilespmem:$0x5FE0]  }
0x1f7: {  	v33, _, _ =	vpop (xrf0);
	(xrf0) =	vmin.scan.msk.f32 $0xffff, v7;
	v7 =	vld [tilespmem:$0x5FF0]  }
0x1f8: {  	v17, _, _ =	vpop (xrf0);
	(xrf0) =	vmin.scan.msk.f32 $0xffff, v8;
	v8 =	vld [tilespmem:$0x6000]  }
0x1f9: {  	v18, _, _ =	vpop (xrf0);
	(xrf0) =	vmin.scan.msk.f32 $0xffff, v9;
	v9 =	vld [tilespmem:$0x6010]  }
0x1fa: {  	v19, _, _ =	vpop (xrf0);
	(xrf0) =	vmin.scan.msk.f32 $0xffff, v10;
	v10 =	vld [tilespmem:$0x6020]  }
0x1fb: {  	v20, _, _ =	vpop (xrf0);
	(xrf0) =	vmin.scan.msk.f32 $0xffff, v11;
	v11 =	vld [tilespmem:$0x6030]  }
0x1fc: {  	v21, _, _ =	vpop (xrf0);
	(xrf0) =	vmin.scan.msk.f32 $0xffff, v7;
	v7 =	vld [tilespmem:$0x6040]  }
0x1fd: {  	v22, _, _ =	vpop (xrf0);
	(xrf0) =	vmin.scan.msk.f32 $0xffff, v8;
	v8 =	vld [tilespmem:$0x6050]  }
0x1fe: {  	v23, _, _ =	vpop (xrf0);
	(xrf0) =	vmin.scan.msk.f32 $0xffff, v9;
	v9 =	vld [tilespmem:$0x6060]  }
0x1ff: {  	v24, _, _ =	vpop (xrf0);
	(xrf0) =	vmin.scan.msk.f32 $0xffff, v10;
	v10 =	vld [tilespmem:$0x6070]  }
0x200: {  	v12 =	vbroadcast v29, $0xF;
	v13 =	vbroadcast v30, $0xF;
	v35, _, _ =	vpop (xrf0);
	(xrf0) =	vmin.scan.msk.f32 $0xffff, v11;
	v11 =	vld [tilespmem:$0x6080]  }
0x201: {  	v14 =	vbroadcast v31, $0xF;
	v37, _, _ =	vpop (xrf0);
	(xrf0) =	vmin.scan.msk.f32 $0xffff, v7;
	v7 =	vld [tilespmem:$0x6090]  }
0x202: {  	v12 =	vsel vm2, v12, v13;
	v34 =	vbroadcast v32, $0xF;
	v39, _, _ =	vpop (xrf0);
	(xrf0) =	vmin.scan.msk.f32 $0xffff, v8;
	v8 =	vld [tilespmem:$0x60A0]  }
0x203: {  	v12 =	vsel vm15, v12, v14;
	v36 =	vbroadcast v33, $0xF;
	v41, _, _ =	vpop (xrf0);
	(xrf0) =	vmin.scan.msk.f32 $0xffff, v9;
	v9 =	vld [tilespmem:$0x60B0]  }
0x204: {  	v12 =	vsel vm0, v12, v34;
	v38 =	vbroadcast v17, $0xF;
	v44, _, _ =	vpop (xrf0);
	(xrf0) =	vmin.scan.msk.f32 $0xffff, v10;
	v10 =	vld [tilespmem:$0x60C0]  }
0x205: {  	v12 =	vsel vm3, v12, v36;
	v45 =	vbroadcast v41, $0xF;
	v46 =	vbroadcast v44, $0xF;
	v47, _, _ =	vpop (xrf0);
	(xrf0) =	vmin.scan.msk.f32 $0xffff, v11;
	v11 =	vld [tilespmem:$0x60D0]  }
0x206: {  	v40 =	vbroadcast v18, $0xF;
	v12 =	vsel vm4, v12, v38;
	v48 =	vbroadcast v47, $0xF;
	v49, _, _ =	vpop (xrf0);
	(xrf0) =	vmin.scan.msk.f32 $0xffff, v7;
	v7 =	vld [tilespmem:$0x60E0]  }
0x207: {  	v42 =	vbroadcast v19, $0xF;
	v14 =	vsel vm2, v45, v46;
	v50, _, _ =	vpop (xrf0);
	(xrf0) =	vmin.scan.msk.f32 $0xffff, v8;
	v8 =	vbroadcast v49, $0xF  }
0x208: {  	v43 =	vbroadcast v20, $0xF;
	v13 =	vsel vm15, v14, v48;
	v51, _, _ =	vpop (xrf0);
	(xrf0) =	vmin.scan.msk.f32 $0xffff, v9;
	v18 =	vbroadcast v50, $0xF  }
0x209: {  	v12 =	vsel vm5, v12, v40;
	v8 =	vsel vm0, v13, v8;
	v53 =	vbroadcast v51, $0xF;
	v54, _, _ =	vpop (xrf0);
	(xrf0) =	vmin.scan.msk.f32 $0xffff, v10  }
0x20a: {  	v12 =	vsel vm6, v12, v42;
	v8 =	vsel vm3, v8, v18;
	v55, _, _ =	vpop (xrf0);
	(xrf0) =	vmin.scan.msk.f32 $0xffff, v11;
	v11 =	vbroadcast v54, $0xF  }
0x20b: {  	v12 =	vsel vm7, v12, v43;
	v10 =	vld [tilespmem:$0x60F0];
	v8 =	vsel vm4, v8, v53;
	v56, _, _ =	vpop (xrf0);
	(xrf0) =	vmin.scan.msk.f32 $0xffff, v7;
	v7 =	vbroadcast v55, $0xF  }
0x20c: {  	v9 =	vbroadcast v21, $0xF;
	v8 =	vsel vm5, v8, v11;
	v11 =	vbroadcast v56, $0xF;
	v58, _, _ =	vpop (xrf0)  }
0x20d: {  	v52 =	vbroadcast v22, $0xF;
	v57 =	vbroadcast v23, $0xF;
	v7 =	vsel vm6, v8, v7;
	v60, _, _ =	vpop (xrf0)  }
0x20e: {  	v9 =	vsel vm8, v12, v9;
	v7 =	vsel vm7, v7, v11;
	v11 =	vbroadcast v60, $0xF  }
0x20f: {  	v59 =	vbroadcast v24, $0xF;
	v9 =	vsel vm9, v9, v52;
	v8 =	vbroadcast v58, $0xF  }
0x210: {  	v62 =	vbroadcast v35, $0xF;
	v63 =	vbroadcast v37, $0xF;
	v9 =	vsel vm10, v9, v57;
	v61, _, _ =	vpop (xrf0);
	(xrf0) =	vmin.scan.msk.f32 $0xffff, v10  }
0x211: {  	v9 =	vsel vm11, v9, v59;
	v7 =	vsel vm8, v7, v8;
	v8 =	vbroadcast v61, $0xF;
	v10, _, _ =	vpop (xrf0)  }
0x212: {  	v9 =	vsel vm12, v9, v62;
	v7 =	vsel vm9, v7, v11;
	v10 =	vbroadcast v10, $0xF;
	v11, _, _ =	vpop (xrf0)  }
0x213: {  	v9 =	vsel vm13, v9, v63;
	v7 =	vsel vm10, v7, v8;
	v8 =	vbroadcast v11, $0xF;
	v11, _, _ =	vpop (xrf0)  }
0x214: {  	v7 =	vsel vm11, v7, v10;
	v10 =	vbroadcast v11, $0xF  }
0x215: {  	v7 =	vsel vm12, v7, v8  }
0x216: {  	v8 =	vsel vm14, v9, v39;
	v9, _, _ =	vpop (xrf0);
	v7 =	vsel vm13, v7, v10  }
0x217: {  	[tilespmem:$0x6100] =	vst v8;
	v7 =	vsel vm14, v7, v9  }
0x218: {  	[tilespmem:$0x6110] =	vst v7;
	v7 =	vld [tilespmem:$0x6100]  }
0x219: {  	v8 =	vld [tilespmem:$0x6110];
	_ =	sdelay $0x4  }
0x21a: {  	v9 =	vmin.f32 v7, v8  }
0x21b: {  	(xrf0) =	vmin.scan.msk.f32 $0xffff, v9;
	_ =	sdelay $0x5  }
0x21c: {  	v9, _, _ =	vpop (xrf0)  }
0x21d: {  	v9 =	vbroadcast v9, $0xF;
	_ =	sdelay $0x1  }
0x21e: {  	vm0 =	vle.f32 v8, v9  }
0x21f: {  	v8 =	vnsel vm0, $0xC0000000, v5;
	vm0 =	vle.f32 v7, v9  }
0x220: {  	v7 =	vsel vm0, v6, v8  }
0x221: {  	(xrf0) =	vmin.scan.msk.u32 $0xffff, v7;
	_ =	sdelay $0x5  }
0x222: {  	v7, _, _ =	vpop (xrf0)  }
0x223: {  	(v2sf) =	vpush v7, $0xF;
	_ =	sdelay $0xe  }
0x224: {  	s0 =	spop (v2sf)  }
0x225: {  	s2 =	sshll.u32 s0, $0x4  }
0x226: {  	v7 =	vld [tilespmem:s2+$0x5F00];
	_ =	sdelay $0x4  }
0x227: {  	vm0 =	vle.f32 v7, v9  }
0x228: {  	v8 =	vnsel vm0, $0xC0000000, v6  }
0x229: {  	(xrf0) =	vmin.scan.msk.u32 $0xffff, v8;
	_ =	sdelay $0x5  }
0x22a: {  	v8, _, _ =	vpop (xrf0)  }
0x22b: {  	(v2sf) =	vpush v8, $0xF;
	_ =	sdelay $0xe  }
0x22c: {  	s7 =	spop (v2sf)  }
0x22d: {  	s8 =	sadd.s32 s7, s2  }
0x22e: {  	s8 =	sshll.u32 s8, $0x4  }
0x22f: {  	v8 =	vld [tilespmem:s8+$0x1F00];
	_ =	sdelay $0x4  }
0x230: {  	vm0 =	vle.f32 v8, v9  }
0x231: {  	v10 =	vnsel vm0, $0xC0000000, v6  }
0x232: {  	(xrf0) =	vmin.scan.msk.u32 $0xffff, v10;
	_ =	sdelay $0x5  }
0x233: {  	v10, _, _ =	vpop (xrf0)  }
0x234: {  	(v2sf) =	vpush v10, $0xF;
	_ =	sdelay $0xe  }
0x235: {  	s12 =	spop (v2sf)  }
0x236: {  	s12 =	sxor.u32 $0x80000000, s12  }
0x237: {  	v10 =	vmov s12  }
0x238: {  	vm0 =	veq.s32 v10, v2  }
0x239: {  	v8 =	vsel vm0, $0x7F61B1E6, v8  }
0x23a: {  	(xrf0) =	vmin.scan.msk.f32 $0xffff, v8;
	_ =	sdelay $0x5  }
0x23b: {  	s7 =	sxor.u32 $0x80000000, s7;
	v10, _, _ =	vpop (xrf0)  }
0x23c: {  	v11 =	vmov s7;
	v10 =	vbroadcast v10, $0xF  }
0x23d: {  	s13 =	simm.s32 $0x0;
	vm0 =	veq.s32 v11, v2  }
0x23e: {  	v7 =	vsel vm0, v10, v7;
	v10 =	vmov s13;
	_ =	sdelay $0x2  }
0x23f: {  	s12 =	sadd.s32 s12, s8  }
0x240: {  	v11 =	vmov s12;
	(xrf0) =	vmin.scan.msk.f32 $0xffff, v7  }
0x241: {  	[tilespmem:v10+s16+$0x0] =	vst.idx.msk $0x1, v11  }
0x242: {  	[tilespmem:v10+s20+$0x0] =	vst.idx.msk $0x1, v9  }
0x243: {  	s13 =	sxor.u32 $0x80000000, s0;
	[tilespmem:s8+$0x1F00] =	vst v8  }
0x244: {  	[tilespmem:s2+$0x5F00] =	vst v7;
	v7 =	vmov s13;
	_ =	sdelay $0x1  }
0x245: {  	v8, _, _ =	vpop (xrf0)  }
0x246: {  	s0 =	simm.s32 $0x1;
	v8 =	vbroadcast v8, $0xF  }
.LBB2_17:
0x247: {  	_ = 	snop  }
0x248: {  	p0 =	sne.s32 s0, $0x3F;
	s2 =	smov.u32 s0;
	s0 =	sadd.s32 $0x1, s0;
	[tilespmem:v7+s17+$0x0] =	vst.idx.msk $0x1, v8  }
0x249: {  	v8 =	vld [tilespmem:$0x6100]  }
0x24a: {  	v9 =	vld [tilespmem:$0x6110];
	_ =	sdelay $0x4  }
0x24b: {  	v7 =	vmin.f32 v8, v9  }
0x24c: {  	(xrf0) =	vmin.scan.msk.f32 $0xffff, v7;
	_ =	sdelay $0x5  }
0x24d: {  	v7, _, _ =	vpop (xrf0)  }
0x24e: {  	v7 =	vbroadcast v7, $0xF;
	_ =	sdelay $0x1  }
0x24f: {  	vm0 =	vle.f32 v8, v7;
	vm1 =	vle.f32 v9, v7  }
0x250: {  	v8 =	vnsel vm1, $0xC0000000, v5  }
0x251: {  	v8 =	vsel vm0, v6, v8  }
0x252: {  	(xrf0) =	vmin.scan.msk.u32 $0xffff, v8;
	_ =	sdelay $0x5  }
0x253: {  	v8, _, _ =	vpop (xrf0)  }
0x254: {  	(v2sf) =	vpush v8, $0xF;
	_ =	sdelay $0xe  }
0x255: {  	s7 =	spop (v2sf)  }
0x256: {  	s13 =	sxor.u32 $0x80000000, s7;
	s7 =	sshll.u32 s7, $0x4  }
0x257: {  	v8 =	vld [tilespmem:s7+$0x5F00];
	_ =	sdelay $0x4  }
0x258: {  	vm0 =	vle.f32 v8, v7  }
0x259: {  	v9 =	vnsel vm0, $0xC0000000, v6  }
0x25a: {  	(xrf0) =	vmin.scan.msk.u32 $0xffff, v9;
	_ =	sdelay $0x5  }
0x25b: {  	v9, _, _ =	vpop (xrf0)  }
0x25c: {  	(v2sf) =	vpush v9, $0xF;
	_ =	sdelay $0xe  }
0x25d: {  	s8 =	spop (v2sf)  }
0x25e: {  	s12 =	sxor.u32 $0x80000000, s8;
	s8 =	sadd.s32 s8, s7  }
0x25f: {  	s8 =	sshll.u32 s8, $0x4;
	v9 =	vmov s12  }
0x260: {  	v10 =	vld [tilespmem:s8+$0x1F00];
	_ =	sdelay $0x4  }
0x261: {  	vm0 =	vle.f32 v10, v7  }
0x262: {  	v11 =	vnsel vm0, $0xC0000000, v6  }
0x263: {  	(xrf0) =	vmin.scan.msk.u32 $0xffff, v11;
	_ =	sdelay $0x5  }
0x264: {  	v11, _, _ =	vpop (xrf0)  }
0x265: {  	(v2sf) =	vpush v11, $0xF;
	_ =	sdelay $0xd  }
0x266: {  	v11 =	vmov s2  }
0x267: {  	s2 =	spop (v2sf)  }
0x268: {  	s2 =	sxor.u32 $0x80000000, s2  }
0x269: {  	s12 =	sadd.s32 s2, s8;
	v12 =	vmov s2  }
0x26a: {  	v13 =	vmov s12;
	vm0 =	veq.s32 v12, v2  }
0x26b: {  	[tilespmem:v11+s16+$0x0] =	vst.idx.msk $0x1, v13;
	v10 =	vsel vm0, $0x7F61B1E6, v10  }
0x26c: {  	[tilespmem:v11+s20+$0x0] =	vst.idx.msk $0x1, v7;
	(xrf0) =	vmin.scan.msk.f32 $0xffff, v10  }
0x26d: {  	[tilespmem:s8+$0x1F00] =	vst v10;
	_ =	sdelay $0x4  }
0x26e: {  	v7, _, _ =	vpop (xrf0)  }
0x26f: {  	v7 =	vbroadcast v7, $0xF  }
0x270: {  	vm0 =	veq.s32 v9, v2  }
0x271: {  	v7 =	vsel vm0, v7, v8  }
0x272: {  	[tilespmem:s7+$0x5F00] =	vst v7;
	(xrf0) =	vmin.scan.msk.f32 $0xffff, v7;
	_ =	sdelay $0x2  }
.Ltmp7:
0x273: {  	(pc) =	sbr.rel @p0 .LBB2_17-.Ltmp7, $3  }
0x274: {  	v7 =	vmov s13;
	_ =	sdelay $0x1  }
0x275: {  	v8, _, _ =	vpop (xrf0)  }
0x276: {  	v8 =	vbroadcast v8, $0xF  }
0x277: {  	_ =	sdelay $0x3  }
0x278: {  	[tilespmem:v7+s17+$0x0] =	vst.idx.msk $0x1, v8  }
0x279: {  	v5 =	vld [tilespmem:$0x6180];
	_ =	sdelay $0x4  }
0x27a: {  	v6 =	vshra.s32 v5, $0x7;
	_ =	sdelay $0x3  }
0x27b: {  	v7 =	vld [tilespmem:$0x6190]  }
0x27c: {  	v6 =	vld.idx.msk [tilespmem:v6+s18+$0x0], $0xffff;
	_ =	sdelay $0x3  }
0x27d: {  	v56 =	vshra.s32 v7, $0x7  }
0x27e: {  	v5 =	vand.u32 $0x7F, v5;
	v6 =	vshll.u32 v6, $0x7  }
0x27f: {  	v5 =	vor.u32 v5, v6  }
0x280: {  	[tilespmem:$0x6300] =	vst v5;
	v5 =	vshra.s32 v6, $0x7  }
0x281: {  	[tilespmem:$0x6280] =	vst v5;
	v5 =	vld [tilespmem:$0x61A0]  }
0x282: {  	v6 =	vld.idx.msk [tilespmem:v56+s18+$0x0], $0xffff;
	_ =	sdelay $0x3  }
0x283: {  	v57 =	vshra.s32 v5, $0x7  }
0x284: {  	v7 =	vand.u32 $0x7F, v7;
	v6 =	vshll.u32 v6, $0x7  }
0x285: {  	v7 =	vor.u32 v7, v6  }
0x286: {  	v6 =	vshra.s32 v6, $0x7;
	[tilespmem:$0x6310] =	vst v7  }
0x287: {  	[tilespmem:$0x6290] =	vst v6;
	v6 =	vld [tilespmem:$0x61B0]  }
0x288: {  	v7 =	vld.idx.msk [tilespmem:v57+s18+$0x0], $0xffff;
	_ =	sdelay $0x3  }
0x289: {  	v58 =	vshra.s32 v6, $0x7  }
0x28a: {  	v5 =	vand.u32 $0x7F, v5;
	v7 =	vshll.u32 v7, $0x7  }
0x28b: {  	v5 =	vor.u32 v5, v7  }
0x28c: {  	[tilespmem:$0x6320] =	vst v5;
	v5 =	vshra.s32 v7, $0x7  }
0x28d: {  	[tilespmem:$0x62A0] =	vst v5  }
0x28e: {  	v5 =	vld.idx.msk [tilespmem:v58+s18+$0x0], $0xffff;
	_ =	sdelay $0x4  }
0x28f: {  	v6 =	vand.u32 $0x7F, v6;
	v5 =	vshll.u32 v5, $0x7  }
0x290: {  	v6 =	vor.u32 v6, v5  }
0x291: {  	v5 =	vshra.s32 v5, $0x7;
	[tilespmem:$0x6330] =	vst v6  }
0x292: {  	[tilespmem:$0x62B0] =	vst v5  }
0x293: {  	[tilespmem:s23], [sflag:$0x1] =	stream.indirect.gather [hbm4b:s6+s21], $0x80, s22, s21, $0xb8;
	[tilespmem:$0xE200] =	vst v63  }
0x294: {  	_ =	swait.ge [sflag:s19], $0x2000  }
0x295: {  	[sflag:s19] =	ssyncset.done $0x0  }
0x296: {  	[sflag:s19] =	ssyncadd.s32 $0xFFFFE000  }
0x297: {  	v5 =	vld [tilespmem:$0x6380]  }
0x298: {  	v6 =	vld [tilespmem:$0x6390]  }
0x299: {  	v7 =	vld [tilespmem:$0x63A0]  }
0x29a: {  	v59 =	vld [tilespmem:$0x63B0];
	_ =	sdelay $0x2  }
0x29b: {  	v5 =	vsub.f32 $0.0e+00, v5;
	v6 =	vsub.f32 $0.0e+00, v6  }
0x29c: {  	v7 =	vsub.f32 $0.0e+00, v7  }
0x29d: {  	v8 =	vsub.f32 $0.0e+00, v59;
	v5 =	vmul.f32 v5, v4;
	v6 =	vmul.f32 v6, v4  }
0x29e: {  	v7 =	vmul.f32 v7, v4  }
0x29f: {  	v8 =	vmul.f32 v8, v4;
	v9 =	vmax.f32 v5, v6  }
0x2a0: {  	v9 =	vmax.f32 v9, v7  }
0x2a1: {  	v9 =	vmax.f32 v9, v8  }
0x2a2: {  	(xrf0) =	vmax.scan.msk.f32 $0xffff, v9;
	_ =	sdelay $0x5  }
0x2a3: {  	v9, _, _ =	vpop (xrf0)  }
0x2a4: {  	v9 =	vbroadcast v9, $0xF;
	_ =	sdelay $0x1  }
0x2a5: {  	v5 =	vsub.f32 v5, v9  }
0x2a6: {  	v6 =	vsub.f32 v6, v9  }
0x2a7: {  	v5 =	vmul.f32 $1.442695020e+00, v5  }
0x2a8: {  	v7 =	vsub.f32 v7, v9;
	v6 =	vmul.f32 $1.442695020e+00, v6  }
0x2a9: {  	(erf) = vpow2.f32 v5  }
0x2aa: {  	v5 =	vmul.f32 $1.442695020e+00, v7;
	(erf) = vpow2.f32 v6;
	v6 =	vsub.f32 v8, v9;
	_ =	sdelay $0x1  }
0x2ab: {  	(erf) = vpow2.f32 v5;
	v5 =	vmul.f32 $1.442695020e+00, v6;
	_ =	sdelay $0x1  }
0x2ac: {  	(erf) = vpow2.f32 v5;
	_ =	sdelay $0x3  }
0x2ad: {  	v5 =	vpop (erf)  }
0x2ae: {  	v6 =	vpop (erf)  }
0x2af: {  	v7 =	vadd.f32 v6, v5  }
0x2b0: {  	v60 =	vpop (erf)  }
0x2b1: {  	v7 =	vadd.f32 v7, v60  }
0x2b2: {  	v61 =	vpop (erf)  }
0x2b3: {  	v7 =	vadd.f32 v7, v61;
	_ =	sdelay $0x1  }
0x2b4: {  	(xrf2) =	vadd.scan.msk.f32 $0xffff, v7;
	_ =	sdelay $0x8  }
0x2b5: {  	p0 =	seq.s32 s30, $0x0  }
0x2b6: {  	s0 =	simm.s32 @!p0 $0x3;
	v7, _, _ =	vpop (xrf2)  }
0x2b7: {  	_ =	swait.ge @!p0 [sflag:s0], $0x7D00  }
0x2b8: {  	[sflag:s0] =	ssyncset.done @!p0 $0x0  }
0x2b9: {  	[sflag:s0] =	ssyncadd.s32 @!p0 $0xFFFF8300  }
0x2ba: {  	v10 =	vld @!p0 [tilespmem:$0x6400];
	_ =	sdelay $0x6  }
0x2bb: {  	v11 =	vimm.f32 @!p0 $0.0e+00;
	s0 =	simm.s32 @!p0 $0x6480  }
0x2bc: {  	[tilespmem:v10+s0+$0x0] =	vst.idx.msk @!p0 $0xffff, v11  }
0x2bd: {  	v10 =	vld @!p0 [tilespmem:$0x6410];
	_ =	sdelay $0x7  }
0x2be: {  	[tilespmem:v10+s0+$0x0] =	vst.idx.msk @!p0 $0xffff, v11  }
0x2bf: {  	v10 =	vld @!p0 [tilespmem:$0x6420];
	_ =	sdelay $0x7  }
0x2c0: {  	[tilespmem:v10+s0+$0x0] =	vst.idx.msk @!p0 $0xffff, v11  }
0x2c1: {  	v10 =	vld @!p0 [tilespmem:$0x6430];
	_ =	sdelay $0x7  }
0x2c2: {  	[tilespmem:v10+s0+$0x0] =	vst.idx.msk @!p0 $0xffff, v11  }
0x2c3: {  	v10 =	vld [tilespmem:$0x6300];
	_ =	sdelay $0x3  }
0x2c4: {  	v62 =	vmul.u32 $0x80, v2  }
0x2c5: {  	v7 =	vbroadcast v7, $0xF;
	v10 =	vand.u32 $0x7F, v10  }
0x2c6: {  	v10 =	vor.u32 v62, v10  }
0x2c7: {  	(erf) = vrcp.f32 v7;
	_ =	sdelay $0x3  }
0x2c8: {  	v7 =	vld.idx.msk [tilespmem:v10+s23+$0x0], $0xffff;
	_ =	sdelay $0x4  }
0x2c9: {  	v63 =	vpop (erf)  }
0x2ca: {  	v5 =	vmul.f32 v63, v5;
	_ =	sdelay $0x1  }
0x2cb: {  	[tilespmem:v7+s24+$0x0] =	vst.idx.add.f32.msk $0xffff, v5  }
0x2cc: {  	v5 =	vld [tilespmem:$0x6310];
	_ =	sdelay $0x4  }
0x2cd: {  	v12 =	vor.u32 $0x800, v62;
	v5 =	vand.u32 $0x7F, v5  }
0x2ce: {  	v5 =	vor.u32 v12, v5;
	_ =	sdelay $0x3  }
0x2cf: {  	[tilespmem:$0x6400] =	vst v7  }
0x2d0: {  	v5 =	vld.idx.msk [tilespmem:v5+s23+$0x0], $0xffff;
	_ =	sdelay $0x5  }
0x2d1: {  	v6 =	vmul.f32 v63, v6;
	_ =	sdelay $0x1  }
0x2d2: {  	[tilespmem:v5+s24+$0x0] =	vst.idx.add.f32.msk $0xffff, v6  }
0x2d3: {  	v6 =	vld [tilespmem:$0x6320];
	_ =	sdelay $0x4  }
0x2d4: {  	v7 =	vor.u32 $0x1000, v62;
	v6 =	vand.u32 $0x7F, v6  }
0x2d5: {  	v6 =	vor.u32 v7, v6;
	_ =	sdelay $0x3  }
0x2d6: {  	[tilespmem:$0x6410] =	vst v5  }
0x2d7: {  	v5 =	vld.idx.msk [tilespmem:v6+s23+$0x0], $0xffff;
	_ =	sdelay $0x5  }
0x2d8: {  	v6 =	vmul.f32 v63, v60;
	_ =	sdelay $0x1  }
0x2d9: {  	[tilespmem:v5+s24+$0x0] =	vst.idx.add.f32.msk $0xffff, v6  }
0x2da: {  	v6 =	vld [tilespmem:$0x6330];
	_ =	sdelay $0x4  }
0x2db: {  	v7 =	vor.u32 $0x1800, v62;
	v6 =	vand.u32 $0x7F, v6  }
0x2dc: {  	v6 =	vor.u32 v7, v6;
	_ =	sdelay $0x3  }
0x2dd: {  	[tilespmem:$0x6420] =	vst v5  }
0x2de: {  	v5 =	vld.idx.msk [tilespmem:v6+s23+$0x0], $0xffff;
	_ =	sdelay $0x5  }
0x2df: {  	v6 =	vmul.f32 v63, v61;
	_ =	sdelay $0x1  }
0x2e0: {  	s30 =	sadd.s32 $0x1, s30;
	[tilespmem:v5+s24+$0x0] =	vst.idx.add.f32.msk $0xffff, v6  }
0x2e1: {  	p0 =	sne.s32 s30, $0x4;
	[tilespmem:$0x6430] =	vst v5;
	v5 =	vld [tilespmem:$0x1FFF0]  }
.Ltmp8:
0x2e2: {  	_ = 	snop;
	(pc) =	sbr.rel @p0 .LBB2_4-.Ltmp8, $4  }
0x2e3: {  	s31 =	sor.u32 s11, s31  }
0x2e4: {  	s0 =	sshrl.u32 s31, $0x3  }
0x2e5: {  	s0 =	sadd.s32 s1, s0  }
0x2e6: {  	[hbm4b:s0+s25] =	stream.strided.scatter [tilespmem:s24], [sflag:$0x3], $0x7D00, s26, s25, $0x38;
	vm0 =	vnez.u8 v5;
	[tilespmem:$0xE200] =	vst v63  }
0x2e7: {  	_ =	swait.ge [sflag:s28], $0x7D00  }
0x2e8: {  	s29 =	sadd.s32 $0x1, s29;
	s0 =	rddreg [dreg:$0x5]  }
0x2e9: {  	p0 =	sne.s32 s29, s0  }
.Ltmp9:
0x2ea: {  	_ = 	snop;
	(pc) =	sbr.rel @p0 .LBB2_1-.Ltmp9, $3  }
0x2eb: {  	_ =	sdelay $0x1  }
0x2ec: {  	[sflag:s28] =	ssyncset.done $0x0  }
0x2ed: {  	[sflag:s28] =	ssyncadd.s32 $0xFFFF8300  }
0x2ee: {  	_ =	sfence.sel $0x180000  }
0x2ef: {  	[bflag:$0x0] =	sbarrier.arrive $0xFFFF  }
0x2f0: {  	_ =	strace $0x90000047  }
0x2f1: {  	s0 =	stileid.u32;
	[bflag:$0x2] =	sbarrier.arrive $0xFFFF  }
0x2f2: {  	p0 =	sne.s32 s0, $0x0;
	s0 =	rddreg [dreg:$0x2]  }
0x2f3: {  	s0 =	sadd.s32 @!p0 $0x100000, s0  }
0x2f4: {  	[sflag:s0] =	ssyncadd.tile.s32 @!p0 $0x1;
	_ =	shalt  }
.Lfunc_end2:
_tile_overlayer_lowered:
.L_overlay_start_2:
0x2f5: {  	(tag) =	ssettag $0x2  }
0x2f6: {  	s0 =	rddreg [dreg:$0x0];
	s2 =	stileid.u32  }
0x2f7: {  	s1 =	rddreg [dreg:$0x1];
	p0 =	sne.s32 s2, $0x0  }
0x2f8: {  	s3 =	rddreg [dreg:$0x2];
	[bflag:$0x3] =	sbarrier.arrive $0xFFFF;
	s2 =	simm.s32 @!p0 $0x1C04  }
0x2f9: {  	[timem:s3], [sflag:s2] =	dma.local @!p0 [hbm:s0], s1  }
0x2fa: {  	s0 =	simm.s32 @!p0 $0x4  }
0x2fb: {  	_ =	swait.ge @!p0 [sflag:s0], s1  }
0x2fc: {  	s1 =	ssub.s32 @!p0 $0x0, s1;
	[sflag:s0] =	ssyncset.done @!p0 $0x0  }
0x2fd: {  	[sflag:s0] =	ssyncadd.s32 @!p0 s1  }
0x2fe: {  	[bflag:$0x3] =	sbarrier.arrive $0xFFFF  }
0x2ff: {  	_ =	shalt  }

</sc_bundles>
